<compile_context>
chip_gen: v7x
topology: tpu7x:2x2x1
jax: 0.10.2.dev20260603
libtpu: 0.0.44.dev20260713+nightly
codegen_flags: <defaults>
</compile_context>

<pallas_src>
import functools

import jax
import jax.numpy as jnp
from jax import lax
from jax.experimental import pallas as pl
from jax.experimental.pallas import tpu as pltpu
from jax.experimental.pallas import tpu_sc as plsc

_BM = 2048


def _argmax_body(a_ref, b_ref, idx_ref):
    C = a_ref.shape[-1] // 2
    an = a_ref[0][:, :C]
    bn = b_ref[0][:, C:]
    s = lax.dot_general(an, bn, (((1,), (1,)), ((), ())),
                        preferred_element_type=jnp.float32)
    idx_ref[0] = jnp.argmax(s, axis=1)[:, None]


def _node_argmax(m2_bf):
    B, Th, C2 = m2_bf.shape
    grid = (B, Th // _BM)
    return pl.pallas_call(
        _argmax_body,
        grid=grid,
        in_specs=[
            pl.BlockSpec((1, _BM, C2), lambda b, rb: (b, rb, 0)),
            pl.BlockSpec((1, Th, C2), lambda b, rb: (b, 0, 0)),
        ],
        out_specs=pl.BlockSpec((1, _BM, 1), lambda b, rb: (b, rb, 0)),
        out_shape=jax.ShapeDtypeStruct((B, Th, 1), jnp.int32),
    )(m2_bf, m2_bf)


_NC, _NS = 2, 16
_HALF = 128


def _make_merge(B, Th, C):
    CHUNK = Th // _NS
    NH = CHUNK // _HALF
    NQ = CHUNK // 64
    mesh = plsc.VectorSubcoreMesh(core_axis_name="c", subcore_axis_name="s")

    @functools.partial(
        pl.kernel,
        mesh=mesh,
        out_type=(
            jax.ShapeDtypeStruct((B, Th, C), jnp.float32),
            jax.ShapeDtypeStruct((B, Th // 64, 32, 4, C), jnp.float32),
        ),
        scratch_types=[
            pltpu.VMEM((CHUNK, C), jnp.float32),
            pltpu.VMEM((CHUNK, 16), jnp.float32),
            pltpu.VMEM((NH, _HALF), jnp.int32),
            pltpu.VMEM((NH, _HALF), jnp.int32),
            pltpu.VMEM((CHUNK, 16), jnp.float32),
            pltpu.VMEM((32, C), jnp.float32),
            pltpu.VMEM_SHARED((Th, C), jnp.float32),
            pltpu.VMEM_SHARED((Th, 16), jnp.float32),
        ],
        compiler_params=pltpu.CompilerParams(use_tc_tiling_on_sc=False),
    )
    def merge(x4_hbm, isc_hbm, ig_hbm, merged_hbm, unm_hbm,
              srcv, cntv, iscv, igv, onesv, zv, acc_s, cnt_s):
        c = lax.axis_index("c")
        s = lax.axis_index("s")
        base = s * CHUNK

        def _fill(i, _):
            onesv[i, :] = jnp.full((16,), 1.0, jnp.float32)
            return 0

        lax.fori_loop(0, CHUNK, _fill, 0)

        def _zfill(i, _):
            for k in range(C // 16):
                zv[i, pl.ds(16 * k, 16)] = jnp.zeros((16,), jnp.float32)
            return 0

        lax.fori_loop(0, 32, _zfill, 0)

        for bi in range(2):
            b = c + 2 * bi
            pltpu.sync_copy(x4_hbm.at[b, pl.ds(base, CHUNK), 1], srcv)
            pltpu.sync_copy(srcv, acc_s.at[pl.ds(base, CHUNK)])
            pltpu.sync_copy(onesv, cnt_s.at[pl.ds(base, CHUNK)])
            pltpu.sync_copy(x4_hbm.at[b, pl.ds(base, CHUNK), 0], srcv)
            pltpu.sync_copy(isc_hbm.at[b, s], iscv)
            pltpu.sync_copy(ig_hbm.at[b, s], igv)
            plsc.subcore_barrier()
            for h in range(NH):
                pltpu.sync_copy(srcv.at[pl.ds(h * _HALF, _HALF)],
                                acc_s.at[iscv.at[h]], add=True)
                pltpu.sync_copy(onesv.at[pl.ds(h * _HALF, _HALF)],
                                cnt_s.at[iscv.at[h]], add=True)
            plsc.subcore_barrier()
            pltpu.sync_copy(acc_s.at[pl.ds(base, CHUNK)], srcv)
            pltpu.sync_copy(cnt_s.at[pl.ds(base, CHUNK)], cntv)

            def _div(i, _):
                cr = cntv[i, :]
                for k in range(C // 16):
                    srcv[i, pl.ds(16 * k, 16)] = srcv[i, pl.ds(16 * k, 16)] / cr
                return 0

            lax.fori_loop(0, CHUNK, _div, 0)
            pltpu.sync_copy(srcv, acc_s.at[pl.ds(base, CHUNK)])
            pltpu.sync_copy(srcv, merged_hbm.at[b, pl.ds(base, CHUNK)])
            plane = 1 + 2 * bi
            for qq in range(NQ):
                pltpu.sync_copy(srcv.at[pl.ds(64 * qq, 32)],
                                unm_hbm.at[c, NQ * s + qq, slice(None), plane])
            if bi == 1:
                for qq in range(NQ):
                    pltpu.sync_copy(zv, unm_hbm.at[b, NQ * s + qq, slice(None), 1])
                    pltpu.sync_copy(zv, unm_hbm.at[b, NQ * s + qq, slice(None), 3])
            plsc.subcore_barrier()
            for h in range(NH):
                pltpu.sync_copy(acc_s.at[igv.at[h]],
                                srcv.at[pl.ds(h * _HALF, _HALF)])
            for qq in range(NQ):
                pltpu.sync_copy(srcv.at[pl.ds(32 * qq, 32)],
                                unm_hbm.at[b, NQ * s + qq, slice(None), 0])
                pltpu.sync_copy(srcv.at[pl.ds(_HALF + 32 * qq, 32)],
                                unm_hbm.at[b, NQ * s + qq, slice(None), 2])
            plsc.subcore_barrier()

    return merge


def kernel(metric):
    B, T, C = metric.shape
    Th = T // 2
    x4 = metric.reshape(B, Th, 2, C)

    m_bf = (metric / jnp.linalg.norm(metric, axis=-1, keepdims=True)
            ).astype(jnp.bfloat16)

    node_idx = _node_argmax(m_bf.reshape(B, Th, 2 * C)).reshape(B, Th)

    isc = node_idx.reshape(B, _NS, 2, _HALF)
    ig = jnp.transpose(node_idx.reshape(B, _NS, 4, 32, 2), (0, 1, 4, 2, 3)
                       ).reshape(B, _NS, 2, _HALF)

    merged, unm5 = _make_merge(B, Th, C)(x4, isc, ig)
    return merged, unm5.reshape(B, T, C)

# --- scband reference (transcript-rebuilt; emitter-appended) ---
"""Pipeline reference for scband-bipartite-soft-matching-44375602102936 (READ-ONLY COPY).

The authoritative reference and input builder live on the scoring server;
editing this copy changes nothing except your own understanding.
"""

import jax, jax.numpy as jnp
import numpy as np


def setup_inputs(seed: int = 0) -> dict:
    key = jax.random.key(seed)
    metric = jax.random.normal(key, (4, 8192, 64), dtype=jnp.float32)
    return {"metric": metric}


def _matching(metric):
    t = metric.shape[1]
    r = min(1008611, t // 2)
    m = metric / jnp.linalg.norm(metric, axis=-1, keepdims=True)
    a = m[..., ::2, :]
    b = m[..., 1::2, :]
    scores = a @ jnp.swapaxes(b, -1, -2)
    node_max = jnp.max(scores, axis=-1)
    node_idx = jnp.argmax(scores, axis=-1)
    edge_idx = jnp.argsort(-node_max, axis=-1)[..., None]
    unm_idx = edge_idx[..., r:, :]
    src_idx = edge_idx[..., :r, :]
    dst_idx = jnp.take_along_axis(node_idx[..., None], src_idx, axis=-2)
    return r, unm_idx, src_idx, dst_idx


def _merge(x, r, unm_idx, src_idx, dst_idx):
    # is_upsample=False, mode='mean' -> scatter_reduce 'mean' with include_self=True
    src = x[..., ::2, :]
    dst = x[..., 1::2, :]
    n, t1, c = src.shape
    unm = jnp.take_along_axis(src, unm_idx, axis=-2)
    src_g = jnp.take_along_axis(src, src_idx, axis=-2)

    def pb(dst_b, idx_b, src_b):
        sums = dst_b.at[idx_b].add(src_b)
        counts = jnp.ones((dst_b.shape[0], 1), dst_b.dtype).at[idx_b].add(1.0)
        return sums / counts

    dst2 = jax.vmap(pb)(dst, dst_idx[..., 0], src_g)
    return jnp.concatenate([unm, dst2], axis=1)


def _unmerge(x, t, r, unm_idx, src_idx, dst_idx):
    unm_len = unm_idx.shape[1]
    unm = x[..., :unm_len, :]
    dst = x[..., unm_len:, :]
    n, _, c = x.shape
    src = jnp.take_along_axis(dst, dst_idx, axis=-2)
    out = jnp.zeros((n, t, c), x.dtype)
    out = out.at[..., 1::2, :].set(dst)

    def pb(out_b, unm_b, src_b, unm_i, src_i):
        out_b = out_b.at[2 * unm_i[:, 0]].set(unm_b)
        out_b = out_b.at[2 * src_i[:, 0]].set(src_b)
        return out_b

    out = jax.vmap(pb)(out, unm, src, unm_idx, src_idx)
    return out


def reference(metric):
    r, unm_idx, src_idx, dst_idx = _matching(metric)
    merged = _merge(metric, r, unm_idx, src_idx, dst_idx)
    unmerged = _unmerge(merged, metric.shape[1], r, unm_idx, src_idx, dst_idx)
    return merged, unmerged

if __name__ == "__main__":
    import jax
    _d = setup_inputs()
    print(jax.jit(kernel)(*tuple(_d.values())))

</pallas_src>

<mosaic_0001>
#map = affine_map<(d0, d1) -> (0, 0, 0, 0)>
#map1 = affine_map<(d0, d1) -> (0, 0, 0)>
#map2 = affine_map<(d0, d1) -> (0, 0, 0, 0, 0)>
module attributes {stable_mosaic.version = 14 : i64} {
  func.func @merge(%arg0: i32, %arg1: i32, %arg2: memref<4x4096x2x64xf32, #tpu.memory_space<hbm>>, %arg3: memref<4x16x2x128xi32, #tpu.memory_space<hbm>>, %arg4: memref<4x16x2x128xi32, #tpu.memory_space<hbm>>, %arg5: memref<4x4096x64xf32, #tpu.memory_space<hbm>>, %arg6: memref<4x64x32x4x64xf32, #tpu.memory_space<hbm>>, %arg7: memref<256x64xf32, #tpu.memory_space<vmem>>, %arg8: memref<256x16xf32, #tpu.memory_space<vmem>>, %arg9: memref<2x128xi32, #tpu.memory_space<vmem>>, %arg10: memref<2x128xi32, #tpu.memory_space<vmem>>, %arg11: memref<256x16xf32, #tpu.memory_space<vmem>>, %arg12: memref<32x64xf32, #tpu.memory_space<vmem>>, %arg13: memref<4096x64xf32, #tpu.memory_space<vmem_shared>>, %arg14: memref<4096x16xf32, #tpu.memory_space<vmem_shared>>) attributes {dimension_semantics = [#tpu.dimension_semantics<core_parallel>, #tpu.dimension_semantics<subcore_parallel>], iteration_bounds = array<i64: 2, 16>, scalar_prefetch = 0 : i64, scratch_operands = 8 : i64, tpu.core_type = #tpu.core_type<sc_vector_subcore>, window_params = [{transform_indices = #map}, {transform_indices = #map}, {transform_indices = #map}, {transform_indices = #map1}, {transform_indices = #map2}]} {
    %mul3A = arith.constant 256 : i32
    %mul3A_0 = arith.muli %arg1, %mul3A : i32
    %scan3A = arith.constant 0 : i32
    %scan3A_1 = arith.constant 0 : i32
    %scan3A_2 = arith.constant 256 : i32
    %scan3A_3 = arith.addi %scan3A_1, %scan3A_2 : i32
    %scan3A_4 = arith.constant 1 : i32
    %scan3A_5 = scf.for %scan3A_213 = %scan3A_1 to %scan3A_3 step %scan3A_4 iter_args(%scan3A_214 = %scan3A) -> (i32)  : i32 {
      %broadcast_in_dim3A = arith.constant 1.000000e+00 : f32
      %broadcast_in_dim3A_215 = vector.broadcast %broadcast_in_dim3A : f32 to vector<16xf32>
      %swap3A = arith.index_cast %scan3A_213 : i32 to index
      %swap3A_216 = arith.constant 0 : index
      %swap3A_217 = tpu.vector_load %arg11[%swap3A, %swap3A_216] {strides = array<i32>} : memref<256x16xf32, #tpu.memory_space<vmem>>, vector<1x16xf32>,
      %swap3A_218 = vector.shape_cast %swap3A_217 : vector<1x16xf32> to vector<16xf32>
      %swap3A_219 = vector.shape_cast %broadcast_in_dim3A_215 : vector<16xf32> to vector<1x16xf32>
      tpu.vector_store %arg11[%swap3A, %swap3A_216], %swap3A_219 {strides = array<i32>} : memref<256x16xf32, #tpu.memory_space<vmem>>, vector<1x16xf32>,
      %scan3A_220 = arith.constant 0 : i32
      scf.yield %scan3A_220 : i32
    }
    %scan3A_6 = arith.constant 256 : i32
    %scan3A_7 = arith.constant 0 : i32
    %scan3A_8 = arith.constant 0 : i32
    %scan3A_9 = arith.constant 32 : i32
    %scan3A_10 = arith.addi %scan3A_8, %scan3A_9 : i32
    %scan3A_11 = arith.constant 1 : i32
    %scan3A_12 = scf.for %scan3A_213 = %scan3A_8 to %scan3A_10 step %scan3A_11 iter_args(%scan3A_214 = %scan3A_7) -> (i32)  : i32 {
      %broadcast_in_dim3A = arith.constant 0.000000e+00 : f32
      %broadcast_in_dim3A_215 = vector.broadcast %broadcast_in_dim3A : f32 to vector<16xf32>
      %swap3A = arith.index_cast %scan3A_213 : i32 to index
      %swap3A_216 = arith.constant 0 : index
      %swap3A_217 = tpu.vector_load %arg12[%swap3A, %swap3A_216] {strides = array<i32>} : memref<32x64xf32, #tpu.memory_space<vmem>>, vector<1x16xf32>,
      %swap3A_218 = vector.shape_cast %swap3A_217 : vector<1x16xf32> to vector<16xf32>
      %swap3A_219 = vector.shape_cast %broadcast_in_dim3A_215 : vector<16xf32> to vector<1x16xf32>
      tpu.vector_store %arg12[%swap3A, %swap3A_216], %swap3A_219 {strides = array<i32>} : memref<32x64xf32, #tpu.memory_space<vmem>>, vector<1x16xf32>,
      %broadcast_in_dim3A_220 = arith.constant 0.000000e+00 : f32
      %broadcast_in_dim3A_221 = vector.broadcast %broadcast_in_dim3A_220 : f32 to vector<16xf32>
      %swap3A_222 = arith.index_cast %scan3A_213 : i32 to index
      %swap3A_223 = arith.constant 16 : index
      %swap3A_224 = tpu.vector_load %arg12[%swap3A_222, %swap3A_223] {strides = array<i32>} : memref<32x64xf32, #tpu.memory_space<vmem>>, vector<1x16xf32>,
      %swap3A_225 = vector.shape_cast %swap3A_224 : vector<1x16xf32> to vector<16xf32>
      %swap3A_226 = vector.shape_cast %broadcast_in_dim3A_221 : vector<16xf32> to vector<1x16xf32>
      tpu.vector_store %arg12[%swap3A_222, %swap3A_223], %swap3A_226 {strides = array<i32>} : memref<32x64xf32, #tpu.memory_space<vmem>>, vector<1x16xf32>,
      %broadcast_in_dim3A_227 = arith.constant 0.000000e+00 : f32
      %broadcast_in_dim3A_228 = vector.broadcast %broadcast_in_dim3A_227 : f32 to vector<16xf32>
      %swap3A_229 = arith.index_cast %scan3A_213 : i32 to index
      %swap3A_230 = arith.constant 32 : index
      %swap3A_231 = tpu.vector_load %arg12[%swap3A_229, %swap3A_230] {strides = array<i32>} : memref<32x64xf32, #tpu.memory_space<vmem>>, vector<1x16xf32>,
      %swap3A_232 = vector.shape_cast %swap3A_231 : vector<1x16xf32> to vector<16xf32>
      %swap3A_233 = vector.shape_cast %broadcast_in_dim3A_228 : vector<16xf32> to vector<1x16xf32>
      tpu.vector_store %arg12[%swap3A_229, %swap3A_230], %swap3A_233 {strides = array<i32>} : memref<32x64xf32, #tpu.memory_space<vmem>>, vector<1x16xf32>,
      %broadcast_in_dim3A_234 = arith.constant 0.000000e+00 : f32
      %broadcast_in_dim3A_235 = vector.broadcast %broadcast_in_dim3A_234 : f32 to vector<16xf32>
      %swap3A_236 = arith.index_cast %scan3A_213 : i32 to index
      %swap3A_237 = arith.constant 48 : index
      %swap3A_238 = tpu.vector_load %arg12[%swap3A_236, %swap3A_237] {strides = array<i32>} : memref<32x64xf32, #tpu.memory_space<vmem>>, vector<1x16xf32>,
      %swap3A_239 = vector.shape_cast %swap3A_238 : vector<1x16xf32> to vector<16xf32>
      %swap3A_240 = vector.shape_cast %broadcast_in_dim3A_235 : vector<16xf32> to vector<1x16xf32>
      tpu.vector_store %arg12[%swap3A_236, %swap3A_237], %swap3A_240 {strides = array<i32>} : memref<32x64xf32, #tpu.memory_space<vmem>>, vector<1x16xf32>,
      %scan3A_241 = arith.constant 0 : i32
      scf.yield %scan3A_241 : i32
    }
    %scan3A_13 = arith.constant 32 : i32
    %add3A = arith.constant 0 : i32
    %add3A_14 = arith.addi %arg0, %add3A : i32
    %run_scoped3A = arith.constant 1 : i32
    "tpu.region"() ({
      %run_scoped3A_213 = tpu.sem_alloc : memref<!tpu.dma_semaphore, #tpu.memory_space<semaphore_mem>>
      %dma_start3A = arith.constant 0 : i32
      %dma_start3A_214 = tpu.memref_slice %arg2[%add3A_14, %mul3A_0, %run_scoped3A, %dma_start3A] : memref<4x4096x2x64xf32, #tpu.memory_space<hbm>> -> memref<1x256x1x64xf32, #tpu.memory_space<hbm>>
      %dma_start3A_215 = tpu.memref_squeeze %dma_start3A_214 : memref<1x256x1x64xf32, #tpu.memory_space<hbm>> -> memref<256x64xf32, #tpu.memory_space<hbm>>
      %dma_start3A_216 = arith.constant 0 : i32
      %dma_start3A_217 = tpu.memref_slice %arg2[%add3A_14, %mul3A_0, %run_scoped3A, %dma_start3A_216] : memref<4x4096x2x64xf32, #tpu.memory_space<hbm>> -> memref<1x256x1x64xf32, #tpu.memory_space<hbm>>
      %dma_start3A_218 = tpu.memref_squeeze %dma_start3A_217 : memref<1x256x1x64xf32, #tpu.memory_space<hbm>> -> memref<256x64xf32, #tpu.memory_space<hbm>>
      tpu.enqueue_dma source(%dma_start3A_218 : memref<256x64xf32, #tpu.memory_space<hbm>>) target(%arg7 : memref<256x64xf32, #tpu.memory_space<vmem>>) target_semaphore(%run_scoped3A_213 : memref<!tpu.dma_semaphore, #tpu.memory_space<semaphore_mem>>)
      %dma_wait3A = arith.constant 0 : i32
      %dma_wait3A_219 = tpu.memref_slice %arg2[%add3A_14, %mul3A_0, %run_scoped3A, %dma_wait3A] : memref<4x4096x2x64xf32, #tpu.memory_space<hbm>> -> memref<1x256x1x64xf32, #tpu.memory_space<hbm>>
      %dma_wait3A_220 = tpu.memref_squeeze %dma_wait3A_219 : memref<1x256x1x64xf32, #tpu.memory_space<hbm>> -> memref<256x64xf32, #tpu.memory_space<hbm>>
      %dma_wait3A_221 = arith.constant 0 : i32
      %dma_wait3A_222 = tpu.memref_slice %arg2[%add3A_14, %mul3A_0, %run_scoped3A, %dma_wait3A_221] : memref<4x4096x2x64xf32, #tpu.memory_space<hbm>> -> memref<1x256x1x64xf32, #tpu.memory_space<hbm>>
      %dma_wait3A_223 = tpu.memref_squeeze %dma_wait3A_222 : memref<1x256x1x64xf32, #tpu.memory_space<hbm>> -> memref<256x64xf32, #tpu.memory_space<hbm>>
      tpu.wait_dma2 semaphore(%run_scoped3A_213 : memref<!tpu.dma_semaphore, #tpu.memory_space<semaphore_mem>>) src(%dma_wait3A_223 : memref<256x64xf32, #tpu.memory_space<hbm>>) dst(%arg7 : memref<256x64xf32, #tpu.memory_space<vmem>>)
      tpu.yield
    }) : () -> ()
    "tpu.region"() ({
      %run_scoped3A_213 = tpu.sem_alloc : memref<!tpu.dma_semaphore, #tpu.memory_space<semaphore_mem>>
      %dma_start3A = arith.constant 0 : i32
      %dma_start3A_214 = tpu.memref_slice %arg13[%mul3A_0, %dma_start3A] : memref<4096x64xf32, #tpu.memory_space<vmem_shared>> -> memref<256x64xf32, #tpu.memory_space<vmem_shared>>
      %dma_start3A_215 = arith.constant 0 : i32
      %dma_start3A_216 = tpu.memref_slice %arg13[%mul3A_0, %dma_start3A_215] : memref<4096x64xf32, #tpu.memory_space<vmem_shared>> -> memref<256x64xf32, #tpu.memory_space<vmem_shared>>
      tpu.enqueue_dma source(%arg7 : memref<256x64xf32, #tpu.memory_space<vmem>>) target(%dma_start3A_216 : memref<256x64xf32, #tpu.memory_space<vmem_shared>>) target_semaphore(%run_scoped3A_213 : memref<!tpu.dma_semaphore, #tpu.memory_space<semaphore_mem>>)
      %dma_wait3A = arith.constant 0 : i32
      %dma_wait3A_217 = tpu.memref_slice %arg13[%mul3A_0, %dma_wait3A] : memref<4096x64xf32, #tpu.memory_space<vmem_shared>> -> memref<256x64xf32, #tpu.memory_space<vmem_shared>>
      %dma_wait3A_218 = arith.constant 0 : i32
      %dma_wait3A_219 = tpu.memref_slice %arg13[%mul3A_0, %dma_wait3A_218] : memref<4096x64xf32, #tpu.memory_space<vmem_shared>> -> memref<256x64xf32, #tpu.memory_space<vmem_shared>>
      tpu.wait_dma2 semaphore(%run_scoped3A_213 : memref<!tpu.dma_semaphore, #tpu.memory_space<semaphore_mem>>) src(%arg7 : memref<256x64xf32, #tpu.memory_space<vmem>>) dst(%dma_wait3A_219 : memref<256x64xf32, #tpu.memory_space<vmem_shared>>)
      tpu.yield
    }) : () -> ()
    "tpu.region"() ({
      %run_scoped3A_213 = tpu.sem_alloc : memref<!tpu.dma_semaphore, #tpu.memory_space<semaphore_mem>>
      %dma_start3A = arith.constant 0 : i32
      %dma_start3A_214 = tpu.memref_slice %arg14[%mul3A_0, %dma_start3A] : memref<4096x16xf32, #tpu.memory_space<vmem_shared>> -> memref<256x16xf32, #tpu.memory_space<vmem_shared>>
      %dma_start3A_215 = arith.constant 0 : i32
      %dma_start3A_216 = tpu.memref_slice %arg14[%mul3A_0, %dma_start3A_215] : memref<4096x16xf32, #tpu.memory_space<vmem_shared>> -> memref<256x16xf32, #tpu.memory_space<vmem_shared>>
      tpu.enqueue_dma source(%arg11 : memref<256x16xf32, #tpu.memory_space<vmem>>) target(%dma_start3A_216 : memref<256x16xf32, #tpu.memory_space<vmem_shared>>) target_semaphore(%run_scoped3A_213 : memref<!tpu.dma_semaphore, #tpu.memory_space<semaphore_mem>>)
      %dma_wait3A = arith.constant 0 : i32
      %dma_wait3A_217 = tpu.memref_slice %arg14[%mul3A_0, %dma_wait3A] : memref<4096x16xf32, #tpu.memory_space<vmem_shared>> -> memref<256x16xf32, #tpu.memory_space<vmem_shared>>
      %dma_wait3A_218 = arith.constant 0 : i32
      %dma_wait3A_219 = tpu.memref_slice %arg14[%mul3A_0, %dma_wait3A_218] : memref<4096x16xf32, #tpu.memory_space<vmem_shared>> -> memref<256x16xf32, #tpu.memory_space<vmem_shared>>
      tpu.wait_dma2 semaphore(%run_scoped3A_213 : memref<!tpu.dma_semaphore, #tpu.memory_space<semaphore_mem>>) src(%arg11 : memref<256x16xf32, #tpu.memory_space<vmem>>) dst(%dma_wait3A_219 : memref<256x16xf32, #tpu.memory_space<vmem_shared>>)
      tpu.yield
    }) : () -> ()
    %run_scoped3A_15 = arith.constant 0 : i32
    "tpu.region"() ({
      %run_scoped3A_213 = tpu.sem_alloc : memref<!tpu.dma_semaphore, #tpu.memory_space<semaphore_mem>>
      %dma_start3A = arith.constant 0 : i32
      %dma_start3A_214 = tpu.memref_slice %arg2[%add3A_14, %mul3A_0, %run_scoped3A_15, %dma_start3A] : memref<4x4096x2x64xf32, #tpu.memory_space<hbm>> -> memref<1x256x1x64xf32, #tpu.memory_space<hbm>>
      %dma_start3A_215 = tpu.memref_squeeze %dma_start3A_214 : memref<1x256x1x64xf32, #tpu.memory_space<hbm>> -> memref<256x64xf32, #tpu.memory_space<hbm>>
      %dma_start3A_216 = arith.constant 0 : i32
      %dma_start3A_217 = tpu.memref_slice %arg2[%add3A_14, %mul3A_0, %run_scoped3A_15, %dma_start3A_216] : memref<4x4096x2x64xf32, #tpu.memory_space<hbm>> -> memref<1x256x1x64xf32, #tpu.memory_space<hbm>>
      %dma_start3A_218 = tpu.memref_squeeze %dma_start3A_217 : memref<1x256x1x64xf32, #tpu.memory_space<hbm>> -> memref<256x64xf32, #tpu.memory_space<hbm>>
      tpu.enqueue_dma source(%dma_start3A_218 : memref<256x64xf32, #tpu.memory_space<hbm>>) target(%arg7 : memref<256x64xf32, #tpu.memory_space<vmem>>) target_semaphore(%run_scoped3A_213 : memref<!tpu.dma_semaphore, #tpu.memory_space<semaphore_mem>>)
      %dma_wait3A = arith.constant 0 : i32
      %dma_wait3A_219 = tpu.memref_slice %arg2[%add3A_14, %mul3A_0, %run_scoped3A_15, %dma_wait3A] : memref<4x4096x2x64xf32, #tpu.memory_space<hbm>> -> memref<1x256x1x64xf32, #tpu.memory_space<hbm>>
      %dma_wait3A_220 = tpu.memref_squeeze %dma_wait3A_219 : memref<1x256x1x64xf32, #tpu.memory_space<hbm>> -> memref<256x64xf32, #tpu.memory_space<hbm>>
      %dma_wait3A_221 = arith.constant 0 : i32
      %dma_wait3A_222 = tpu.memref_slice %arg2[%add3A_14, %mul3A_0, %run_scoped3A_15, %dma_wait3A_221] : memref<4x4096x2x64xf32, #tpu.memory_space<hbm>> -> memref<1x256x1x64xf32, #tpu.memory_space<hbm>>
      %dma_wait3A_223 = tpu.memref_squeeze %dma_wait3A_222 : memref<1x256x1x64xf32, #tpu.memory_space<hbm>> -> memref<256x64xf32, #tpu.memory_space<hbm>>
      tpu.wait_dma2 semaphore(%run_scoped3A_213 : memref<!tpu.dma_semaphore, #tpu.memory_space<semaphore_mem>>) src(%dma_wait3A_223 : memref<256x64xf32, #tpu.memory_space<hbm>>) dst(%arg7 : memref<256x64xf32, #tpu.memory_space<vmem>>)
      tpu.yield
    }) : () -> ()
    "tpu.region"() ({
      %run_scoped3A_213 = tpu.sem_alloc : memref<!tpu.dma_semaphore, #tpu.memory_space<semaphore_mem>>
      %dma_start3A = arith.constant 0 : i32
      %dma_start3A_214 = arith.constant 0 : i32
      %dma_start3A_215 = tpu.memref_slice %arg3[%add3A_14, %arg1, %dma_start3A, %dma_start3A_214] : memref<4x16x2x128xi32, #tpu.memory_space<hbm>> -> memref<1x1x2x128xi32, #tpu.memory_space<hbm>>
      %dma_start3A_216 = tpu.memref_squeeze %dma_start3A_215 : memref<1x1x2x128xi32, #tpu.memory_space<hbm>> -> memref<2x128xi32, #tpu.memory_space<hbm>>
      %dma_start3A_217 = arith.constant 0 : i32
      %dma_start3A_218 = arith.constant 0 : i32
      %dma_start3A_219 = tpu.memref_slice %arg3[%add3A_14, %arg1, %dma_start3A_217, %dma_start3A_218] : memref<4x16x2x128xi32, #tpu.memory_space<hbm>> -> memref<1x1x2x128xi32, #tpu.memory_space<hbm>>
      %dma_start3A_220 = tpu.memref_squeeze %dma_start3A_219 : memref<1x1x2x128xi32, #tpu.memory_space<hbm>> -> memref<2x128xi32, #tpu.memory_space<hbm>>
      tpu.enqueue_dma source(%dma_start3A_220 : memref<2x128xi32, #tpu.memory_space<hbm>>) target(%arg9 : memref<2x128xi32, #tpu.memory_space<vmem>>) target_semaphore(%run_scoped3A_213 : memref<!tpu.dma_semaphore, #tpu.memory_space<semaphore_mem>>)
      %dma_wait3A = arith.constant 0 : i32
      %dma_wait3A_221 = arith.constant 0 : i32
      %dma_wait3A_222 = tpu.memref_slice %arg3[%add3A_14, %arg1, %dma_wait3A, %dma_wait3A_221] : memref<4x16x2x128xi32, #tpu.memory_space<hbm>> -> memref<1x1x2x128xi32, #tpu.memory_space<hbm>>
      %dma_wait3A_223 = tpu.memref_squeeze %dma_wait3A_222 : memref<1x1x2x128xi32, #tpu.memory_space<hbm>> -> memref<2x128xi32, #tpu.memory_space<hbm>>
      %dma_wait3A_224 = arith.constant 0 : i32
      %dma_wait3A_225 = arith.constant 0 : i32
      %dma_wait3A_226 = tpu.memref_slice %arg3[%add3A_14, %arg1, %dma_wait3A_224, %dma_wait3A_225] : memref<4x16x2x128xi32, #tpu.memory_space<hbm>> -> memref<1x1x2x128xi32, #tpu.memory_space<hbm>>
      %dma_wait3A_227 = tpu.memref_squeeze %dma_wait3A_226 : memref<1x1x2x128xi32, #tpu.memory_space<hbm>> -> memref<2x128xi32, #tpu.memory_space<hbm>>
      tpu.wait_dma2 semaphore(%run_scoped3A_213 : memref<!tpu.dma_semaphore, #tpu.memory_space<semaphore_mem>>) src(%dma_wait3A_227 : memref<2x128xi32, #tpu.memory_space<hbm>>) dst(%arg9 : memref<2x128xi32, #tpu.memory_space<vmem>>)
      tpu.yield
    }) : () -> ()
    "tpu.region"() ({
      %run_scoped3A_213 = tpu.sem_alloc : memref<!tpu.dma_semaphore, #tpu.memory_space<semaphore_mem>>
      %dma_start3A = arith.constant 0 : i32
      %dma_start3A_214 = arith.constant 0 : i32
      %dma_start3A_215 = tpu.memref_slice %arg4[%add3A_14, %arg1, %dma_start3A, %dma_start3A_214] : memref<4x16x2x128xi32, #tpu.memory_space<hbm>> -> memref<1x1x2x128xi32, #tpu.memory_space<hbm>>
      %dma_start3A_216 = tpu.memref_squeeze %dma_start3A_215 : memref<1x1x2x128xi32, #tpu.memory_space<hbm>> -> memref<2x128xi32, #tpu.memory_space<hbm>>
      %dma_start3A_217 = arith.constant 0 : i32
      %dma_start3A_218 = arith.constant 0 : i32
      %dma_start3A_219 = tpu.memref_slice %arg4[%add3A_14, %arg1, %dma_start3A_217, %dma_start3A_218] : memref<4x16x2x128xi32, #tpu.memory_space<hbm>> -> memref<1x1x2x128xi32, #tpu.memory_space<hbm>>
      %dma_start3A_220 = tpu.memref_squeeze %dma_start3A_219 : memref<1x1x2x128xi32, #tpu.memory_space<hbm>> -> memref<2x128xi32, #tpu.memory_space<hbm>>
      tpu.enqueue_dma source(%dma_start3A_220 : memref<2x128xi32, #tpu.memory_space<hbm>>) target(%arg10 : memref<2x128xi32, #tpu.memory_space<vmem>>) target_semaphore(%run_scoped3A_213 : memref<!tpu.dma_semaphore, #tpu.memory_space<semaphore_mem>>)
      %dma_wait3A = arith.constant 0 : i32
      %dma_wait3A_221 = arith.constant 0 : i32
      %dma_wait3A_222 = tpu.memref_slice %arg4[%add3A_14, %arg1, %dma_wait3A, %dma_wait3A_221] : memref<4x16x2x128xi32, #tpu.memory_space<hbm>> -> memref<1x1x2x128xi32, #tpu.memory_space<hbm>>
      %dma_wait3A_223 = tpu.memref_squeeze %dma_wait3A_222 : memref<1x1x2x128xi32, #tpu.memory_space<hbm>> -> memref<2x128xi32, #tpu.memory_space<hbm>>
      %dma_wait3A_224 = arith.constant 0 : i32
      %dma_wait3A_225 = arith.constant 0 : i32
      %dma_wait3A_226 = tpu.memref_slice %arg4[%add3A_14, %arg1, %dma_wait3A_224, %dma_wait3A_225] : memref<4x16x2x128xi32, #tpu.memory_space<hbm>> -> memref<1x1x2x128xi32, #tpu.memory_space<hbm>>
      %dma_wait3A_227 = tpu.memref_squeeze %dma_wait3A_226 : memref<1x1x2x128xi32, #tpu.memory_space<hbm>> -> memref<2x128xi32, #tpu.memory_space<hbm>>
      tpu.wait_dma2 semaphore(%run_scoped3A_213 : memref<!tpu.dma_semaphore, #tpu.memory_space<semaphore_mem>>) src(%dma_wait3A_227 : memref<2x128xi32, #tpu.memory_space<hbm>>) dst(%arg10 : memref<2x128xi32, #tpu.memory_space<vmem>>)
      tpu.yield
    }) : () -> ()
    %barrier3A = arith.constant 0 : index
    tpu.barrier barrier_id(%barrier3A)
    %run_scoped3A_16 = arith.constant 0 : i32
    "tpu.region"() ({
      %run_scoped3A_213 = tpu.sem_alloc : memref<!tpu.dma_semaphore, #tpu.memory_space<semaphore_mem>>
      %dma_start3A = arith.constant 0 : i32
      %dma_start3A_214 = arith.constant 0 : i32
      %dma_start3A_215 = tpu.memref_slice %arg7[%dma_start3A, %dma_start3A_214] : memref<256x64xf32, #tpu.memory_space<vmem>> -> memref<128x64xf32, #tpu.memory_space<vmem>>
      %dma_start3A_216 = arith.constant 0 : i32
      %dma_start3A_217 = tpu.memref_slice %arg9[%run_scoped3A_16, %dma_start3A_216] : memref<2x128xi32, #tpu.memory_space<vmem>> -> memref<1x128xi32, #tpu.memory_space<vmem>>
      %dma_start3A_218 = tpu.memref_squeeze %dma_start3A_217 : memref<1x128xi32, #tpu.memory_space<vmem>> -> memref<128xi32, #tpu.memory_space<vmem>>
      %dma_start3A_219 = arith.constant 0 : i32
      %dma_start3A_220 = arith.constant 0 : i32
      %dma_start3A_221 = tpu.memref_slice %arg13[%dma_start3A_219, %dma_start3A_220] : memref<4096x64xf32, #tpu.memory_space<vmem_shared>> -> memref<4096x64xf32, #tpu.memory_space<vmem_shared>>
      tpu.enqueue_indirect_dma source(%dma_start3A_215 : memref<128x64xf32, #tpu.memory_space<vmem>>) target(%dma_start3A_221 : memref<4096x64xf32, #tpu.memory_space<vmem_shared>>) offsets(%dma_start3A_218 : memref<128xi32, #tpu.memory_space<vmem>>) semaphore(%run_scoped3A_213 : memref<!tpu.dma_semaphore, #tpu.memory_space<semaphore_mem>>) {add = true}
      %dma_wait3A = arith.constant 0 : i32
      %dma_wait3A_222 = arith.constant 0 : i32
      %dma_wait3A_223 = tpu.memref_slice %arg7[%dma_wait3A, %dma_wait3A_222] : memref<256x64xf32, #tpu.memory_space<vmem>> -> memref<128x64xf32, #tpu.memory_space<vmem>>
      %dma_wait3A_224 = arith.constant 0 : i32
      %dma_wait3A_225 = tpu.memref_slice %arg9[%run_scoped3A_16, %dma_wait3A_224] : memref<2x128xi32, #tpu.memory_space<vmem>> -> memref<1x128xi32, #tpu.memory_space<vmem>>
      %dma_wait3A_226 = tpu.memref_squeeze %dma_wait3A_225 : memref<1x128xi32, #tpu.memory_space<vmem>> -> memref<128xi32, #tpu.memory_space<vmem>>
      %dma_wait3A_227 = arith.constant 0 : i32
      %dma_wait3A_228 = arith.constant 0 : i32
      %dma_wait3A_229 = tpu.memref_slice %arg13[%dma_wait3A_227, %dma_wait3A_228] : memref<4096x64xf32, #tpu.memory_space<vmem_shared>> -> memref<4096x64xf32, #tpu.memory_space<vmem_shared>>
      tpu.wait_indirect_dma semaphore(%run_scoped3A_213 : memref<!tpu.dma_semaphore, #tpu.memory_space<semaphore_mem>>) src(%dma_wait3A_223 : memref<128x64xf32, #tpu.memory_space<vmem>>) dst(%dma_wait3A_229 : memref<4096x64xf32, #tpu.memory_space<vmem_shared>>)
      tpu.yield
    }) : () -> ()
    %run_scoped3A_17 = arith.constant 0 : i32
    "tpu.region"() ({
      %run_scoped3A_213 = tpu.sem_alloc : memref<!tpu.dma_semaphore, #tpu.memory_space<semaphore_mem>>
      %dma_start3A = arith.constant 0 : i32
      %dma_start3A_214 = arith.constant 0 : i32
      %dma_start3A_215 = tpu.memref_slice %arg11[%dma_start3A, %dma_start3A_214] : memref<256x16xf32, #tpu.memory_space<vmem>> -> memref<128x16xf32, #tpu.memory_space<vmem>>
      %dma_start3A_216 = arith.constant 0 : i32
      %dma_start3A_217 = tpu.memref_slice %arg9[%run_scoped3A_17, %dma_start3A_216] : memref<2x128xi32, #tpu.memory_space<vmem>> -> memref<1x128xi32, #tpu.memory_space<vmem>>
      %dma_start3A_218 = tpu.memref_squeeze %dma_start3A_217 : memref<1x128xi32, #tpu.memory_space<vmem>> -> memref<128xi32, #tpu.memory_space<vmem>>
      %dma_start3A_219 = arith.constant 0 : i32
      %dma_start3A_220 = arith.constant 0 : i32
      %dma_start3A_221 = tpu.memref_slice %arg14[%dma_start3A_219, %dma_start3A_220] : memref<4096x16xf32, #tpu.memory_space<vmem_shared>> -> memref<4096x16xf32, #tpu.memory_space<vmem_shared>>
      tpu.enqueue_indirect_dma source(%dma_start3A_215 : memref<128x16xf32, #tpu.memory_space<vmem>>) target(%dma_start3A_221 : memref<4096x16xf32, #tpu.memory_space<vmem_shared>>) offsets(%dma_start3A_218 : memref<128xi32, #tpu.memory_space<vmem>>) semaphore(%run_scoped3A_213 : memref<!tpu.dma_semaphore, #tpu.memory_space<semaphore_mem>>) {add = true}
      %dma_wait3A = arith.constant 0 : i32
      %dma_wait3A_222 = arith.constant 0 : i32
      %dma_wait3A_223 = tpu.memref_slice %arg11[%dma_wait3A, %dma_wait3A_222] : memref<256x16xf32, #tpu.memory_space<vmem>> -> memref<128x16xf32, #tpu.memory_space<vmem>>
      %dma_wait3A_224 = arith.constant 0 : i32
      %dma_wait3A_225 = tpu.memref_slice %arg9[%run_scoped3A_17, %dma_wait3A_224] : memref<2x128xi32, #tpu.memory_space<vmem>> -> memref<1x128xi32, #tpu.memory_space<vmem>>
      %dma_wait3A_226 = tpu.memref_squeeze %dma_wait3A_225 : memref<1x128xi32, #tpu.memory_space<vmem>> -> memref<128xi32, #tpu.memory_space<vmem>>
      %dma_wait3A_227 = arith.constant 0 : i32
      %dma_wait3A_228 = arith.constant 0 : i32
      %dma_wait3A_229 = tpu.memref_slice %arg14[%dma_wait3A_227, %dma_wait3A_228] : memref<4096x16xf32, #tpu.memory_space<vmem_shared>> -> memref<4096x16xf32, #tpu.memory_space<vmem_shared>>
      tpu.wait_indirect_dma semaphore(%run_scoped3A_213 : memref<!tpu.dma_semaphore, #tpu.memory_space<semaphore_mem>>) src(%dma_wait3A_223 : memref<128x16xf32, #tpu.memory_space<vmem>>) dst(%dma_wait3A_229 : memref<4096x16xf32, #tpu.memory_space<vmem_shared>>)
      tpu.yield
    }) : () -> ()
    %run_scoped3A_18 = arith.constant 1 : i32
    "tpu.region"() ({
      %run_scoped3A_213 = tpu.sem_alloc : memref<!tpu.dma_semaphore, #tpu.memory_space<semaphore_mem>>
      %dma_start3A = arith.constant 128 : i32
      %dma_start3A_214 = arith.constant 0 : i32
      %dma_start3A_215 = tpu.memref_slice %arg7[%dma_start3A, %dma_start3A_214] : memref<256x64xf32, #tpu.memory_space<vmem>> -> memref<128x64xf32, #tpu.memory_space<vmem>>
      %dma_start3A_216 = arith.constant 0 : i32
      %dma_start3A_217 = tpu.memref_slice %arg9[%run_scoped3A_18, %dma_start3A_216] : memref<2x128xi32, #tpu.memory_space<vmem>> -> memref<1x128xi32, #tpu.memory_space<vmem>>
      %dma_start3A_218 = tpu.memref_squeeze %dma_start3A_217 : memref<1x128xi32, #tpu.memory_space<vmem>> -> memref<128xi32, #tpu.memory_space<vmem>>
      %dma_start3A_219 = arith.constant 0 : i32
      %dma_start3A_220 = arith.constant 0 : i32
      %dma_start3A_221 = tpu.memref_slice %arg13[%dma_start3A_219, %dma_start3A_220] : memref<4096x64xf32, #tpu.memory_space<vmem_shared>> -> memref<4096x64xf32, #tpu.memory_space<vmem_shared>>
      tpu.enqueue_indirect_dma source(%dma_start3A_215 : memref<128x64xf32, #tpu.memory_space<vmem>>) target(%dma_start3A_221 : memref<4096x64xf32, #tpu.memory_space<vmem_shared>>) offsets(%dma_start3A_218 : memref<128xi32, #tpu.memory_space<vmem>>) semaphore(%run_scoped3A_213 : memref<!tpu.dma_semaphore, #tpu.memory_space<semaphore_mem>>) {add = true}
      %dma_wait3A = arith.constant 128 : i32
      %dma_wait3A_222 = arith.constant 0 : i32
      %dma_wait3A_223 = tpu.memref_slice %arg7[%dma_wait3A, %dma_wait3A_222] : memref<256x64xf32, #tpu.memory_space<vmem>> -> memref<128x64xf32, #tpu.memory_space<vmem>>
      %dma_wait3A_224 = arith.constant 0 : i32
      %dma_wait3A_225 = tpu.memref_slice %arg9[%run_scoped3A_18, %dma_wait3A_224] : memref<2x128xi32, #tpu.memory_space<vmem>> -> memref<1x128xi32, #tpu.memory_space<vmem>>
      %dma_wait3A_226 = tpu.memref_squeeze %dma_wait3A_225 : memref<1x128xi32, #tpu.memory_space<vmem>> -> memref<128xi32, #tpu.memory_space<vmem>>
      %dma_wait3A_227 = arith.constant 0 : i32
      %dma_wait3A_228 = arith.constant 0 : i32
      %dma_wait3A_229 = tpu.memref_slice %arg13[%dma_wait3A_227, %dma_wait3A_228] : memref<4096x64xf32, #tpu.memory_space<vmem_shared>> -> memref<4096x64xf32, #tpu.memory_space<vmem_shared>>
      tpu.wait_indirect_dma semaphore(%run_scoped3A_213 : memref<!tpu.dma_semaphore, #tpu.memory_space<semaphore_mem>>) src(%dma_wait3A_223 : memref<128x64xf32, #tpu.memory_space<vmem>>) dst(%dma_wait3A_229 : memref<4096x64xf32, #tpu.memory_space<vmem_shared>>)
      tpu.yield
    }) : () -> ()
    %run_scoped3A_19 = arith.constant 1 : i32
    "tpu.region"() ({
      %run_scoped3A_213 = tpu.sem_alloc : memref<!tpu.dma_semaphore, #tpu.memory_space<semaphore_mem>>
      %dma_start3A = arith.constant 128 : i32
      %dma_start3A_214 = arith.constant 0 : i32
      %dma_start3A_215 = tpu.memref_slice %arg11[%dma_start3A, %dma_start3A_214] : memref<256x16xf32, #tpu.memory_space<vmem>> -> memref<128x16xf32, #tpu.memory_space<vmem>>
      %dma_start3A_216 = arith.constant 0 : i32
      %dma_start3A_217 = tpu.memref_slice %arg9[%run_scoped3A_19, %dma_start3A_216] : memref<2x128xi32, #tpu.memory_space<vmem>> -> memref<1x128xi32, #tpu.memory_space<vmem>>
      %dma_start3A_218 = tpu.memref_squeeze %dma_start3A_217 : memref<1x128xi32, #tpu.memory_space<vmem>> -> memref<128xi32, #tpu.memory_space<vmem>>
      %dma_start3A_219 = arith.constant 0 : i32
      %dma_start3A_220 = arith.constant 0 : i32
      %dma_start3A_221 = tpu.memref_slice %arg14[%dma_start3A_219, %dma_start3A_220] : memref<4096x16xf32, #tpu.memory_space<vmem_shared>> -> memref<4096x16xf32, #tpu.memory_space<vmem_shared>>
      tpu.enqueue_indirect_dma source(%dma_start3A_215 : memref<128x16xf32, #tpu.memory_space<vmem>>) target(%dma_start3A_221 : memref<4096x16xf32, #tpu.memory_space<vmem_shared>>) offsets(%dma_start3A_218 : memref<128xi32, #tpu.memory_space<vmem>>) semaphore(%run_scoped3A_213 : memref<!tpu.dma_semaphore, #tpu.memory_space<semaphore_mem>>) {add = true}
      %dma_wait3A = arith.constant 128 : i32
      %dma_wait3A_222 = arith.constant 0 : i32
      %dma_wait3A_223 = tpu.memref_slice %arg11[%dma_wait3A, %dma_wait3A_222] : memref<256x16xf32, #tpu.memory_space<vmem>> -> memref<128x16xf32, #tpu.memory_space<vmem>>
      %dma_wait3A_224 = arith.constant 0 : i32
      %dma_wait3A_225 = tpu.memref_slice %arg9[%run_scoped3A_19, %dma_wait3A_224] : memref<2x128xi32, #tpu.memory_space<vmem>> -> memref<1x128xi32, #tpu.memory_space<vmem>>
      %dma_wait3A_226 = tpu.memref_squeeze %dma_wait3A_225 : memref<1x128xi32, #tpu.memory_space<vmem>> -> memref<128xi32, #tpu.memory_space<vmem>>
      %dma_wait3A_227 = arith.constant 0 : i32
      %dma_wait3A_228 = arith.constant 0 : i32
      %dma_wait3A_229 = tpu.memref_slice %arg14[%dma_wait3A_227, %dma_wait3A_228] : memref<4096x16xf32, #tpu.memory_space<vmem_shared>> -> memref<4096x16xf32, #tpu.memory_space<vmem_shared>>
      tpu.wait_indirect_dma semaphore(%run_scoped3A_213 : memref<!tpu.dma_semaphore, #tpu.memory_space<semaphore_mem>>) src(%dma_wait3A_223 : memref<128x16xf32, #tpu.memory_space<vmem>>) dst(%dma_wait3A_229 : memref<4096x16xf32, #tpu.memory_space<vmem_shared>>)
      tpu.yield
    }) : () -> ()
    %barrier3A_20 = arith.constant 0 : index
    tpu.barrier barrier_id(%barrier3A_20)
    "tpu.region"() ({
      %run_scoped3A_213 = tpu.sem_alloc : memref<!tpu.dma_semaphore, #tpu.memory_space<semaphore_mem>>
      %dma_start3A = arith.constant 0 : i32
      %dma_start3A_214 = tpu.memref_slice %arg13[%mul3A_0, %dma_start3A] : memref<4096x64xf32, #tpu.memory_space<vmem_shared>> -> memref<256x64xf32, #tpu.memory_space<vmem_shared>>
      %dma_start3A_215 = arith.constant 0 : i32
      %dma_start3A_216 = tpu.memref_slice %arg13[%mul3A_0, %dma_start3A_215] : memref<4096x64xf32, #tpu.memory_space<vmem_shared>> -> memref<256x64xf32, #tpu.memory_space<vmem_shared>>
      tpu.enqueue_dma source(%dma_start3A_216 : memref<256x64xf32, #tpu.memory_space<vmem_shared>>) target(%arg7 : memref<256x64xf32, #tpu.memory_space<vmem>>) target_semaphore(%run_scoped3A_213 : memref<!tpu.dma_semaphore, #tpu.memory_space<semaphore_mem>>)
      %dma_wait3A = arith.constant 0 : i32
      %dma_wait3A_217 = tpu.memref_slice %arg13[%mul3A_0, %dma_wait3A] : memref<4096x64xf32, #tpu.memory_space<vmem_shared>> -> memref<256x64xf32, #tpu.memory_space<vmem_shared>>
      %dma_wait3A_218 = arith.constant 0 : i32
      %dma_wait3A_219 = tpu.memref_slice %arg13[%mul3A_0, %dma_wait3A_218] : memref<4096x64xf32, #tpu.memory_space<vmem_shared>> -> memref<256x64xf32, #tpu.memory_space<vmem_shared>>
      tpu.wait_dma2 semaphore(%run_scoped3A_213 : memref<!tpu.dma_semaphore, #tpu.memory_space<semaphore_mem>>) src(%dma_wait3A_219 : memref<256x64xf32, #tpu.memory_space<vmem_shared>>) dst(%arg7 : memref<256x64xf32, #tpu.memory_space<vmem>>)
      tpu.yield
    }) : () -> ()
    "tpu.region"() ({
      %run_scoped3A_213 = tpu.sem_alloc : memref<!tpu.dma_semaphore, #tpu.memory_space<semaphore_mem>>
      %dma_start3A = arith.constant 0 : i32
      %dma_start3A_214 = tpu.memref_slice %arg14[%mul3A_0, %dma_start3A] : memref<4096x16xf32, #tpu.memory_space<vmem_shared>> -> memref<256x16xf32, #tpu.memory_space<vmem_shared>>
      %dma_start3A_215 = arith.constant 0 : i32
      %dma_start3A_216 = tpu.memref_slice %arg14[%mul3A_0, %dma_start3A_215] : memref<4096x16xf32, #tpu.memory_space<vmem_shared>> -> memref<256x16xf32, #tpu.memory_space<vmem_shared>>
      tpu.enqueue_dma source(%dma_start3A_216 : memref<256x16xf32, #tpu.memory_space<vmem_shared>>) target(%arg8 : memref<256x16xf32, #tpu.memory_space<vmem>>) target_semaphore(%run_scoped3A_213 : memref<!tpu.dma_semaphore, #tpu.memory_space<semaphore_mem>>)
      %dma_wait3A = arith.constant 0 : i32
      %dma_wait3A_217 = tpu.memref_slice %arg14[%mul3A_0, %dma_wait3A] : memref<4096x16xf32, #tpu.memory_space<vmem_shared>> -> memref<256x16xf32, #tpu.memory_space<vmem_shared>>
      %dma_wait3A_218 = arith.constant 0 : i32
      %dma_wait3A_219 = tpu.memref_slice %arg14[%mul3A_0, %dma_wait3A_218] : memref<4096x16xf32, #tpu.memory_space<vmem_shared>> -> memref<256x16xf32, #tpu.memory_space<vmem_shared>>
      tpu.wait_dma2 semaphore(%run_scoped3A_213 : memref<!tpu.dma_semaphore, #tpu.memory_space<semaphore_mem>>) src(%dma_wait3A_219 : memref<256x16xf32, #tpu.memory_space<vmem_shared>>) dst(%arg8 : memref<256x16xf32, #tpu.memory_space<vmem>>)
      tpu.yield
    }) : () -> ()
    %scan3A_21 = arith.constant 0 : i32
    %scan3A_22 = arith.constant 0 : i32
    %scan3A_23 = arith.constant 256 : i32
    %scan3A_24 = arith.addi %scan3A_22, %scan3A_23 : i32
    %scan3A_25 = arith.constant 1 : i32
    %scan3A_26 = scf.for %scan3A_213 = %scan3A_22 to %scan3A_24 step %scan3A_25 iter_args(%scan3A_214 = %scan3A_21) -> (i32)  : i32 {
      %get3A = arith.index_cast %scan3A_213 : i32 to index
      %get3A_215 = arith.constant 0 : index
      %get3A_216 = tpu.vector_load %arg8[%get3A, %get3A_215] {strides = array<i32>} : memref<256x16xf32, #tpu.memory_space<vmem>>, vector<1x16xf32>,
      %get3A_217 = vector.shape_cast %get3A_216 : vector<1x16xf32> to vector<16xf32>
      %get3A_218 = arith.index_cast %scan3A_213 : i32 to index
      %get3A_219 = arith.constant 0 : index
      %get3A_220 = tpu.vector_load %arg7[%get3A_218, %get3A_219] {strides = array<i32>} : memref<256x64xf32, #tpu.memory_space<vmem>>, vector<1x16xf32>,
      %get3A_221 = vector.shape_cast %get3A_220 : vector<1x16xf32> to vector<16xf32>
      %div3A = arith.divf %get3A_221, %get3A_217 : vector<16xf32>
      %swap3A = arith.index_cast %scan3A_213 : i32 to index
      %swap3A_222 = arith.constant 0 : index
      %swap3A_223 = tpu.vector_load %arg7[%swap3A, %swap3A_222] {strides = array<i32>} : memref<256x64xf32, #tpu.memory_space<vmem>>, vector<1x16xf32>,
      %swap3A_224 = vector.shape_cast %swap3A_223 : vector<1x16xf32> to vector<16xf32>
      %swap3A_225 = vector.shape_cast %div3A : vector<16xf32> to vector<1x16xf32>
      tpu.vector_store %arg7[%swap3A, %swap3A_222], %swap3A_225 {strides = array<i32>} : memref<256x64xf32, #tpu.memory_space<vmem>>, vector<1x16xf32>,
      %get3A_226 = arith.index_cast %scan3A_213 : i32 to index
      %get3A_227 = arith.constant 16 : index
      %get3A_228 = tpu.vector_load %arg7[%get3A_226, %get3A_227] {strides = array<i32>} : memref<256x64xf32, #tpu.memory_space<vmem>>, vector<1x16xf32>,
      %get3A_229 = vector.shape_cast %get3A_228 : vector<1x16xf32> to vector<16xf32>
      %div3A_230 = arith.divf %get3A_229, %get3A_217 : vector<16xf32>
      %swap3A_231 = arith.index_cast %scan3A_213 : i32 to index
      %swap3A_232 = arith.constant 16 : index
      %swap3A_233 = tpu.vector_load %arg7[%swap3A_231, %swap3A_232] {strides = array<i32>} : memref<256x64xf32, #tpu.memory_space<vmem>>, vector<1x16xf32>,
      %swap3A_234 = vector.shape_cast %swap3A_233 : vector<1x16xf32> to vector<16xf32>
      %swap3A_235 = vector.shape_cast %div3A_230 : vector<16xf32> to vector<1x16xf32>
      tpu.vector_store %arg7[%swap3A_231, %swap3A_232], %swap3A_235 {strides = array<i32>} : memref<256x64xf32, #tpu.memory_space<vmem>>, vector<1x16xf32>,
      %get3A_236 = arith.index_cast %scan3A_213 : i32 to index
      %get3A_237 = arith.constant 32 : index
      %get3A_238 = tpu.vector_load %arg7[%get3A_236, %get3A_237] {strides = array<i32>} : memref<256x64xf32, #tpu.memory_space<vmem>>, vector<1x16xf32>,
      %get3A_239 = vector.shape_cast %get3A_238 : vector<1x16xf32> to vector<16xf32>
      %div3A_240 = arith.divf %get3A_239, %get3A_217 : vector<16xf32>
      %swap3A_241 = arith.index_cast %scan3A_213 : i32 to index
      %swap3A_242 = arith.constant 32 : index
      %swap3A_243 = tpu.vector_load %arg7[%swap3A_241, %swap3A_242] {strides = array<i32>} : memref<256x64xf32, #tpu.memory_space<vmem>>, vector<1x16xf32>,
      %swap3A_244 = vector.shape_cast %swap3A_243 : vector<1x16xf32> to vector<16xf32>
      %swap3A_245 = vector.shape_cast %div3A_240 : vector<16xf32> to vector<1x16xf32>
      tpu.vector_store %arg7[%swap3A_241, %swap3A_242], %swap3A_245 {strides = array<i32>} : memref<256x64xf32, #tpu.memory_space<vmem>>, vector<1x16xf32>,
      %get3A_246 = arith.index_cast %scan3A_213 : i32 to index
      %get3A_247 = arith.constant 48 : index
      %get3A_248 = tpu.vector_load %arg7[%get3A_246, %get3A_247] {strides = array<i32>} : memref<256x64xf32, #tpu.memory_space<vmem>>, vector<1x16xf32>,
      %get3A_249 = vector.shape_cast %get3A_248 : vector<1x16xf32> to vector<16xf32>
      %div3A_250 = arith.divf %get3A_249, %get3A_217 : vector<16xf32>
      %swap3A_251 = arith.index_cast %scan3A_213 : i32 to index
      %swap3A_252 = arith.constant 48 : index
      %swap3A_253 = tpu.vector_load %arg7[%swap3A_251, %swap3A_252] {strides = array<i32>} : memref<256x64xf32, #tpu.memory_space<vmem>>, vector<1x16xf32>,
      %swap3A_254 = vector.shape_cast %swap3A_253 : vector<1x16xf32> to vector<16xf32>
      %swap3A_255 = vector.shape_cast %div3A_250 : vector<16xf32> to vector<1x16xf32>
      tpu.vector_store %arg7[%swap3A_251, %swap3A_252], %swap3A_255 {strides = array<i32>} : memref<256x64xf32, #tpu.memory_space<vmem>>, vector<1x16xf32>,
      %scan3A_256 = arith.constant 0 : i32
      scf.yield %scan3A_256 : i32
    }
    %scan3A_27 = arith.constant 256 : i32
    "tpu.region"() ({
      %run_scoped3A_213 = tpu.sem_alloc : memref<!tpu.dma_semaphore, #tpu.memory_space<semaphore_mem>>
      %dma_start3A = arith.constant 0 : i32
      %dma_start3A_214 = tpu.memref_slice %arg13[%mul3A_0, %dma_start3A] : memref<4096x64xf32, #tpu.memory_space<vmem_shared>> -> memref<256x64xf32, #tpu.memory_space<vmem_shared>>
      %dma_start3A_215 = arith.constant 0 : i32
      %dma_start3A_216 = tpu.memref_slice %arg13[%mul3A_0, %dma_start3A_215] : memref<4096x64xf32, #tpu.memory_space<vmem_shared>> -> memref<256x64xf32, #tpu.memory_space<vmem_shared>>
      tpu.enqueue_dma source(%arg7 : memref<256x64xf32, #tpu.memory_space<vmem>>) target(%dma_start3A_216 : memref<256x64xf32, #tpu.memory_space<vmem_shared>>) target_semaphore(%run_scoped3A_213 : memref<!tpu.dma_semaphore, #tpu.memory_space<semaphore_mem>>)
      %dma_wait3A = arith.constant 0 : i32
      %dma_wait3A_217 = tpu.memref_slice %arg13[%mul3A_0, %dma_wait3A] : memref<4096x64xf32, #tpu.memory_space<vmem_shared>> -> memref<256x64xf32, #tpu.memory_space<vmem_shared>>
      %dma_wait3A_218 = arith.constant 0 : i32
      %dma_wait3A_219 = tpu.memref_slice %arg13[%mul3A_0, %dma_wait3A_218] : memref<4096x64xf32, #tpu.memory_space<vmem_shared>> -> memref<256x64xf32, #tpu.memory_space<vmem_shared>>
      tpu.wait_dma2 semaphore(%run_scoped3A_213 : memref<!tpu.dma_semaphore, #tpu.memory_space<semaphore_mem>>) src(%arg7 : memref<256x64xf32, #tpu.memory_space<vmem>>) dst(%dma_wait3A_219 : memref<256x64xf32, #tpu.memory_space<vmem_shared>>)
      tpu.yield
    }) : () -> ()
    "tpu.region"() ({
      %run_scoped3A_213 = tpu.sem_alloc : memref<!tpu.dma_semaphore, #tpu.memory_space<semaphore_mem>>
      %dma_start3A = arith.constant 0 : i32
      %dma_start3A_214 = tpu.memref_slice %arg5[%add3A_14, %mul3A_0, %dma_start3A] : memref<4x4096x64xf32, #tpu.memory_space<hbm>> -> memref<1x256x64xf32, #tpu.memory_space<hbm>>
      %dma_start3A_215 = tpu.memref_squeeze %dma_start3A_214 : memref<1x256x64xf32, #tpu.memory_space<hbm>> -> memref<256x64xf32, #tpu.memory_space<hbm>>
      %dma_start3A_216 = arith.constant 0 : i32
      %dma_start3A_217 = tpu.memref_slice %arg5[%add3A_14, %mul3A_0, %dma_start3A_216] : memref<4x4096x64xf32, #tpu.memory_space<hbm>> -> memref<1x256x64xf32, #tpu.memory_space<hbm>>
      %dma_start3A_218 = tpu.memref_squeeze %dma_start3A_217 : memref<1x256x64xf32, #tpu.memory_space<hbm>> -> memref<256x64xf32, #tpu.memory_space<hbm>>
      tpu.enqueue_dma source(%arg7 : memref<256x64xf32, #tpu.memory_space<vmem>>) target(%dma_start3A_218 : memref<256x64xf32, #tpu.memory_space<hbm>>) target_semaphore(%run_scoped3A_213 : memref<!tpu.dma_semaphore, #tpu.memory_space<semaphore_mem>>)
      %dma_wait3A = arith.constant 0 : i32
      %dma_wait3A_219 = tpu.memref_slice %arg5[%add3A_14, %mul3A_0, %dma_wait3A] : memref<4x4096x64xf32, #tpu.memory_space<hbm>> -> memref<1x256x64xf32, #tpu.memory_space<hbm>>
      %dma_wait3A_220 = tpu.memref_squeeze %dma_wait3A_219 : memref<1x256x64xf32, #tpu.memory_space<hbm>> -> memref<256x64xf32, #tpu.memory_space<hbm>>
      %dma_wait3A_221 = arith.constant 0 : i32
      %dma_wait3A_222 = tpu.memref_slice %arg5[%add3A_14, %mul3A_0, %dma_wait3A_221] : memref<4x4096x64xf32, #tpu.memory_space<hbm>> -> memref<1x256x64xf32, #tpu.memory_space<hbm>>
      %dma_wait3A_223 = tpu.memref_squeeze %dma_wait3A_222 : memref<1x256x64xf32, #tpu.memory_space<hbm>> -> memref<256x64xf32, #tpu.memory_space<hbm>>
      tpu.wait_dma2 semaphore(%run_scoped3A_213 : memref<!tpu.dma_semaphore, #tpu.memory_space<semaphore_mem>>) src(%arg7 : memref<256x64xf32, #tpu.memory_space<vmem>>) dst(%dma_wait3A_223 : memref<256x64xf32, #tpu.memory_space<hbm>>)
      tpu.yield
    }) : () -> ()
    %mul3A_28 = arith.constant 4 : i32
    %mul3A_29 = arith.muli %mul3A_28, %arg1 : i32
    %add3A_30 = arith.constant 0 : i32
    %add3A_31 = arith.addi %mul3A_29, %add3A_30 : i32
    %run_scoped3A_32 = arith.constant 1 : i32
    "tpu.region"() ({
      %run_scoped3A_213 = tpu.sem_alloc : memref<!tpu.dma_semaphore, #tpu.memory_space<semaphore_mem>>
      %dma_start3A = arith.constant 0 : i32
      %dma_start3A_214 = arith.constant 0 : i32
      %dma_start3A_215 = tpu.memref_slice %arg7[%dma_start3A, %dma_start3A_214] : memref<256x64xf32, #tpu.memory_space<vmem>> -> memref<32x64xf32, #tpu.memory_space<vmem>>
      %dma_start3A_216 = arith.constant 0 : i32
      %dma_start3A_217 = arith.constant 0 : i32
      %dma_start3A_218 = tpu.memref_slice %arg6[%arg0, %add3A_31, %dma_start3A_216, %run_scoped3A_32, %dma_start3A_217] : memref<4x64x32x4x64xf32, #tpu.memory_space<hbm>> -> memref<1x1x32x1x64xf32, #tpu.memory_space<hbm>>
      %dma_start3A_219 = tpu.memref_squeeze %dma_start3A_218 : memref<1x1x32x1x64xf32, #tpu.memory_space<hbm>> -> memref<32x64xf32, #tpu.memory_space<hbm>>
      %dma_start3A_220 = arith.constant 0 : i32
      %dma_start3A_221 = arith.constant 0 : i32
      %dma_start3A_222 = tpu.memref_slice %arg6[%arg0, %add3A_31, %dma_start3A_220, %run_scoped3A_32, %dma_start3A_221] : memref<4x64x32x4x64xf32, #tpu.memory_space<hbm>> -> memref<1x1x32x1x64xf32, #tpu.memory_space<hbm>>
      %dma_start3A_223 = tpu.memref_squeeze %dma_start3A_222 : memref<1x1x32x1x64xf32, #tpu.memory_space<hbm>> -> memref<32x64xf32, #tpu.memory_space<hbm>>
      %dma_start3A_224 = arith.constant 0 : i32
      %dma_start3A_225 = arith.constant 0 : i32
      %dma_start3A_226 = tpu.memref_slice %arg7[%dma_start3A_224, %dma_start3A_225] : memref<256x64xf32, #tpu.memory_space<vmem>> -> memref<32x64xf32, #tpu.memory_space<vmem>>
      tpu.enqueue_dma source(%dma_start3A_226 : memref<32x64xf32, #tpu.memory_space<vmem>>) target(%dma_start3A_223 : memref<32x64xf32, #tpu.memory_space<hbm>>) target_semaphore(%run_scoped3A_213 : memref<!tpu.dma_semaphore, #tpu.memory_space<semaphore_mem>>)
      %dma_wait3A = arith.constant 0 : i32
      %dma_wait3A_227 = arith.constant 0 : i32
      %dma_wait3A_228 = tpu.memref_slice %arg7[%dma_wait3A, %dma_wait3A_227] : memref<256x64xf32, #tpu.memory_space<vmem>> -> memref<32x64xf32, #tpu.memory_space<vmem>>
      %dma_wait3A_229 = arith.constant 0 : i32
      %dma_wait3A_230 = arith.constant 0 : i32
      %dma_wait3A_231 = tpu.memref_slice %arg6[%arg0, %add3A_31, %dma_wait3A_229, %run_scoped3A_32, %dma_wait3A_230] : memref<4x64x32x4x64xf32, #tpu.memory_space<hbm>> -> memref<1x1x32x1x64xf32, #tpu.memory_space<hbm>>
      %dma_wait3A_232 = tpu.memref_squeeze %dma_wait3A_231 : memref<1x1x32x1x64xf32, #tpu.memory_space<hbm>> -> memref<32x64xf32, #tpu.memory_space<hbm>>
      %dma_wait3A_233 = arith.constant 0 : i32
      %dma_wait3A_234 = arith.constant 0 : i32
      %dma_wait3A_235 = tpu.memref_slice %arg6[%arg0, %add3A_31, %dma_wait3A_233, %run_scoped3A_32, %dma_wait3A_234] : memref<4x64x32x4x64xf32, #tpu.memory_space<hbm>> -> memref<1x1x32x1x64xf32, #tpu.memory_space<hbm>>
      %dma_wait3A_236 = tpu.memref_squeeze %dma_wait3A_235 : memref<1x1x32x1x64xf32, #tpu.memory_space<hbm>> -> memref<32x64xf32, #tpu.memory_space<hbm>>
      %dma_wait3A_237 = arith.constant 0 : i32
      %dma_wait3A_238 = arith.constant 0 : i32
      %dma_wait3A_239 = tpu.memref_slice %arg7[%dma_wait3A_237, %dma_wait3A_238] : memref<256x64xf32, #tpu.memory_space<vmem>> -> memref<32x64xf32, #tpu.memory_space<vmem>>
      tpu.wait_dma2 semaphore(%run_scoped3A_213 : memref<!tpu.dma_semaphore, #tpu.memory_space<semaphore_mem>>) src(%dma_wait3A_239 : memref<32x64xf32, #tpu.memory_space<vmem>>) dst(%dma_wait3A_236 : memref<32x64xf32, #tpu.memory_space<hbm>>)
      tpu.yield
    }) : () -> ()
    %mul3A_33 = arith.constant 4 : i32
    %mul3A_34 = arith.muli %mul3A_33, %arg1 : i32
    %add3A_35 = arith.constant 1 : i32
    %add3A_36 = arith.addi %mul3A_34, %add3A_35 : i32
    %run_scoped3A_37 = arith.constant 1 : i32
    "tpu.region"() ({
      %run_scoped3A_213 = tpu.sem_alloc : memref<!tpu.dma_semaphore, #tpu.memory_space<semaphore_mem>>
      %dma_start3A = arith.constant 64 : i32
      %dma_start3A_214 = arith.constant 0 : i32
      %dma_start3A_215 = tpu.memref_slice %arg7[%dma_start3A, %dma_start3A_214] : memref<256x64xf32, #tpu.memory_space<vmem>> -> memref<32x64xf32, #tpu.memory_space<vmem>>
      %dma_start3A_216 = arith.constant 0 : i32
      %dma_start3A_217 = arith.constant 0 : i32
      %dma_start3A_218 = tpu.memref_slice %arg6[%arg0, %add3A_36, %dma_start3A_216, %run_scoped3A_37, %dma_start3A_217] : memref<4x64x32x4x64xf32, #tpu.memory_space<hbm>> -> memref<1x1x32x1x64xf32, #tpu.memory_space<hbm>>
      %dma_start3A_219 = tpu.memref_squeeze %dma_start3A_218 : memref<1x1x32x1x64xf32, #tpu.memory_space<hbm>> -> memref<32x64xf32, #tpu.memory_space<hbm>>
      %dma_start3A_220 = arith.constant 0 : i32
      %dma_start3A_221 = arith.constant 0 : i32
      %dma_start3A_222 = tpu.memref_slice %arg6[%arg0, %add3A_36, %dma_start3A_220, %run_scoped3A_37, %dma_start3A_221] : memref<4x64x32x4x64xf32, #tpu.memory_space<hbm>> -> memref<1x1x32x1x64xf32, #tpu.memory_space<hbm>>
      %dma_start3A_223 = tpu.memref_squeeze %dma_start3A_222 : memref<1x1x32x1x64xf32, #tpu.memory_space<hbm>> -> memref<32x64xf32, #tpu.memory_space<hbm>>
      %dma_start3A_224 = arith.constant 64 : i32
      %dma_start3A_225 = arith.constant 0 : i32
      %dma_start3A_226 = tpu.memref_slice %arg7[%dma_start3A_224, %dma_start3A_225] : memref<256x64xf32, #tpu.memory_space<vmem>> -> memref<32x64xf32, #tpu.memory_space<vmem>>
      tpu.enqueue_dma source(%dma_start3A_226 : memref<32x64xf32, #tpu.memory_space<vmem>>) target(%dma_start3A_223 : memref<32x64xf32, #tpu.memory_space<hbm>>) target_semaphore(%run_scoped3A_213 : memref<!tpu.dma_semaphore, #tpu.memory_space<semaphore_mem>>)
      %dma_wait3A = arith.constant 64 : i32
      %dma_wait3A_227 = arith.constant 0 : i32
      %dma_wait3A_228 = tpu.memref_slice %arg7[%dma_wait3A, %dma_wait3A_227] : memref<256x64xf32, #tpu.memory_space<vmem>> -> memref<32x64xf32, #tpu.memory_space<vmem>>
      %dma_wait3A_229 = arith.constant 0 : i32
      %dma_wait3A_230 = arith.constant 0 : i32
      %dma_wait3A_231 = tpu.memref_slice %arg6[%arg0, %add3A_36, %dma_wait3A_229, %run_scoped3A_37, %dma_wait3A_230] : memref<4x64x32x4x64xf32, #tpu.memory_space<hbm>> -> memref<1x1x32x1x64xf32, #tpu.memory_space<hbm>>
      %dma_wait3A_232 = tpu.memref_squeeze %dma_wait3A_231 : memref<1x1x32x1x64xf32, #tpu.memory_space<hbm>> -> memref<32x64xf32, #tpu.memory_space<hbm>>
      %dma_wait3A_233 = arith.constant 0 : i32
      %dma_wait3A_234 = arith.constant 0 : i32
      %dma_wait3A_235 = tpu.memref_slice %arg6[%arg0, %add3A_36, %dma_wait3A_233, %run_scoped3A_37, %dma_wait3A_234] : memref<4x64x32x4x64xf32, #tpu.memory_space<hbm>> -> memref<1x1x32x1x64xf32, #tpu.memory_space<hbm>>
      %dma_wait3A_236 = tpu.memref_squeeze %dma_wait3A_235 : memref<1x1x32x1x64xf32, #tpu.memory_space<hbm>> -> memref<32x64xf32, #tpu.memory_space<hbm>>
      %dma_wait3A_237 = arith.constant 64 : i32
      %dma_wait3A_238 = arith.constant 0 : i32
      %dma_wait3A_239 = tpu.memref_slice %arg7[%dma_wait3A_237, %dma_wait3A_238] : memref<256x64xf32, #tpu.memory_space<vmem>> -> memref<32x64xf32, #tpu.memory_space<vmem>>
      tpu.wait_dma2 semaphore(%run_scoped3A_213 : memref<!tpu.dma_semaphore, #tpu.memory_space<semaphore_mem>>) src(%dma_wait3A_239 : memref<32x64xf32, #tpu.memory_space<vmem>>) dst(%dma_wait3A_236 : memref<32x64xf32, #tpu.memory_space<hbm>>)
      tpu.yield
    }) : () -> ()
    %mul3A_38 = arith.constant 4 : i32
    %mul3A_39 = arith.muli %mul3A_38, %arg1 : i32
    %add3A_40 = arith.constant 2 : i32
    %add3A_41 = arith.addi %mul3A_39, %add3A_40 : i32
    %run_scoped3A_42 = arith.constant 1 : i32
    "tpu.region"() ({
      %run_scoped3A_213 = tpu.sem_alloc : memref<!tpu.dma_semaphore, #tpu.memory_space<semaphore_mem>>
      %dma_start3A = arith.constant 128 : i32
      %dma_start3A_214 = arith.constant 0 : i32
      %dma_start3A_215 = tpu.memref_slice %arg7[%dma_start3A, %dma_start3A_214] : memref<256x64xf32, #tpu.memory_space<vmem>> -> memref<32x64xf32, #tpu.memory_space<vmem>>
      %dma_start3A_216 = arith.constant 0 : i32
      %dma_start3A_217 = arith.constant 0 : i32
      %dma_start3A_218 = tpu.memref_slice %arg6[%arg0, %add3A_41, %dma_start3A_216, %run_scoped3A_42, %dma_start3A_217] : memref<4x64x32x4x64xf32, #tpu.memory_space<hbm>> -> memref<1x1x32x1x64xf32, #tpu.memory_space<hbm>>
      %dma_start3A_219 = tpu.memref_squeeze %dma_start3A_218 : memref<1x1x32x1x64xf32, #tpu.memory_space<hbm>> -> memref<32x64xf32, #tpu.memory_space<hbm>>
      %dma_start3A_220 = arith.constant 0 : i32
      %dma_start3A_221 = arith.constant 0 : i32
      %dma_start3A_222 = tpu.memref_slice %arg6[%arg0, %add3A_41, %dma_start3A_220, %run_scoped3A_42, %dma_start3A_221] : memref<4x64x32x4x64xf32, #tpu.memory_space<hbm>> -> memref<1x1x32x1x64xf32, #tpu.memory_space<hbm>>
      %dma_start3A_223 = tpu.memref_squeeze %dma_start3A_222 : memref<1x1x32x1x64xf32, #tpu.memory_space<hbm>> -> memref<32x64xf32, #tpu.memory_space<hbm>>
      %dma_start3A_224 = arith.constant 128 : i32
      %dma_start3A_225 = arith.constant 0 : i32
      %dma_start3A_226 = tpu.memref_slice %arg7[%dma_start3A_224, %dma_start3A_225] : memref<256x64xf32, #tpu.memory_space<vmem>> -> memref<32x64xf32, #tpu.memory_space<vmem>>
      tpu.enqueue_dma source(%dma_start3A_226 : memref<32x64xf32, #tpu.memory_space<vmem>>) target(%dma_start3A_223 : memref<32x64xf32, #tpu.memory_space<hbm>>) target_semaphore(%run_scoped3A_213 : memref<!tpu.dma_semaphore, #tpu.memory_space<semaphore_mem>>)
      %dma_wait3A = arith.constant 128 : i32
      %dma_wait3A_227 = arith.constant 0 : i32
      %dma_wait3A_228 = tpu.memref_slice %arg7[%dma_wait3A, %dma_wait3A_227] : memref<256x64xf32, #tpu.memory_space<vmem>> -> memref<32x64xf32, #tpu.memory_space<vmem>>
      %dma_wait3A_229 = arith.constant 0 : i32
      %dma_wait3A_230 = arith.constant 0 : i32
      %dma_wait3A_231 = tpu.memref_slice %arg6[%arg0, %add3A_41, %dma_wait3A_229, %run_scoped3A_42, %dma_wait3A_230] : memref<4x64x32x4x64xf32, #tpu.memory_space<hbm>> -> memref<1x1x32x1x64xf32, #tpu.memory_space<hbm>>
      %dma_wait3A_232 = tpu.memref_squeeze %dma_wait3A_231 : memref<1x1x32x1x64xf32, #tpu.memory_space<hbm>> -> memref<32x64xf32, #tpu.memory_space<hbm>>
      %dma_wait3A_233 = arith.constant 0 : i32
      %dma_wait3A_234 = arith.constant 0 : i32
      %dma_wait3A_235 = tpu.memref_slice %arg6[%arg0, %add3A_41, %dma_wait3A_233, %run_scoped3A_42, %dma_wait3A_234] : memref<4x64x32x4x64xf32, #tpu.memory_space<hbm>> -> memref<1x1x32x1x64xf32, #tpu.memory_space<hbm>>
      %dma_wait3A_236 = tpu.memref_squeeze %dma_wait3A_235 : memref<1x1x32x1x64xf32, #tpu.memory_space<hbm>> -> memref<32x64xf32, #tpu.memory_space<hbm>>
      %dma_wait3A_237 = arith.constant 128 : i32
      %dma_wait3A_238 = arith.constant 0 : i32
      %dma_wait3A_239 = tpu.memref_slice %arg7[%dma_wait3A_237, %dma_wait3A_238] : memref<256x64xf32, #tpu.memory_space<vmem>> -> memref<32x64xf32, #tpu.memory_space<vmem>>
      tpu.wait_dma2 semaphore(%run_scoped3A_213 : memref<!tpu.dma_semaphore, #tpu.memory_space<semaphore_mem>>) src(%dma_wait3A_239 : memref<32x64xf32, #tpu.memory_space<vmem>>) dst(%dma_wait3A_236 : memref<32x64xf32, #tpu.memory_space<hbm>>)
      tpu.yield
    }) : () -> ()
    %mul3A_43 = arith.constant 4 : i32
    %mul3A_44 = arith.muli %mul3A_43, %arg1 : i32
    %add3A_45 = arith.constant 3 : i32
    %add3A_46 = arith.addi %mul3A_44, %add3A_45 : i32
    %run_scoped3A_47 = arith.constant 1 : i32
    "tpu.region"() ({
      %run_scoped3A_213 = tpu.sem_alloc : memref<!tpu.dma_semaphore, #tpu.memory_space<semaphore_mem>>
      %dma_start3A = arith.constant 192 : i32
      %dma_start3A_214 = arith.constant 0 : i32
      %dma_start3A_215 = tpu.memref_slice %arg7[%dma_start3A, %dma_start3A_214] : memref<256x64xf32, #tpu.memory_space<vmem>> -> memref<32x64xf32, #tpu.memory_space<vmem>>
      %dma_start3A_216 = arith.constant 0 : i32
      %dma_start3A_217 = arith.constant 0 : i32
      %dma_start3A_218 = tpu.memref_slice %arg6[%arg0, %add3A_46, %dma_start3A_216, %run_scoped3A_47, %dma_start3A_217] : memref<4x64x32x4x64xf32, #tpu.memory_space<hbm>> -> memref<1x1x32x1x64xf32, #tpu.memory_space<hbm>>
      %dma_start3A_219 = tpu.memref_squeeze %dma_start3A_218 : memref<1x1x32x1x64xf32, #tpu.memory_space<hbm>> -> memref<32x64xf32, #tpu.memory_space<hbm>>
      %dma_start3A_220 = arith.constant 0 : i32
      %dma_start3A_221 = arith.constant 0 : i32
      %dma_start3A_222 = tpu.memref_slice %arg6[%arg0, %add3A_46, %dma_start3A_220, %run_scoped3A_47, %dma_start3A_221] : memref<4x64x32x4x64xf32, #tpu.memory_space<hbm>> -> memref<1x1x32x1x64xf32, #tpu.memory_space<hbm>>
      %dma_start3A_223 = tpu.memref_squeeze %dma_start3A_222 : memref<1x1x32x1x64xf32, #tpu.memory_space<hbm>> -> memref<32x64xf32, #tpu.memory_space<hbm>>
      %dma_start3A_224 = arith.constant 192 : i32
      %dma_start3A_225 = arith.constant 0 : i32
      %dma_start3A_226 = tpu.memref_slice %arg7[%dma_start3A_224, %dma_start3A_225] : memref<256x64xf32, #tpu.memory_space<vmem>> -> memref<32x64xf32, #tpu.memory_space<vmem>>
      tpu.enqueue_dma source(%dma_start3A_226 : memref<32x64xf32, #tpu.memory_space<vmem>>) target(%dma_start3A_223 : memref<32x64xf32, #tpu.memory_space<hbm>>) target_semaphore(%run_scoped3A_213 : memref<!tpu.dma_semaphore, #tpu.memory_space<semaphore_mem>>)
      %dma_wait3A = arith.constant 192 : i32
      %dma_wait3A_227 = arith.constant 0 : i32
      %dma_wait3A_228 = tpu.memref_slice %arg7[%dma_wait3A, %dma_wait3A_227] : memref<256x64xf32, #tpu.memory_space<vmem>> -> memref<32x64xf32, #tpu.memory_space<vmem>>
      %dma_wait3A_229 = arith.constant 0 : i32
      %dma_wait3A_230 = arith.constant 0 : i32
      %dma_wait3A_231 = tpu.memref_slice %arg6[%arg0, %add3A_46, %dma_wait3A_229, %run_scoped3A_47, %dma_wait3A_230] : memref<4x64x32x4x64xf32, #tpu.memory_space<hbm>> -> memref<1x1x32x1x64xf32, #tpu.memory_space<hbm>>
      %dma_wait3A_232 = tpu.memref_squeeze %dma_wait3A_231 : memref<1x1x32x1x64xf32, #tpu.memory_space<hbm>> -> memref<32x64xf32, #tpu.memory_space<hbm>>
      %dma_wait3A_233 = arith.constant 0 : i32
      %dma_wait3A_234 = arith.constant 0 : i32
      %dma_wait3A_235 = tpu.memref_slice %arg6[%arg0, %add3A_46, %dma_wait3A_233, %run_scoped3A_47, %dma_wait3A_234] : memref<4x64x32x4x64xf32, #tpu.memory_space<hbm>> -> memref<1x1x32x1x64xf32, #tpu.memory_space<hbm>>
      %dma_wait3A_236 = tpu.memref_squeeze %dma_wait3A_235 : memref<1x1x32x1x64xf32, #tpu.memory_space<hbm>> -> memref<32x64xf32, #tpu.memory_space<hbm>>
      %dma_wait3A_237 = arith.constant 192 : i32
      %dma_wait3A_238 = arith.constant 0 : i32
      %dma_wait3A_239 = tpu.memref_slice %arg7[%dma_wait3A_237, %dma_wait3A_238] : memref<256x64xf32, #tpu.memory_space<vmem>> -> memref<32x64xf32, #tpu.memory_space<vmem>>
      tpu.wait_dma2 semaphore(%run_scoped3A_213 : memref<!tpu.dma_semaphore, #tpu.memory_space<semaphore_mem>>) src(%dma_wait3A_239 : memref<32x64xf32, #tpu.memory_space<vmem>>) dst(%dma_wait3A_236 : memref<32x64xf32, #tpu.memory_space<hbm>>)
      tpu.yield
    }) : () -> ()
    %barrier3A_48 = arith.constant 0 : index
    tpu.barrier barrier_id(%barrier3A_48)
    %run_scoped3A_49 = arith.constant 0 : i32
    "tpu.region"() ({
      %run_scoped3A_213 = tpu.sem_alloc : memref<!tpu.dma_semaphore, #tpu.memory_space<semaphore_mem>>
      %dma_start3A = arith.constant 0 : i32
      %dma_start3A_214 = arith.constant 0 : i32
      %dma_start3A_215 = tpu.memref_slice %arg7[%dma_start3A, %dma_start3A_214] : memref<256x64xf32, #tpu.memory_space<vmem>> -> memref<128x64xf32, #tpu.memory_space<vmem>>
      %dma_start3A_216 = arith.constant 0 : i32
      %dma_start3A_217 = tpu.memref_slice %arg10[%run_scoped3A_49, %dma_start3A_216] : memref<2x128xi32, #tpu.memory_space<vmem>> -> memref<1x128xi32, #tpu.memory_space<vmem>>
      %dma_start3A_218 = tpu.memref_squeeze %dma_start3A_217 : memref<1x128xi32, #tpu.memory_space<vmem>> -> memref<128xi32, #tpu.memory_space<vmem>>
      %dma_start3A_219 = arith.constant 0 : i32
      %dma_start3A_220 = arith.constant 0 : i32
      %dma_start3A_221 = tpu.memref_slice %arg13[%dma_start3A_219, %dma_start3A_220] : memref<4096x64xf32, #tpu.memory_space<vmem_shared>> -> memref<4096x64xf32, #tpu.memory_space<vmem_shared>>
      tpu.enqueue_indirect_dma source(%dma_start3A_221 : memref<4096x64xf32, #tpu.memory_space<vmem_shared>>) target(%dma_start3A_215 : memref<128x64xf32, #tpu.memory_space<vmem>>) offsets(%dma_start3A_218 : memref<128xi32, #tpu.memory_space<vmem>>) semaphore(%run_scoped3A_213 : memref<!tpu.dma_semaphore, #tpu.memory_space<semaphore_mem>>)
      %dma_wait3A = arith.constant 0 : i32
      %dma_wait3A_222 = arith.constant 0 : i32
      %dma_wait3A_223 = tpu.memref_slice %arg7[%dma_wait3A, %dma_wait3A_222] : memref<256x64xf32, #tpu.memory_space<vmem>> -> memref<128x64xf32, #tpu.memory_space<vmem>>
      %dma_wait3A_224 = arith.constant 0 : i32
      %dma_wait3A_225 = tpu.memref_slice %arg10[%run_scoped3A_49, %dma_wait3A_224] : memref<2x128xi32, #tpu.memory_space<vmem>> -> memref<1x128xi32, #tpu.memory_space<vmem>>
      %dma_wait3A_226 = tpu.memref_squeeze %dma_wait3A_225 : memref<1x128xi32, #tpu.memory_space<vmem>> -> memref<128xi32, #tpu.memory_space<vmem>>
      %dma_wait3A_227 = arith.constant 0 : i32
      %dma_wait3A_228 = arith.constant 0 : i32
      %dma_wait3A_229 = tpu.memref_slice %arg13[%dma_wait3A_227, %dma_wait3A_228] : memref<4096x64xf32, #tpu.memory_space<vmem_shared>> -> memref<4096x64xf32, #tpu.memory_space<vmem_shared>>
      tpu.wait_indirect_dma semaphore(%run_scoped3A_213 : memref<!tpu.dma_semaphore, #tpu.memory_space<semaphore_mem>>) src(%dma_wait3A_229 : memref<4096x64xf32, #tpu.memory_space<vmem_shared>>) dst(%dma_wait3A_223 : memref<128x64xf32, #tpu.memory_space<vmem>>)
      tpu.yield
    }) : () -> ()
    %run_scoped3A_50 = arith.constant 1 : i32
    "tpu.region"() ({
      %run_scoped3A_213 = tpu.sem_alloc : memref<!tpu.dma_semaphore, #tpu.memory_space<semaphore_mem>>
      %dma_start3A = arith.constant 128 : i32
      %dma_start3A_214 = arith.constant 0 : i32
      %dma_start3A_215 = tpu.memref_slice %arg7[%dma_start3A, %dma_start3A_214] : memref<256x64xf32, #tpu.memory_space<vmem>> -> memref<128x64xf32, #tpu.memory_space<vmem>>
      %dma_start3A_216 = arith.constant 0 : i32
      %dma_start3A_217 = tpu.memref_slice %arg10[%run_scoped3A_50, %dma_start3A_216] : memref<2x128xi32, #tpu.memory_space<vmem>> -> memref<1x128xi32, #tpu.memory_space<vmem>>
      %dma_start3A_218 = tpu.memref_squeeze %dma_start3A_217 : memref<1x128xi32, #tpu.memory_space<vmem>> -> memref<128xi32, #tpu.memory_space<vmem>>
      %dma_start3A_219 = arith.constant 0 : i32
      %dma_start3A_220 = arith.constant 0 : i32
      %dma_start3A_221 = tpu.memref_slice %arg13[%dma_start3A_219, %dma_start3A_220] : memref<4096x64xf32, #tpu.memory_space<vmem_shared>> -> memref<4096x64xf32, #tpu.memory_space<vmem_shared>>
      tpu.enqueue_indirect_dma source(%dma_start3A_221 : memref<4096x64xf32, #tpu.memory_space<vmem_shared>>) target(%dma_start3A_215 : memref<128x64xf32, #tpu.memory_space<vmem>>) offsets(%dma_start3A_218 : memref<128xi32, #tpu.memory_space<vmem>>) semaphore(%run_scoped3A_213 : memref<!tpu.dma_semaphore, #tpu.memory_space<semaphore_mem>>)
      %dma_wait3A = arith.constant 128 : i32
      %dma_wait3A_222 = arith.constant 0 : i32
      %dma_wait3A_223 = tpu.memref_slice %arg7[%dma_wait3A, %dma_wait3A_222] : memref<256x64xf32, #tpu.memory_space<vmem>> -> memref<128x64xf32, #tpu.memory_space<vmem>>
      %dma_wait3A_224 = arith.constant 0 : i32
      %dma_wait3A_225 = tpu.memref_slice %arg10[%run_scoped3A_50, %dma_wait3A_224] : memref<2x128xi32, #tpu.memory_space<vmem>> -> memref<1x128xi32, #tpu.memory_space<vmem>>
      %dma_wait3A_226 = tpu.memref_squeeze %dma_wait3A_225 : memref<1x128xi32, #tpu.memory_space<vmem>> -> memref<128xi32, #tpu.memory_space<vmem>>
      %dma_wait3A_227 = arith.constant 0 : i32
      %dma_wait3A_228 = arith.constant 0 : i32
      %dma_wait3A_229 = tpu.memref_slice %arg13[%dma_wait3A_227, %dma_wait3A_228] : memref<4096x64xf32, #tpu.memory_space<vmem_shared>> -> memref<4096x64xf32, #tpu.memory_space<vmem_shared>>
      tpu.wait_indirect_dma semaphore(%run_scoped3A_213 : memref<!tpu.dma_semaphore, #tpu.memory_space<semaphore_mem>>) src(%dma_wait3A_229 : memref<4096x64xf32, #tpu.memory_space<vmem_shared>>) dst(%dma_wait3A_223 : memref<128x64xf32, #tpu.memory_space<vmem>>)
      tpu.yield
    }) : () -> ()
    %mul3A_51 = arith.constant 4 : i32
    %mul3A_52 = arith.muli %mul3A_51, %arg1 : i32
    %add3A_53 = arith.constant 0 : i32
    %add3A_54 = arith.addi %mul3A_52, %add3A_53 : i32
    %run_scoped3A_55 = arith.constant 0 : i32
    "tpu.region"() ({
      %run_scoped3A_213 = tpu.sem_alloc : memref<!tpu.dma_semaphore, #tpu.memory_space<semaphore_mem>>
      %dma_start3A = arith.constant 0 : i32
      %dma_start3A_214 = arith.constant 0 : i32
      %dma_start3A_215 = tpu.memref_slice %arg7[%dma_start3A, %dma_start3A_214] : memref<256x64xf32, #tpu.memory_space<vmem>> -> memref<32x64xf32, #tpu.memory_space<vmem>>
      %dma_start3A_216 = arith.constant 0 : i32
      %dma_start3A_217 = arith.constant 0 : i32
      %dma_start3A_218 = tpu.memref_slice %arg6[%add3A_14, %add3A_54, %dma_start3A_216, %run_scoped3A_55, %dma_start3A_217] : memref<4x64x32x4x64xf32, #tpu.memory_space<hbm>> -> memref<1x1x32x1x64xf32, #tpu.memory_space<hbm>>
      %dma_start3A_219 = tpu.memref_squeeze %dma_start3A_218 : memref<1x1x32x1x64xf32, #tpu.memory_space<hbm>> -> memref<32x64xf32, #tpu.memory_space<hbm>>
      %dma_start3A_220 = arith.constant 0 : i32
      %dma_start3A_221 = arith.constant 0 : i32
      %dma_start3A_222 = tpu.memref_slice %arg6[%add3A_14, %add3A_54, %dma_start3A_220, %run_scoped3A_55, %dma_start3A_221] : memref<4x64x32x4x64xf32, #tpu.memory_space<hbm>> -> memref<1x1x32x1x64xf32, #tpu.memory_space<hbm>>
      %dma_start3A_223 = tpu.memref_squeeze %dma_start3A_222 : memref<1x1x32x1x64xf32, #tpu.memory_space<hbm>> -> memref<32x64xf32, #tpu.memory_space<hbm>>
      %dma_start3A_224 = arith.constant 0 : i32
      %dma_start3A_225 = arith.constant 0 : i32
      %dma_start3A_226 = tpu.memref_slice %arg7[%dma_start3A_224, %dma_start3A_225] : memref<256x64xf32, #tpu.memory_space<vmem>> -> memref<32x64xf32, #tpu.memory_space<vmem>>
      tpu.enqueue_dma source(%dma_start3A_226 : memref<32x64xf32, #tpu.memory_space<vmem>>) target(%dma_start3A_223 : memref<32x64xf32, #tpu.memory_space<hbm>>) target_semaphore(%run_scoped3A_213 : memref<!tpu.dma_semaphore, #tpu.memory_space<semaphore_mem>>)
      %dma_wait3A = arith.constant 0 : i32
      %dma_wait3A_227 = arith.constant 0 : i32
      %dma_wait3A_228 = tpu.memref_slice %arg7[%dma_wait3A, %dma_wait3A_227] : memref<256x64xf32, #tpu.memory_space<vmem>> -> memref<32x64xf32, #tpu.memory_space<vmem>>
      %dma_wait3A_229 = arith.constant 0 : i32
      %dma_wait3A_230 = arith.constant 0 : i32
      %dma_wait3A_231 = tpu.memref_slice %arg6[%add3A_14, %add3A_54, %dma_wait3A_229, %run_scoped3A_55, %dma_wait3A_230] : memref<4x64x32x4x64xf32, #tpu.memory_space<hbm>> -> memref<1x1x32x1x64xf32, #tpu.memory_space<hbm>>
      %dma_wait3A_232 = tpu.memref_squeeze %dma_wait3A_231 : memref<1x1x32x1x64xf32, #tpu.memory_space<hbm>> -> memref<32x64xf32, #tpu.memory_space<hbm>>
      %dma_wait3A_233 = arith.constant 0 : i32
      %dma_wait3A_234 = arith.constant 0 : i32
      %dma_wait3A_235 = tpu.memref_slice %arg6[%add3A_14, %add3A_54, %dma_wait3A_233, %run_scoped3A_55, %dma_wait3A_234] : memref<4x64x32x4x64xf32, #tpu.memory_space<hbm>> -> memref<1x1x32x1x64xf32, #tpu.memory_space<hbm>>
      %dma_wait3A_236 = tpu.memref_squeeze %dma_wait3A_235 : memref<1x1x32x1x64xf32, #tpu.memory_space<hbm>> -> memref<32x64xf32, #tpu.memory_space<hbm>>
      %dma_wait3A_237 = arith.constant 0 : i32
      %dma_wait3A_238 = arith.constant 0 : i32
      %dma_wait3A_239 = tpu.memref_slice %arg7[%dma_wait3A_237, %dma_wait3A_238] : memref<256x64xf32, #tpu.memory_space<vmem>> -> memref<32x64xf32, #tpu.memory_space<vmem>>
      tpu.wait_dma2 semaphore(%run_scoped3A_213 : memref<!tpu.dma_semaphore, #tpu.memory_space<semaphore_mem>>) src(%dma_wait3A_239 : memref<32x64xf32, #tpu.memory_space<vmem>>) dst(%dma_wait3A_236 : memref<32x64xf32, #tpu.memory_space<hbm>>)
      tpu.yield
    }) : () -> ()
    %mul3A_56 = arith.constant 4 : i32
    %mul3A_57 = arith.muli %mul3A_56, %arg1 : i32
    %add3A_58 = arith.constant 0 : i32
    %add3A_59 = arith.addi %mul3A_57, %add3A_58 : i32
    %run_scoped3A_60 = arith.constant 2 : i32
    "tpu.region"() ({
      %run_scoped3A_213 = tpu.sem_alloc : memref<!tpu.dma_semaphore, #tpu.memory_space<semaphore_mem>>
      %dma_start3A = arith.constant 128 : i32
      %dma_start3A_214 = arith.constant 0 : i32
      %dma_start3A_215 = tpu.memref_slice %arg7[%dma_start3A, %dma_start3A_214] : memref<256x64xf32, #tpu.memory_space<vmem>> -> memref<32x64xf32, #tpu.memory_space<vmem>>
      %dma_start3A_216 = arith.constant 0 : i32
      %dma_start3A_217 = arith.constant 0 : i32
      %dma_start3A_218 = tpu.memref_slice %arg6[%add3A_14, %add3A_59, %dma_start3A_216, %run_scoped3A_60, %dma_start3A_217] : memref<4x64x32x4x64xf32, #tpu.memory_space<hbm>> -> memref<1x1x32x1x64xf32, #tpu.memory_space<hbm>>
      %dma_start3A_219 = tpu.memref_squeeze %dma_start3A_218 : memref<1x1x32x1x64xf32, #tpu.memory_space<hbm>> -> memref<32x64xf32, #tpu.memory_space<hbm>>
      %dma_start3A_220 = arith.constant 0 : i32
      %dma_start3A_221 = arith.constant 0 : i32
      %dma_start3A_222 = tpu.memref_slice %arg6[%add3A_14, %add3A_59, %dma_start3A_220, %run_scoped3A_60, %dma_start3A_221] : memref<4x64x32x4x64xf32, #tpu.memory_space<hbm>> -> memref<1x1x32x1x64xf32, #tpu.memory_space<hbm>>
      %dma_start3A_223 = tpu.memref_squeeze %dma_start3A_222 : memref<1x1x32x1x64xf32, #tpu.memory_space<hbm>> -> memref<32x64xf32, #tpu.memory_space<hbm>>
      %dma_start3A_224 = arith.constant 128 : i32
      %dma_start3A_225 = arith.constant 0 : i32
      %dma_start3A_226 = tpu.memref_slice %arg7[%dma_start3A_224, %dma_start3A_225] : memref<256x64xf32, #tpu.memory_space<vmem>> -> memref<32x64xf32, #tpu.memory_space<vmem>>
      tpu.enqueue_dma source(%dma_start3A_226 : memref<32x64xf32, #tpu.memory_space<vmem>>) target(%dma_start3A_223 : memref<32x64xf32, #tpu.memory_space<hbm>>) target_semaphore(%run_scoped3A_213 : memref<!tpu.dma_semaphore, #tpu.memory_space<semaphore_mem>>)
      %dma_wait3A = arith.constant 128 : i32
      %dma_wait3A_227 = arith.constant 0 : i32
      %dma_wait3A_228 = tpu.memref_slice %arg7[%dma_wait3A, %dma_wait3A_227] : memref<256x64xf32, #tpu.memory_space<vmem>> -> memref<32x64xf32, #tpu.memory_space<vmem>>
      %dma_wait3A_229 = arith.constant 0 : i32
      %dma_wait3A_230 = arith.constant 0 : i32
      %dma_wait3A_231 = tpu.memref_slice %arg6[%add3A_14, %add3A_59, %dma_wait3A_229, %run_scoped3A_60, %dma_wait3A_230] : memref<4x64x32x4x64xf32, #tpu.memory_space<hbm>> -> memref<1x1x32x1x64xf32, #tpu.memory_space<hbm>>
      %dma_wait3A_232 = tpu.memref_squeeze %dma_wait3A_231 : memref<1x1x32x1x64xf32, #tpu.memory_space<hbm>> -> memref<32x64xf32, #tpu.memory_space<hbm>>
      %dma_wait3A_233 = arith.constant 0 : i32
      %dma_wait3A_234 = arith.constant 0 : i32
      %dma_wait3A_235 = tpu.memref_slice %arg6[%add3A_14, %add3A_59, %dma_wait3A_233, %run_scoped3A_60, %dma_wait3A_234] : memref<4x64x32x4x64xf32, #tpu.memory_space<hbm>> -> memref<1x1x32x1x64xf32, #tpu.memory_space<hbm>>
      %dma_wait3A_236 = tpu.memref_squeeze %dma_wait3A_235 : memref<1x1x32x1x64xf32, #tpu.memory_space<hbm>> -> memref<32x64xf32, #tpu.memory_space<hbm>>
      %dma_wait3A_237 = arith.constant 128 : i32
      %dma_wait3A_238 = arith.constant 0 : i32
      %dma_wait3A_239 = tpu.memref_slice %arg7[%dma_wait3A_237, %dma_wait3A_238] : memref<256x64xf32, #tpu.memory_space<vmem>> -> memref<32x64xf32, #tpu.memory_space<vmem>>
      tpu.wait_dma2 semaphore(%run_scoped3A_213 : memref<!tpu.dma_semaphore, #tpu.memory_space<semaphore_mem>>) src(%dma_wait3A_239 : memref<32x64xf32, #tpu.memory_space<vmem>>) dst(%dma_wait3A_236 : memref<32x64xf32, #tpu.memory_space<hbm>>)
      tpu.yield
    }) : () -> ()
    %mul3A_61 = arith.constant 4 : i32
    %mul3A_62 = arith.muli %mul3A_61, %arg1 : i32
    %add3A_63 = arith.constant 1 : i32
    %add3A_64 = arith.addi %mul3A_62, %add3A_63 : i32
    %run_scoped3A_65 = arith.constant 0 : i32
    "tpu.region"() ({
      %run_scoped3A_213 = tpu.sem_alloc : memref<!tpu.dma_semaphore, #tpu.memory_space<semaphore_mem>>
      %dma_start3A = arith.constant 32 : i32
      %dma_start3A_214 = arith.constant 0 : i32
      %dma_start3A_215 = tpu.memref_slice %arg7[%dma_start3A, %dma_start3A_214] : memref<256x64xf32, #tpu.memory_space<vmem>> -> memref<32x64xf32, #tpu.memory_space<vmem>>
      %dma_start3A_216 = arith.constant 0 : i32
      %dma_start3A_217 = arith.constant 0 : i32
      %dma_start3A_218 = tpu.memref_slice %arg6[%add3A_14, %add3A_64, %dma_start3A_216, %run_scoped3A_65, %dma_start3A_217] : memref<4x64x32x4x64xf32, #tpu.memory_space<hbm>> -> memref<1x1x32x1x64xf32, #tpu.memory_space<hbm>>
      %dma_start3A_219 = tpu.memref_squeeze %dma_start3A_218 : memref<1x1x32x1x64xf32, #tpu.memory_space<hbm>> -> memref<32x64xf32, #tpu.memory_space<hbm>>
      %dma_start3A_220 = arith.constant 0 : i32
      %dma_start3A_221 = arith.constant 0 : i32
      %dma_start3A_222 = tpu.memref_slice %arg6[%add3A_14, %add3A_64, %dma_start3A_220, %run_scoped3A_65, %dma_start3A_221] : memref<4x64x32x4x64xf32, #tpu.memory_space<hbm>> -> memref<1x1x32x1x64xf32, #tpu.memory_space<hbm>>
      %dma_start3A_223 = tpu.memref_squeeze %dma_start3A_222 : memref<1x1x32x1x64xf32, #tpu.memory_space<hbm>> -> memref<32x64xf32, #tpu.memory_space<hbm>>
      %dma_start3A_224 = arith.constant 32 : i32
      %dma_start3A_225 = arith.constant 0 : i32
      %dma_start3A_226 = tpu.memref_slice %arg7[%dma_start3A_224, %dma_start3A_225] : memref<256x64xf32, #tpu.memory_space<vmem>> -> memref<32x64xf32, #tpu.memory_space<vmem>>
      tpu.enqueue_dma source(%dma_start3A_226 : memref<32x64xf32, #tpu.memory_space<vmem>>) target(%dma_start3A_223 : memref<32x64xf32, #tpu.memory_space<hbm>>) target_semaphore(%run_scoped3A_213 : memref<!tpu.dma_semaphore, #tpu.memory_space<semaphore_mem>>)
      %dma_wait3A = arith.constant 32 : i32
      %dma_wait3A_227 = arith.constant 0 : i32
      %dma_wait3A_228 = tpu.memref_slice %arg7[%dma_wait3A, %dma_wait3A_227] : memref<256x64xf32, #tpu.memory_space<vmem>> -> memref<32x64xf32, #tpu.memory_space<vmem>>
      %dma_wait3A_229 = arith.constant 0 : i32
      %dma_wait3A_230 = arith.constant 0 : i32
      %dma_wait3A_231 = tpu.memref_slice %arg6[%add3A_14, %add3A_64, %dma_wait3A_229, %run_scoped3A_65, %dma_wait3A_230] : memref<4x64x32x4x64xf32, #tpu.memory_space<hbm>> -> memref<1x1x32x1x64xf32, #tpu.memory_space<hbm>>
      %dma_wait3A_232 = tpu.memref_squeeze %dma_wait3A_231 : memref<1x1x32x1x64xf32, #tpu.memory_space<hbm>> -> memref<32x64xf32, #tpu.memory_space<hbm>>
      %dma_wait3A_233 = arith.constant 0 : i32
      %dma_wait3A_234 = arith.constant 0 : i32
      %dma_wait3A_235 = tpu.memref_slice %arg6[%add3A_14, %add3A_64, %dma_wait3A_233, %run_scoped3A_65, %dma_wait3A_234] : memref<4x64x32x4x64xf32, #tpu.memory_space<hbm>> -> memref<1x1x32x1x64xf32, #tpu.memory_space<hbm>>
      %dma_wait3A_236 = tpu.memref_squeeze %dma_wait3A_235 : memref<1x1x32x1x64xf32, #tpu.memory_space<hbm>> -> memref<32x64xf32, #tpu.memory_space<hbm>>
      %dma_wait3A_237 = arith.constant 32 : i32
      %dma_wait3A_238 = arith.constant 0 : i32
      %dma_wait3A_239 = tpu.memref_slice %arg7[%dma_wait3A_237, %dma_wait3A_238] : memref<256x64xf32, #tpu.memory_space<vmem>> -> memref<32x64xf32, #tpu.memory_space<vmem>>
      tpu.wait_dma2 semaphore(%run_scoped3A_213 : memref<!tpu.dma_semaphore, #tpu.memory_space<semaphore_mem>>) src(%dma_wait3A_239 : memref<32x64xf32, #tpu.memory_space<vmem>>) dst(%dma_wait3A_236 : memref<32x64xf32, #tpu.memory_space<hbm>>)
      tpu.yield
    }) : () -> ()
    %mul3A_66 = arith.constant 4 : i32
    %mul3A_67 = arith.muli %mul3A_66, %arg1 : i32
    %add3A_68 = arith.constant 1 : i32
    %add3A_69 = arith.addi %mul3A_67, %add3A_68 : i32
    %run_scoped3A_70 = arith.constant 2 : i32
    "tpu.region"() ({
      %run_scoped3A_213 = tpu.sem_alloc : memref<!tpu.dma_semaphore, #tpu.memory_space<semaphore_mem>>
      %dma_start3A = arith.constant 160 : i32
      %dma_start3A_214 = arith.constant 0 : i32
      %dma_start3A_215 = tpu.memref_slice %arg7[%dma_start3A, %dma_start3A_214] : memref<256x64xf32, #tpu.memory_space<vmem>> -> memref<32x64xf32, #tpu.memory_space<vmem>>
      %dma_start3A_216 = arith.constant 0 : i32
      %dma_start3A_217 = arith.constant 0 : i32
      %dma_start3A_218 = tpu.memref_slice %arg6[%add3A_14, %add3A_69, %dma_start3A_216, %run_scoped3A_70, %dma_start3A_217] : memref<4x64x32x4x64xf32, #tpu.memory_space<hbm>> -> memref<1x1x32x1x64xf32, #tpu.memory_space<hbm>>
      %dma_start3A_219 = tpu.memref_squeeze %dma_start3A_218 : memref<1x1x32x1x64xf32, #tpu.memory_space<hbm>> -> memref<32x64xf32, #tpu.memory_space<hbm>>
      %dma_start3A_220 = arith.constant 0 : i32
      %dma_start3A_221 = arith.constant 0 : i32
      %dma_start3A_222 = tpu.memref_slice %arg6[%add3A_14, %add3A_69, %dma_start3A_220, %run_scoped3A_70, %dma_start3A_221] : memref<4x64x32x4x64xf32, #tpu.memory_space<hbm>> -> memref<1x1x32x1x64xf32, #tpu.memory_space<hbm>>
      %dma_start3A_223 = tpu.memref_squeeze %dma_start3A_222 : memref<1x1x32x1x64xf32, #tpu.memory_space<hbm>> -> memref<32x64xf32, #tpu.memory_space<hbm>>
      %dma_start3A_224 = arith.constant 160 : i32
      %dma_start3A_225 = arith.constant 0 : i32
      %dma_start3A_226 = tpu.memref_slice %arg7[%dma_start3A_224, %dma_start3A_225] : memref<256x64xf32, #tpu.memory_space<vmem>> -> memref<32x64xf32, #tpu.memory_space<vmem>>
      tpu.enqueue_dma source(%dma_start3A_226 : memref<32x64xf32, #tpu.memory_space<vmem>>) target(%dma_start3A_223 : memref<32x64xf32, #tpu.memory_space<hbm>>) target_semaphore(%run_scoped3A_213 : memref<!tpu.dma_semaphore, #tpu.memory_space<semaphore_mem>>)
      %dma_wait3A = arith.constant 160 : i32
      %dma_wait3A_227 = arith.constant 0 : i32
      %dma_wait3A_228 = tpu.memref_slice %arg7[%dma_wait3A, %dma_wait3A_227] : memref<256x64xf32, #tpu.memory_space<vmem>> -> memref<32x64xf32, #tpu.memory_space<vmem>>
      %dma_wait3A_229 = arith.constant 0 : i32
      %dma_wait3A_230 = arith.constant 0 : i32
      %dma_wait3A_231 = tpu.memref_slice %arg6[%add3A_14, %add3A_69, %dma_wait3A_229, %run_scoped3A_70, %dma_wait3A_230] : memref<4x64x32x4x64xf32, #tpu.memory_space<hbm>> -> memref<1x1x32x1x64xf32, #tpu.memory_space<hbm>>
      %dma_wait3A_232 = tpu.memref_squeeze %dma_wait3A_231 : memref<1x1x32x1x64xf32, #tpu.memory_space<hbm>> -> memref<32x64xf32, #tpu.memory_space<hbm>>
      %dma_wait3A_233 = arith.constant 0 : i32
      %dma_wait3A_234 = arith.constant 0 : i32
      %dma_wait3A_235 = tpu.memref_slice %arg6[%add3A_14, %add3A_69, %dma_wait3A_233, %run_scoped3A_70, %dma_wait3A_234] : memref<4x64x32x4x64xf32, #tpu.memory_space<hbm>> -> memref<1x1x32x1x64xf32, #tpu.memory_space<hbm>>
      %dma_wait3A_236 = tpu.memref_squeeze %dma_wait3A_235 : memref<1x1x32x1x64xf32, #tpu.memory_space<hbm>> -> memref<32x64xf32, #tpu.memory_space<hbm>>
      %dma_wait3A_237 = arith.constant 160 : i32
      %dma_wait3A_238 = arith.constant 0 : i32
      %dma_wait3A_239 = tpu.memref_slice %arg7[%dma_wait3A_237, %dma_wait3A_238] : memref<256x64xf32, #tpu.memory_space<vmem>> -> memref<32x64xf32, #tpu.memory_space<vmem>>
      tpu.wait_dma2 semaphore(%run_scoped3A_213 : memref<!tpu.dma_semaphore, #tpu.memory_space<semaphore_mem>>) src(%dma_wait3A_239 : memref<32x64xf32, #tpu.memory_space<vmem>>) dst(%dma_wait3A_236 : memref<32x64xf32, #tpu.memory_space<hbm>>)
      tpu.yield
    }) : () -> ()
    %mul3A_71 = arith.constant 4 : i32
    %mul3A_72 = arith.muli %mul3A_71, %arg1 : i32
    %add3A_73 = arith.constant 2 : i32
    %add3A_74 = arith.addi %mul3A_72, %add3A_73 : i32
    %run_scoped3A_75 = arith.constant 0 : i32
    "tpu.region"() ({
      %run_scoped3A_213 = tpu.sem_alloc : memref<!tpu.dma_semaphore, #tpu.memory_space<semaphore_mem>>
      %dma_start3A = arith.constant 64 : i32
      %dma_start3A_214 = arith.constant 0 : i32
      %dma_start3A_215 = tpu.memref_slice %arg7[%dma_start3A, %dma_start3A_214] : memref<256x64xf32, #tpu.memory_space<vmem>> -> memref<32x64xf32, #tpu.memory_space<vmem>>
      %dma_start3A_216 = arith.constant 0 : i32
      %dma_start3A_217 = arith.constant 0 : i32
      %dma_start3A_218 = tpu.memref_slice %arg6[%add3A_14, %add3A_74, %dma_start3A_216, %run_scoped3A_75, %dma_start3A_217] : memref<4x64x32x4x64xf32, #tpu.memory_space<hbm>> -> memref<1x1x32x1x64xf32, #tpu.memory_space<hbm>>
      %dma_start3A_219 = tpu.memref_squeeze %dma_start3A_218 : memref<1x1x32x1x64xf32, #tpu.memory_space<hbm>> -> memref<32x64xf32, #tpu.memory_space<hbm>>
      %dma_start3A_220 = arith.constant 0 : i32
      %dma_start3A_221 = arith.constant 0 : i32
      %dma_start3A_222 = tpu.memref_slice %arg6[%add3A_14, %add3A_74, %dma_start3A_220, %run_scoped3A_75, %dma_start3A_221] : memref<4x64x32x4x64xf32, #tpu.memory_space<hbm>> -> memref<1x1x32x1x64xf32, #tpu.memory_space<hbm>>
      %dma_start3A_223 = tpu.memref_squeeze %dma_start3A_222 : memref<1x1x32x1x64xf32, #tpu.memory_space<hbm>> -> memref<32x64xf32, #tpu.memory_space<hbm>>
      %dma_start3A_224 = arith.constant 64 : i32
      %dma_start3A_225 = arith.constant 0 : i32
      %dma_start3A_226 = tpu.memref_slice %arg7[%dma_start3A_224, %dma_start3A_225] : memref<256x64xf32, #tpu.memory_space<vmem>> -> memref<32x64xf32, #tpu.memory_space<vmem>>
      tpu.enqueue_dma source(%dma_start3A_226 : memref<32x64xf32, #tpu.memory_space<vmem>>) target(%dma_start3A_223 : memref<32x64xf32, #tpu.memory_space<hbm>>) target_semaphore(%run_scoped3A_213 : memref<!tpu.dma_semaphore, #tpu.memory_space<semaphore_mem>>)
      %dma_wait3A = arith.constant 64 : i32
      %dma_wait3A_227 = arith.constant 0 : i32
      %dma_wait3A_228 = tpu.memref_slice %arg7[%dma_wait3A, %dma_wait3A_227] : memref<256x64xf32, #tpu.memory_space<vmem>> -> memref<32x64xf32, #tpu.memory_space<vmem>>
      %dma_wait3A_229 = arith.constant 0 : i32
      %dma_wait3A_230 = arith.constant 0 : i32
      %dma_wait3A_231 = tpu.memref_slice %arg6[%add3A_14, %add3A_74, %dma_wait3A_229, %run_scoped3A_75, %dma_wait3A_230] : memref<4x64x32x4x64xf32, #tpu.memory_space<hbm>> -> memref<1x1x32x1x64xf32, #tpu.memory_space<hbm>>
      %dma_wait3A_232 = tpu.memref_squeeze %dma_wait3A_231 : memref<1x1x32x1x64xf32, #tpu.memory_space<hbm>> -> memref<32x64xf32, #tpu.memory_space<hbm>>
      %dma_wait3A_233 = arith.constant 0 : i32
      %dma_wait3A_234 = arith.constant 0 : i32
      %dma_wait3A_235 = tpu.memref_slice %arg6[%add3A_14, %add3A_74, %dma_wait3A_233, %run_scoped3A_75, %dma_wait3A_234] : memref<4x64x32x4x64xf32, #tpu.memory_space<hbm>> -> memref<1x1x32x1x64xf32, #tpu.memory_space<hbm>>
      %dma_wait3A_236 = tpu.memref_squeeze %dma_wait3A_235 : memref<1x1x32x1x64xf32, #tpu.memory_space<hbm>> -> memref<32x64xf32, #tpu.memory_space<hbm>>
      %dma_wait3A_237 = arith.constant 64 : i32
      %dma_wait3A_238 = arith.constant 0 : i32
      %dma_wait3A_239 = tpu.memref_slice %arg7[%dma_wait3A_237, %dma_wait3A_238] : memref<256x64xf32, #tpu.memory_space<vmem>> -> memref<32x64xf32, #tpu.memory_space<vmem>>
      tpu.wait_dma2 semaphore(%run_scoped3A_213 : memref<!tpu.dma_semaphore, #tpu.memory_space<semaphore_mem>>) src(%dma_wait3A_239 : memref<32x64xf32, #tpu.memory_space<vmem>>) dst(%dma_wait3A_236 : memref<32x64xf32, #tpu.memory_space<hbm>>)
      tpu.yield
    }) : () -> ()
    %mul3A_76 = arith.constant 4 : i32
    %mul3A_77 = arith.muli %mul3A_76, %arg1 : i32
    %add3A_78 = arith.constant 2 : i32
    %add3A_79 = arith.addi %mul3A_77, %add3A_78 : i32
    %run_scoped3A_80 = arith.constant 2 : i32
    "tpu.region"() ({
      %run_scoped3A_213 = tpu.sem_alloc : memref<!tpu.dma_semaphore, #tpu.memory_space<semaphore_mem>>
      %dma_start3A = arith.constant 192 : i32
      %dma_start3A_214 = arith.constant 0 : i32
      %dma_start3A_215 = tpu.memref_slice %arg7[%dma_start3A, %dma_start3A_214] : memref<256x64xf32, #tpu.memory_space<vmem>> -> memref<32x64xf32, #tpu.memory_space<vmem>>
      %dma_start3A_216 = arith.constant 0 : i32
      %dma_start3A_217 = arith.constant 0 : i32
      %dma_start3A_218 = tpu.memref_slice %arg6[%add3A_14, %add3A_79, %dma_start3A_216, %run_scoped3A_80, %dma_start3A_217] : memref<4x64x32x4x64xf32, #tpu.memory_space<hbm>> -> memref<1x1x32x1x64xf32, #tpu.memory_space<hbm>>
      %dma_start3A_219 = tpu.memref_squeeze %dma_start3A_218 : memref<1x1x32x1x64xf32, #tpu.memory_space<hbm>> -> memref<32x64xf32, #tpu.memory_space<hbm>>
      %dma_start3A_220 = arith.constant 0 : i32
      %dma_start3A_221 = arith.constant 0 : i32
      %dma_start3A_222 = tpu.memref_slice %arg6[%add3A_14, %add3A_79, %dma_start3A_220, %run_scoped3A_80, %dma_start3A_221] : memref<4x64x32x4x64xf32, #tpu.memory_space<hbm>> -> memref<1x1x32x1x64xf32, #tpu.memory_space<hbm>>
      %dma_start3A_223 = tpu.memref_squeeze %dma_start3A_222 : memref<1x1x32x1x64xf32, #tpu.memory_space<hbm>> -> memref<32x64xf32, #tpu.memory_space<hbm>>
      %dma_start3A_224 = arith.constant 192 : i32
      %dma_start3A_225 = arith.constant 0 : i32
      %dma_start3A_226 = tpu.memref_slice %arg7[%dma_start3A_224, %dma_start3A_225] : memref<256x64xf32, #tpu.memory_space<vmem>> -> memref<32x64xf32, #tpu.memory_space<vmem>>
      tpu.enqueue_dma source(%dma_start3A_226 : memref<32x64xf32, #tpu.memory_space<vmem>>) target(%dma_start3A_223 : memref<32x64xf32, #tpu.memory_space<hbm>>) target_semaphore(%run_scoped3A_213 : memref<!tpu.dma_semaphore, #tpu.memory_space<semaphore_mem>>)
      %dma_wait3A = arith.constant 192 : i32
      %dma_wait3A_227 = arith.constant 0 : i32
      %dma_wait3A_228 = tpu.memref_slice %arg7[%dma_wait3A, %dma_wait3A_227] : memref<256x64xf32, #tpu.memory_space<vmem>> -> memref<32x64xf32, #tpu.memory_space<vmem>>
      %dma_wait3A_229 = arith.constant 0 : i32
      %dma_wait3A_230 = arith.constant 0 : i32
      %dma_wait3A_231 = tpu.memref_slice %arg6[%add3A_14, %add3A_79, %dma_wait3A_229, %run_scoped3A_80, %dma_wait3A_230] : memref<4x64x32x4x64xf32, #tpu.memory_space<hbm>> -> memref<1x1x32x1x64xf32, #tpu.memory_space<hbm>>
      %dma_wait3A_232 = tpu.memref_squeeze %dma_wait3A_231 : memref<1x1x32x1x64xf32, #tpu.memory_space<hbm>> -> memref<32x64xf32, #tpu.memory_space<hbm>>
      %dma_wait3A_233 = arith.constant 0 : i32
      %dma_wait3A_234 = arith.constant 0 : i32
      %dma_wait3A_235 = tpu.memref_slice %arg6[%add3A_14, %add3A_79, %dma_wait3A_233, %run_scoped3A_80, %dma_wait3A_234] : memref<4x64x32x4x64xf32, #tpu.memory_space<hbm>> -> memref<1x1x32x1x64xf32, #tpu.memory_space<hbm>>
      %dma_wait3A_236 = tpu.memref_squeeze %dma_wait3A_235 : memref<1x1x32x1x64xf32, #tpu.memory_space<hbm>> -> memref<32x64xf32, #tpu.memory_space<hbm>>
      %dma_wait3A_237 = arith.constant 192 : i32
      %dma_wait3A_238 = arith.constant 0 : i32
      %dma_wait3A_239 = tpu.memref_slice %arg7[%dma_wait3A_237, %dma_wait3A_238] : memref<256x64xf32, #tpu.memory_space<vmem>> -> memref<32x64xf32, #tpu.memory_space<vmem>>
      tpu.wait_dma2 semaphore(%run_scoped3A_213 : memref<!tpu.dma_semaphore, #tpu.memory_space<semaphore_mem>>) src(%dma_wait3A_239 : memref<32x64xf32, #tpu.memory_space<vmem>>) dst(%dma_wait3A_236 : memref<32x64xf32, #tpu.memory_space<hbm>>)
      tpu.yield
    }) : () -> ()
    %mul3A_81 = arith.constant 4 : i32
    %mul3A_82 = arith.muli %mul3A_81, %arg1 : i32
    %add3A_83 = arith.constant 3 : i32
    %add3A_84 = arith.addi %mul3A_82, %add3A_83 : i32
    %run_scoped3A_85 = arith.constant 0 : i32
    "tpu.region"() ({
      %run_scoped3A_213 = tpu.sem_alloc : memref<!tpu.dma_semaphore, #tpu.memory_space<semaphore_mem>>
      %dma_start3A = arith.constant 96 : i32
      %dma_start3A_214 = arith.constant 0 : i32
      %dma_start3A_215 = tpu.memref_slice %arg7[%dma_start3A, %dma_start3A_214] : memref<256x64xf32, #tpu.memory_space<vmem>> -> memref<32x64xf32, #tpu.memory_space<vmem>>
      %dma_start3A_216 = arith.constant 0 : i32
      %dma_start3A_217 = arith.constant 0 : i32
      %dma_start3A_218 = tpu.memref_slice %arg6[%add3A_14, %add3A_84, %dma_start3A_216, %run_scoped3A_85, %dma_start3A_217] : memref<4x64x32x4x64xf32, #tpu.memory_space<hbm>> -> memref<1x1x32x1x64xf32, #tpu.memory_space<hbm>>
      %dma_start3A_219 = tpu.memref_squeeze %dma_start3A_218 : memref<1x1x32x1x64xf32, #tpu.memory_space<hbm>> -> memref<32x64xf32, #tpu.memory_space<hbm>>
      %dma_start3A_220 = arith.constant 0 : i32
      %dma_start3A_221 = arith.constant 0 : i32
      %dma_start3A_222 = tpu.memref_slice %arg6[%add3A_14, %add3A_84, %dma_start3A_220, %run_scoped3A_85, %dma_start3A_221] : memref<4x64x32x4x64xf32, #tpu.memory_space<hbm>> -> memref<1x1x32x1x64xf32, #tpu.memory_space<hbm>>
      %dma_start3A_223 = tpu.memref_squeeze %dma_start3A_222 : memref<1x1x32x1x64xf32, #tpu.memory_space<hbm>> -> memref<32x64xf32, #tpu.memory_space<hbm>>
      %dma_start3A_224 = arith.constant 96 : i32
      %dma_start3A_225 = arith.constant 0 : i32
      %dma_start3A_226 = tpu.memref_slice %arg7[%dma_start3A_224, %dma_start3A_225] : memref<256x64xf32, #tpu.memory_space<vmem>> -> memref<32x64xf32, #tpu.memory_space<vmem>>
      tpu.enqueue_dma source(%dma_start3A_226 : memref<32x64xf32, #tpu.memory_space<vmem>>) target(%dma_start3A_223 : memref<32x64xf32, #tpu.memory_space<hbm>>) target_semaphore(%run_scoped3A_213 : memref<!tpu.dma_semaphore, #tpu.memory_space<semaphore_mem>>)
      %dma_wait3A = arith.constant 96 : i32
      %dma_wait3A_227 = arith.constant 0 : i32
      %dma_wait3A_228 = tpu.memref_slice %arg7[%dma_wait3A, %dma_wait3A_227] : memref<256x64xf32, #tpu.memory_space<vmem>> -> memref<32x64xf32, #tpu.memory_space<vmem>>
      %dma_wait3A_229 = arith.constant 0 : i32
      %dma_wait3A_230 = arith.constant 0 : i32
      %dma_wait3A_231 = tpu.memref_slice %arg6[%add3A_14, %add3A_84, %dma_wait3A_229, %run_scoped3A_85, %dma_wait3A_230] : memref<4x64x32x4x64xf32, #tpu.memory_space<hbm>> -> memref<1x1x32x1x64xf32, #tpu.memory_space<hbm>>
      %dma_wait3A_232 = tpu.memref_squeeze %dma_wait3A_231 : memref<1x1x32x1x64xf32, #tpu.memory_space<hbm>> -> memref<32x64xf32, #tpu.memory_space<hbm>>
      %dma_wait3A_233 = arith.constant 0 : i32
      %dma_wait3A_234 = arith.constant 0 : i32
      %dma_wait3A_235 = tpu.memref_slice %arg6[%add3A_14, %add3A_84, %dma_wait3A_233, %run_scoped3A_85, %dma_wait3A_234] : memref<4x64x32x4x64xf32, #tpu.memory_space<hbm>> -> memref<1x1x32x1x64xf32, #tpu.memory_space<hbm>>
      %dma_wait3A_236 = tpu.memref_squeeze %dma_wait3A_235 : memref<1x1x32x1x64xf32, #tpu.memory_space<hbm>> -> memref<32x64xf32, #tpu.memory_space<hbm>>
      %dma_wait3A_237 = arith.constant 96 : i32
      %dma_wait3A_238 = arith.constant 0 : i32
      %dma_wait3A_239 = tpu.memref_slice %arg7[%dma_wait3A_237, %dma_wait3A_238] : memref<256x64xf32, #tpu.memory_space<vmem>> -> memref<32x64xf32, #tpu.memory_space<vmem>>
      tpu.wait_dma2 semaphore(%run_scoped3A_213 : memref<!tpu.dma_semaphore, #tpu.memory_space<semaphore_mem>>) src(%dma_wait3A_239 : memref<32x64xf32, #tpu.memory_space<vmem>>) dst(%dma_wait3A_236 : memref<32x64xf32, #tpu.memory_space<hbm>>)
      tpu.yield
    }) : () -> ()
    %mul3A_86 = arith.constant 4 : i32
    %mul3A_87 = arith.muli %mul3A_86, %arg1 : i32
    %add3A_88 = arith.constant 3 : i32
    %add3A_89 = arith.addi %mul3A_87, %add3A_88 : i32
    %run_scoped3A_90 = arith.constant 2 : i32
    "tpu.region"() ({
      %run_scoped3A_213 = tpu.sem_alloc : memref<!tpu.dma_semaphore, #tpu.memory_space<semaphore_mem>>
      %dma_start3A = arith.constant 224 : i32
      %dma_start3A_214 = arith.constant 0 : i32
      %dma_start3A_215 = tpu.memref_slice %arg7[%dma_start3A, %dma_start3A_214] : memref<256x64xf32, #tpu.memory_space<vmem>> -> memref<32x64xf32, #tpu.memory_space<vmem>>
      %dma_start3A_216 = arith.constant 0 : i32
      %dma_start3A_217 = arith.constant 0 : i32
      %dma_start3A_218 = tpu.memref_slice %arg6[%add3A_14, %add3A_89, %dma_start3A_216, %run_scoped3A_90, %dma_start3A_217] : memref<4x64x32x4x64xf32, #tpu.memory_space<hbm>> -> memref<1x1x32x1x64xf32, #tpu.memory_space<hbm>>
      %dma_start3A_219 = tpu.memref_squeeze %dma_start3A_218 : memref<1x1x32x1x64xf32, #tpu.memory_space<hbm>> -> memref<32x64xf32, #tpu.memory_space<hbm>>
      %dma_start3A_220 = arith.constant 0 : i32
      %dma_start3A_221 = arith.constant 0 : i32
      %dma_start3A_222 = tpu.memref_slice %arg6[%add3A_14, %add3A_89, %dma_start3A_220, %run_scoped3A_90, %dma_start3A_221] : memref<4x64x32x4x64xf32, #tpu.memory_space<hbm>> -> memref<1x1x32x1x64xf32, #tpu.memory_space<hbm>>
      %dma_start3A_223 = tpu.memref_squeeze %dma_start3A_222 : memref<1x1x32x1x64xf32, #tpu.memory_space<hbm>> -> memref<32x64xf32, #tpu.memory_space<hbm>>
      %dma_start3A_224 = arith.constant 224 : i32
      %dma_start3A_225 = arith.constant 0 : i32
      %dma_start3A_226 = tpu.memref_slice %arg7[%dma_start3A_224, %dma_start3A_225] : memref<256x64xf32, #tpu.memory_space<vmem>> -> memref<32x64xf32, #tpu.memory_space<vmem>>
      tpu.enqueue_dma source(%dma_start3A_226 : memref<32x64xf32, #tpu.memory_space<vmem>>) target(%dma_start3A_223 : memref<32x64xf32, #tpu.memory_space<hbm>>) target_semaphore(%run_scoped3A_213 : memref<!tpu.dma_semaphore, #tpu.memory_space<semaphore_mem>>)
      %dma_wait3A = arith.constant 224 : i32
      %dma_wait3A_227 = arith.constant 0 : i32
      %dma_wait3A_228 = tpu.memref_slice %arg7[%dma_wait3A, %dma_wait3A_227] : memref<256x64xf32, #tpu.memory_space<vmem>> -> memref<32x64xf32, #tpu.memory_space<vmem>>
      %dma_wait3A_229 = arith.constant 0 : i32
      %dma_wait3A_230 = arith.constant 0 : i32
      %dma_wait3A_231 = tpu.memref_slice %arg6[%add3A_14, %add3A_89, %dma_wait3A_229, %run_scoped3A_90, %dma_wait3A_230] : memref<4x64x32x4x64xf32, #tpu.memory_space<hbm>> -> memref<1x1x32x1x64xf32, #tpu.memory_space<hbm>>
      %dma_wait3A_232 = tpu.memref_squeeze %dma_wait3A_231 : memref<1x1x32x1x64xf32, #tpu.memory_space<hbm>> -> memref<32x64xf32, #tpu.memory_space<hbm>>
      %dma_wait3A_233 = arith.constant 0 : i32
      %dma_wait3A_234 = arith.constant 0 : i32
      %dma_wait3A_235 = tpu.memref_slice %arg6[%add3A_14, %add3A_89, %dma_wait3A_233, %run_scoped3A_90, %dma_wait3A_234] : memref<4x64x32x4x64xf32, #tpu.memory_space<hbm>> -> memref<1x1x32x1x64xf32, #tpu.memory_space<hbm>>
      %dma_wait3A_236 = tpu.memref_squeeze %dma_wait3A_235 : memref<1x1x32x1x64xf32, #tpu.memory_space<hbm>> -> memref<32x64xf32, #tpu.memory_space<hbm>>
      %dma_wait3A_237 = arith.constant 224 : i32
      %dma_wait3A_238 = arith.constant 0 : i32
      %dma_wait3A_239 = tpu.memref_slice %arg7[%dma_wait3A_237, %dma_wait3A_238] : memref<256x64xf32, #tpu.memory_space<vmem>> -> memref<32x64xf32, #tpu.memory_space<vmem>>
      tpu.wait_dma2 semaphore(%run_scoped3A_213 : memref<!tpu.dma_semaphore, #tpu.memory_space<semaphore_mem>>) src(%dma_wait3A_239 : memref<32x64xf32, #tpu.memory_space<vmem>>) dst(%dma_wait3A_236 : memref<32x64xf32, #tpu.memory_space<hbm>>)
      tpu.yield
    }) : () -> ()
    %barrier3A_91 = arith.constant 0 : index
    tpu.barrier barrier_id(%barrier3A_91)
    %add3A_92 = arith.constant 2 : i32
    %add3A_93 = arith.addi %arg0, %add3A_92 : i32
    %run_scoped3A_94 = arith.constant 1 : i32
    "tpu.region"() ({
      %run_scoped3A_213 = tpu.sem_alloc : memref<!tpu.dma_semaphore, #tpu.memory_space<semaphore_mem>>
      %dma_start3A = arith.constant 0 : i32
      %dma_start3A_214 = tpu.memref_slice %arg2[%add3A_93, %mul3A_0, %run_scoped3A_94, %dma_start3A] : memref<4x4096x2x64xf32, #tpu.memory_space<hbm>> -> memref<1x256x1x64xf32, #tpu.memory_space<hbm>>
      %dma_start3A_215 = tpu.memref_squeeze %dma_start3A_214 : memref<1x256x1x64xf32, #tpu.memory_space<hbm>> -> memref<256x64xf32, #tpu.memory_space<hbm>>
      %dma_start3A_216 = arith.constant 0 : i32
      %dma_start3A_217 = tpu.memref_slice %arg2[%add3A_93, %mul3A_0, %run_scoped3A_94, %dma_start3A_216] : memref<4x4096x2x64xf32, #tpu.memory_space<hbm>> -> memref<1x256x1x64xf32, #tpu.memory_space<hbm>>
      %dma_start3A_218 = tpu.memref_squeeze %dma_start3A_217 : memref<1x256x1x64xf32, #tpu.memory_space<hbm>> -> memref<256x64xf32, #tpu.memory_space<hbm>>
      tpu.enqueue_dma source(%dma_start3A_218 : memref<256x64xf32, #tpu.memory_space<hbm>>) target(%arg7 : memref<256x64xf32, #tpu.memory_space<vmem>>) target_semaphore(%run_scoped3A_213 : memref<!tpu.dma_semaphore, #tpu.memory_space<semaphore_mem>>)
      %dma_wait3A = arith.constant 0 : i32
      %dma_wait3A_219 = tpu.memref_slice %arg2[%add3A_93, %mul3A_0, %run_scoped3A_94, %dma_wait3A] : memref<4x4096x2x64xf32, #tpu.memory_space<hbm>> -> memref<1x256x1x64xf32, #tpu.memory_space<hbm>>
      %dma_wait3A_220 = tpu.memref_squeeze %dma_wait3A_219 : memref<1x256x1x64xf32, #tpu.memory_space<hbm>> -> memref<256x64xf32, #tpu.memory_space<hbm>>
      %dma_wait3A_221 = arith.constant 0 : i32
      %dma_wait3A_222 = tpu.memref_slice %arg2[%add3A_93, %mul3A_0, %run_scoped3A_94, %dma_wait3A_221] : memref<4x4096x2x64xf32, #tpu.memory_space<hbm>> -> memref<1x256x1x64xf32, #tpu.memory_space<hbm>>
      %dma_wait3A_223 = tpu.memref_squeeze %dma_wait3A_222 : memref<1x256x1x64xf32, #tpu.memory_space<hbm>> -> memref<256x64xf32, #tpu.memory_space<hbm>>
      tpu.wait_dma2 semaphore(%run_scoped3A_213 : memref<!tpu.dma_semaphore, #tpu.memory_space<semaphore_mem>>) src(%dma_wait3A_223 : memref<256x64xf32, #tpu.memory_space<hbm>>) dst(%arg7 : memref<256x64xf32, #tpu.memory_space<vmem>>)
      tpu.yield
    }) : () -> ()
    "tpu.region"() ({
      %run_scoped3A_213 = tpu.sem_alloc : memref<!tpu.dma_semaphore, #tpu.memory_space<semaphore_mem>>
      %dma_start3A = arith.constant 0 : i32
      %dma_start3A_214 = tpu.memref_slice %arg13[%mul3A_0, %dma_start3A] : memref<4096x64xf32, #tpu.memory_space<vmem_shared>> -> memref<256x64xf32, #tpu.memory_space<vmem_shared>>
      %dma_start3A_215 = arith.constant 0 : i32
      %dma_start3A_216 = tpu.memref_slice %arg13[%mul3A_0, %dma_start3A_215] : memref<4096x64xf32, #tpu.memory_space<vmem_shared>> -> memref<256x64xf32, #tpu.memory_space<vmem_shared>>
      tpu.enqueue_dma source(%arg7 : memref<256x64xf32, #tpu.memory_space<vmem>>) target(%dma_start3A_216 : memref<256x64xf32, #tpu.memory_space<vmem_shared>>) target_semaphore(%run_scoped3A_213 : memref<!tpu.dma_semaphore, #tpu.memory_space<semaphore_mem>>)
      %dma_wait3A = arith.constant 0 : i32
      %dma_wait3A_217 = tpu.memref_slice %arg13[%mul3A_0, %dma_wait3A] : memref<4096x64xf32, #tpu.memory_space<vmem_shared>> -> memref<256x64xf32, #tpu.memory_space<vmem_shared>>
      %dma_wait3A_218 = arith.constant 0 : i32
      %dma_wait3A_219 = tpu.memref_slice %arg13[%mul3A_0, %dma_wait3A_218] : memref<4096x64xf32, #tpu.memory_space<vmem_shared>> -> memref<256x64xf32, #tpu.memory_space<vmem_shared>>
      tpu.wait_dma2 semaphore(%run_scoped3A_213 : memref<!tpu.dma_semaphore, #tpu.memory_space<semaphore_mem>>) src(%arg7 : memref<256x64xf32, #tpu.memory_space<vmem>>) dst(%dma_wait3A_219 : memref<256x64xf32, #tpu.memory_space<vmem_shared>>)
      tpu.yield
    }) : () -> ()
    "tpu.region"() ({
      %run_scoped3A_213 = tpu.sem_alloc : memref<!tpu.dma_semaphore, #tpu.memory_space<semaphore_mem>>
      %dma_start3A = arith.constant 0 : i32
      %dma_start3A_214 = tpu.memref_slice %arg14[%mul3A_0, %dma_start3A] : memref<4096x16xf32, #tpu.memory_space<vmem_shared>> -> memref<256x16xf32, #tpu.memory_space<vmem_shared>>
      %dma_start3A_215 = arith.constant 0 : i32
      %dma_start3A_216 = tpu.memref_slice %arg14[%mul3A_0, %dma_start3A_215] : memref<4096x16xf32, #tpu.memory_space<vmem_shared>> -> memref<256x16xf32, #tpu.memory_space<vmem_shared>>
      tpu.enqueue_dma source(%arg11 : memref<256x16xf32, #tpu.memory_space<vmem>>) target(%dma_start3A_216 : memref<256x16xf32, #tpu.memory_space<vmem_shared>>) target_semaphore(%run_scoped3A_213 : memref<!tpu.dma_semaphore, #tpu.memory_space<semaphore_mem>>)
      %dma_wait3A = arith.constant 0 : i32
      %dma_wait3A_217 = tpu.memref_slice %arg14[%mul3A_0, %dma_wait3A] : memref<4096x16xf32, #tpu.memory_space<vmem_shared>> -> memref<256x16xf32, #tpu.memory_space<vmem_shared>>
      %dma_wait3A_218 = arith.constant 0 : i32
      %dma_wait3A_219 = tpu.memref_slice %arg14[%mul3A_0, %dma_wait3A_218] : memref<4096x16xf32, #tpu.memory_space<vmem_shared>> -> memref<256x16xf32, #tpu.memory_space<vmem_shared>>
      tpu.wait_dma2 semaphore(%run_scoped3A_213 : memref<!tpu.dma_semaphore, #tpu.memory_space<semaphore_mem>>) src(%arg11 : memref<256x16xf32, #tpu.memory_space<vmem>>) dst(%dma_wait3A_219 : memref<256x16xf32, #tpu.memory_space<vmem_shared>>)
      tpu.yield
    }) : () -> ()
    %run_scoped3A_95 = arith.constant 0 : i32
    "tpu.region"() ({
      %run_scoped3A_213 = tpu.sem_alloc : memref<!tpu.dma_semaphore, #tpu.memory_space<semaphore_mem>>
      %dma_start3A = arith.constant 0 : i32
      %dma_start3A_214 = tpu.memref_slice %arg2[%add3A_93, %mul3A_0, %run_scoped3A_95, %dma_start3A] : memref<4x4096x2x64xf32, #tpu.memory_space<hbm>> -> memref<1x256x1x64xf32, #tpu.memory_space<hbm>>
      %dma_start3A_215 = tpu.memref_squeeze %dma_start3A_214 : memref<1x256x1x64xf32, #tpu.memory_space<hbm>> -> memref<256x64xf32, #tpu.memory_space<hbm>>
      %dma_start3A_216 = arith.constant 0 : i32
      %dma_start3A_217 = tpu.memref_slice %arg2[%add3A_93, %mul3A_0, %run_scoped3A_95, %dma_start3A_216] : memref<4x4096x2x64xf32, #tpu.memory_space<hbm>> -> memref<1x256x1x64xf32, #tpu.memory_space<hbm>>
      %dma_start3A_218 = tpu.memref_squeeze %dma_start3A_217 : memref<1x256x1x64xf32, #tpu.memory_space<hbm>> -> memref<256x64xf32, #tpu.memory_space<hbm>>
      tpu.enqueue_dma source(%dma_start3A_218 : memref<256x64xf32, #tpu.memory_space<hbm>>) target(%arg7 : memref<256x64xf32, #tpu.memory_space<vmem>>) target_semaphore(%run_scoped3A_213 : memref<!tpu.dma_semaphore, #tpu.memory_space<semaphore_mem>>)
      %dma_wait3A = arith.constant 0 : i32
      %dma_wait3A_219 = tpu.memref_slice %arg2[%add3A_93, %mul3A_0, %run_scoped3A_95, %dma_wait3A] : memref<4x4096x2x64xf32, #tpu.memory_space<hbm>> -> memref<1x256x1x64xf32, #tpu.memory_space<hbm>>
      %dma_wait3A_220 = tpu.memref_squeeze %dma_wait3A_219 : memref<1x256x1x64xf32, #tpu.memory_space<hbm>> -> memref<256x64xf32, #tpu.memory_space<hbm>>
      %dma_wait3A_221 = arith.constant 0 : i32
      %dma_wait3A_222 = tpu.memref_slice %arg2[%add3A_93, %mul3A_0, %run_scoped3A_95, %dma_wait3A_221] : memref<4x4096x2x64xf32, #tpu.memory_space<hbm>> -> memref<1x256x1x64xf32, #tpu.memory_space<hbm>>
      %dma_wait3A_223 = tpu.memref_squeeze %dma_wait3A_222 : memref<1x256x1x64xf32, #tpu.memory_space<hbm>> -> memref<256x64xf32, #tpu.memory_space<hbm>>
      tpu.wait_dma2 semaphore(%run_scoped3A_213 : memref<!tpu.dma_semaphore, #tpu.memory_space<semaphore_mem>>) src(%dma_wait3A_223 : memref<256x64xf32, #tpu.memory_space<hbm>>) dst(%arg7 : memref<256x64xf32, #tpu.memory_space<vmem>>)
      tpu.yield
    }) : () -> ()
    "tpu.region"() ({
      %run_scoped3A_213 = tpu.sem_alloc : memref<!tpu.dma_semaphore, #tpu.memory_space<semaphore_mem>>
      %dma_start3A = arith.constant 0 : i32
      %dma_start3A_214 = arith.constant 0 : i32
      %dma_start3A_215 = tpu.memref_slice %arg3[%add3A_93, %arg1, %dma_start3A, %dma_start3A_214] : memref<4x16x2x128xi32, #tpu.memory_space<hbm>> -> memref<1x1x2x128xi32, #tpu.memory_space<hbm>>
      %dma_start3A_216 = tpu.memref_squeeze %dma_start3A_215 : memref<1x1x2x128xi32, #tpu.memory_space<hbm>> -> memref<2x128xi32, #tpu.memory_space<hbm>>
      %dma_start3A_217 = arith.constant 0 : i32
      %dma_start3A_218 = arith.constant 0 : i32
      %dma_start3A_219 = tpu.memref_slice %arg3[%add3A_93, %arg1, %dma_start3A_217, %dma_start3A_218] : memref<4x16x2x128xi32, #tpu.memory_space<hbm>> -> memref<1x1x2x128xi32, #tpu.memory_space<hbm>>
      %dma_start3A_220 = tpu.memref_squeeze %dma_start3A_219 : memref<1x1x2x128xi32, #tpu.memory_space<hbm>> -> memref<2x128xi32, #tpu.memory_space<hbm>>
      tpu.enqueue_dma source(%dma_start3A_220 : memref<2x128xi32, #tpu.memory_space<hbm>>) target(%arg9 : memref<2x128xi32, #tpu.memory_space<vmem>>) target_semaphore(%run_scoped3A_213 : memref<!tpu.dma_semaphore, #tpu.memory_space<semaphore_mem>>)
      %dma_wait3A = arith.constant 0 : i32
      %dma_wait3A_221 = arith.constant 0 : i32
      %dma_wait3A_222 = tpu.memref_slice %arg3[%add3A_93, %arg1, %dma_wait3A, %dma_wait3A_221] : memref<4x16x2x128xi32, #tpu.memory_space<hbm>> -> memref<1x1x2x128xi32, #tpu.memory_space<hbm>>
      %dma_wait3A_223 = tpu.memref_squeeze %dma_wait3A_222 : memref<1x1x2x128xi32, #tpu.memory_space<hbm>> -> memref<2x128xi32, #tpu.memory_space<hbm>>
      %dma_wait3A_224 = arith.constant 0 : i32
      %dma_wait3A_225 = arith.constant 0 : i32
      %dma_wait3A_226 = tpu.memref_slice %arg3[%add3A_93, %arg1, %dma_wait3A_224, %dma_wait3A_225] : memref<4x16x2x128xi32, #tpu.memory_space<hbm>> -> memref<1x1x2x128xi32, #tpu.memory_space<hbm>>
      %dma_wait3A_227 = tpu.memref_squeeze %dma_wait3A_226 : memref<1x1x2x128xi32, #tpu.memory_space<hbm>> -> memref<2x128xi32, #tpu.memory_space<hbm>>
      tpu.wait_dma2 semaphore(%run_scoped3A_213 : memref<!tpu.dma_semaphore, #tpu.memory_space<semaphore_mem>>) src(%dma_wait3A_227 : memref<2x128xi32, #tpu.memory_space<hbm>>) dst(%arg9 : memref<2x128xi32, #tpu.memory_space<vmem>>)
      tpu.yield
    }) : () -> ()
    "tpu.region"() ({
      %run_scoped3A_213 = tpu.sem_alloc : memref<!tpu.dma_semaphore, #tpu.memory_space<semaphore_mem>>
      %dma_start3A = arith.constant 0 : i32
      %dma_start3A_214 = arith.constant 0 : i32
      %dma_start3A_215 = tpu.memref_slice %arg4[%add3A_93, %arg1, %dma_start3A, %dma_start3A_214] : memref<4x16x2x128xi32, #tpu.memory_space<hbm>> -> memref<1x1x2x128xi32, #tpu.memory_space<hbm>>
      %dma_start3A_216 = tpu.memref_squeeze %dma_start3A_215 : memref<1x1x2x128xi32, #tpu.memory_space<hbm>> -> memref<2x128xi32, #tpu.memory_space<hbm>>
      %dma_start3A_217 = arith.constant 0 : i32
      %dma_start3A_218 = arith.constant 0 : i32
      %dma_start3A_219 = tpu.memref_slice %arg4[%add3A_93, %arg1, %dma_start3A_217, %dma_start3A_218] : memref<4x16x2x128xi32, #tpu.memory_space<hbm>> -> memref<1x1x2x128xi32, #tpu.memory_space<hbm>>
      %dma_start3A_220 = tpu.memref_squeeze %dma_start3A_219 : memref<1x1x2x128xi32, #tpu.memory_space<hbm>> -> memref<2x128xi32, #tpu.memory_space<hbm>>
      tpu.enqueue_dma source(%dma_start3A_220 : memref<2x128xi32, #tpu.memory_space<hbm>>) target(%arg10 : memref<2x128xi32, #tpu.memory_space<vmem>>) target_semaphore(%run_scoped3A_213 : memref<!tpu.dma_semaphore, #tpu.memory_space<semaphore_mem>>)
      %dma_wait3A = arith.constant 0 : i32
      %dma_wait3A_221 = arith.constant 0 : i32
      %dma_wait3A_222 = tpu.memref_slice %arg4[%add3A_93, %arg1, %dma_wait3A, %dma_wait3A_221] : memref<4x16x2x128xi32, #tpu.memory_space<hbm>> -> memref<1x1x2x128xi32, #tpu.memory_space<hbm>>
      %dma_wait3A_223 = tpu.memref_squeeze %dma_wait3A_222 : memref<1x1x2x128xi32, #tpu.memory_space<hbm>> -> memref<2x128xi32, #tpu.memory_space<hbm>>
      %dma_wait3A_224 = arith.constant 0 : i32
      %dma_wait3A_225 = arith.constant 0 : i32
      %dma_wait3A_226 = tpu.memref_slice %arg4[%add3A_93, %arg1, %dma_wait3A_224, %dma_wait3A_225] : memref<4x16x2x128xi32, #tpu.memory_space<hbm>> -> memref<1x1x2x128xi32, #tpu.memory_space<hbm>>
      %dma_wait3A_227 = tpu.memref_squeeze %dma_wait3A_226 : memref<1x1x2x128xi32, #tpu.memory_space<hbm>> -> memref<2x128xi32, #tpu.memory_space<hbm>>
      tpu.wait_dma2 semaphore(%run_scoped3A_213 : memref<!tpu.dma_semaphore, #tpu.memory_space<semaphore_mem>>) src(%dma_wait3A_227 : memref<2x128xi32, #tpu.memory_space<hbm>>) dst(%arg10 : memref<2x128xi32, #tpu.memory_space<vmem>>)
      tpu.yield
    }) : () -> ()
    %barrier3A_96 = arith.constant 0 : index
    tpu.barrier barrier_id(%barrier3A_96)
    %run_scoped3A_97 = arith.constant 0 : i32
    "tpu.region"() ({
      %run_scoped3A_213 = tpu.sem_alloc : memref<!tpu.dma_semaphore, #tpu.memory_space<semaphore_mem>>
      %dma_start3A = arith.constant 0 : i32
      %dma_start3A_214 = arith.constant 0 : i32
      %dma_start3A_215 = tpu.memref_slice %arg7[%dma_start3A, %dma_start3A_214] : memref<256x64xf32, #tpu.memory_space<vmem>> -> memref<128x64xf32, #tpu.memory_space<vmem>>
      %dma_start3A_216 = arith.constant 0 : i32
      %dma_start3A_217 = tpu.memref_slice %arg9[%run_scoped3A_97, %dma_start3A_216] : memref<2x128xi32, #tpu.memory_space<vmem>> -> memref<1x128xi32, #tpu.memory_space<vmem>>
      %dma_start3A_218 = tpu.memref_squeeze %dma_start3A_217 : memref<1x128xi32, #tpu.memory_space<vmem>> -> memref<128xi32, #tpu.memory_space<vmem>>
      %dma_start3A_219 = arith.constant 0 : i32
      %dma_start3A_220 = arith.constant 0 : i32
      %dma_start3A_221 = tpu.memref_slice %arg13[%dma_start3A_219, %dma_start3A_220] : memref<4096x64xf32, #tpu.memory_space<vmem_shared>> -> memref<4096x64xf32, #tpu.memory_space<vmem_shared>>
      tpu.enqueue_indirect_dma source(%dma_start3A_215 : memref<128x64xf32, #tpu.memory_space<vmem>>) target(%dma_start3A_221 : memref<4096x64xf32, #tpu.memory_space<vmem_shared>>) offsets(%dma_start3A_218 : memref<128xi32, #tpu.memory_space<vmem>>) semaphore(%run_scoped3A_213 : memref<!tpu.dma_semaphore, #tpu.memory_space<semaphore_mem>>) {add = true}
      %dma_wait3A = arith.constant 0 : i32
      %dma_wait3A_222 = arith.constant 0 : i32
      %dma_wait3A_223 = tpu.memref_slice %arg7[%dma_wait3A, %dma_wait3A_222] : memref<256x64xf32, #tpu.memory_space<vmem>> -> memref<128x64xf32, #tpu.memory_space<vmem>>
      %dma_wait3A_224 = arith.constant 0 : i32
      %dma_wait3A_225 = tpu.memref_slice %arg9[%run_scoped3A_97, %dma_wait3A_224] : memref<2x128xi32, #tpu.memory_space<vmem>> -> memref<1x128xi32, #tpu.memory_space<vmem>>
      %dma_wait3A_226 = tpu.memref_squeeze %dma_wait3A_225 : memref<1x128xi32, #tpu.memory_space<vmem>> -> memref<128xi32, #tpu.memory_space<vmem>>
      %dma_wait3A_227 = arith.constant 0 : i32
      %dma_wait3A_228 = arith.constant 0 : i32
      %dma_wait3A_229 = tpu.memref_slice %arg13[%dma_wait3A_227, %dma_wait3A_228] : memref<4096x64xf32, #tpu.memory_space<vmem_shared>> -> memref<4096x64xf32, #tpu.memory_space<vmem_shared>>
      tpu.wait_indirect_dma semaphore(%run_scoped3A_213 : memref<!tpu.dma_semaphore, #tpu.memory_space<semaphore_mem>>) src(%dma_wait3A_223 : memref<128x64xf32, #tpu.memory_space<vmem>>) dst(%dma_wait3A_229 : memref<4096x64xf32, #tpu.memory_space<vmem_shared>>)
      tpu.yield
    }) : () -> ()
    %run_scoped3A_98 = arith.constant 0 : i32
    "tpu.region"() ({
      %run_scoped3A_213 = tpu.sem_alloc : memref<!tpu.dma_semaphore, #tpu.memory_space<semaphore_mem>>
      %dma_start3A = arith.constant 0 : i32
      %dma_start3A_214 = arith.constant 0 : i32
      %dma_start3A_215 = tpu.memref_slice %arg11[%dma_start3A, %dma_start3A_214] : memref<256x16xf32, #tpu.memory_space<vmem>> -> memref<128x16xf32, #tpu.memory_space<vmem>>
      %dma_start3A_216 = arith.constant 0 : i32
      %dma_start3A_217 = tpu.memref_slice %arg9[%run_scoped3A_98, %dma_start3A_216] : memref<2x128xi32, #tpu.memory_space<vmem>> -> memref<1x128xi32, #tpu.memory_space<vmem>>
      %dma_start3A_218 = tpu.memref_squeeze %dma_start3A_217 : memref<1x128xi32, #tpu.memory_space<vmem>> -> memref<128xi32, #tpu.memory_space<vmem>>
      %dma_start3A_219 = arith.constant 0 : i32
      %dma_start3A_220 = arith.constant 0 : i32
      %dma_start3A_221 = tpu.memref_slice %arg14[%dma_start3A_219, %dma_start3A_220] : memref<4096x16xf32, #tpu.memory_space<vmem_shared>> -> memref<4096x16xf32, #tpu.memory_space<vmem_shared>>
      tpu.enqueue_indirect_dma source(%dma_start3A_215 : memref<128x16xf32, #tpu.memory_space<vmem>>) target(%dma_start3A_221 : memref<4096x16xf32, #tpu.memory_space<vmem_shared>>) offsets(%dma_start3A_218 : memref<128xi32, #tpu.memory_space<vmem>>) semaphore(%run_scoped3A_213 : memref<!tpu.dma_semaphore, #tpu.memory_space<semaphore_mem>>) {add = true}
      %dma_wait3A = arith.constant 0 : i32
      %dma_wait3A_222 = arith.constant 0 : i32
      %dma_wait3A_223 = tpu.memref_slice %arg11[%dma_wait3A, %dma_wait3A_222] : memref<256x16xf32, #tpu.memory_space<vmem>> -> memref<128x16xf32, #tpu.memory_space<vmem>>
      %dma_wait3A_224 = arith.constant 0 : i32
      %dma_wait3A_225 = tpu.memref_slice %arg9[%run_scoped3A_98, %dma_wait3A_224] : memref<2x128xi32, #tpu.memory_space<vmem>> -> memref<1x128xi32, #tpu.memory_space<vmem>>
      %dma_wait3A_226 = tpu.memref_squeeze %dma_wait3A_225 : memref<1x128xi32, #tpu.memory_space<vmem>> -> memref<128xi32, #tpu.memory_space<vmem>>
      %dma_wait3A_227 = arith.constant 0 : i32
      %dma_wait3A_228 = arith.constant 0 : i32
      %dma_wait3A_229 = tpu.memref_slice %arg14[%dma_wait3A_227, %dma_wait3A_228] : memref<4096x16xf32, #tpu.memory_space<vmem_shared>> -> memref<4096x16xf32, #tpu.memory_space<vmem_shared>>
      tpu.wait_indirect_dma semaphore(%run_scoped3A_213 : memref<!tpu.dma_semaphore, #tpu.memory_space<semaphore_mem>>) src(%dma_wait3A_223 : memref<128x16xf32, #tpu.memory_space<vmem>>) dst(%dma_wait3A_229 : memref<4096x16xf32, #tpu.memory_space<vmem_shared>>)
      tpu.yield
    }) : () -> ()
    %run_scoped3A_99 = arith.constant 1 : i32
    "tpu.region"() ({
      %run_scoped3A_213 = tpu.sem_alloc : memref<!tpu.dma_semaphore, #tpu.memory_space<semaphore_mem>>
      %dma_start3A = arith.constant 128 : i32
      %dma_start3A_214 = arith.constant 0 : i32
      %dma_start3A_215 = tpu.memref_slice %arg7[%dma_start3A, %dma_start3A_214] : memref<256x64xf32, #tpu.memory_space<vmem>> -> memref<128x64xf32, #tpu.memory_space<vmem>>
      %dma_start3A_216 = arith.constant 0 : i32
      %dma_start3A_217 = tpu.memref_slice %arg9[%run_scoped3A_99, %dma_start3A_216] : memref<2x128xi32, #tpu.memory_space<vmem>> -> memref<1x128xi32, #tpu.memory_space<vmem>>
      %dma_start3A_218 = tpu.memref_squeeze %dma_start3A_217 : memref<1x128xi32, #tpu.memory_space<vmem>> -> memref<128xi32, #tpu.memory_space<vmem>>
      %dma_start3A_219 = arith.constant 0 : i32
      %dma_start3A_220 = arith.constant 0 : i32
      %dma_start3A_221 = tpu.memref_slice %arg13[%dma_start3A_219, %dma_start3A_220] : memref<4096x64xf32, #tpu.memory_space<vmem_shared>> -> memref<4096x64xf32, #tpu.memory_space<vmem_shared>>
      tpu.enqueue_indirect_dma source(%dma_start3A_215 : memref<128x64xf32, #tpu.memory_space<vmem>>) target(%dma_start3A_221 : memref<4096x64xf32, #tpu.memory_space<vmem_shared>>) offsets(%dma_start3A_218 : memref<128xi32, #tpu.memory_space<vmem>>) semaphore(%run_scoped3A_213 : memref<!tpu.dma_semaphore, #tpu.memory_space<semaphore_mem>>) {add = true}
      %dma_wait3A = arith.constant 128 : i32
      %dma_wait3A_222 = arith.constant 0 : i32
      %dma_wait3A_223 = tpu.memref_slice %arg7[%dma_wait3A, %dma_wait3A_222] : memref<256x64xf32, #tpu.memory_space<vmem>> -> memref<128x64xf32, #tpu.memory_space<vmem>>
      %dma_wait3A_224 = arith.constant 0 : i32
      %dma_wait3A_225 = tpu.memref_slice %arg9[%run_scoped3A_99, %dma_wait3A_224] : memref<2x128xi32, #tpu.memory_space<vmem>> -> memref<1x128xi32, #tpu.memory_space<vmem>>
      %dma_wait3A_226 = tpu.memref_squeeze %dma_wait3A_225 : memref<1x128xi32, #tpu.memory_space<vmem>> -> memref<128xi32, #tpu.memory_space<vmem>>
      %dma_wait3A_227 = arith.constant 0 : i32
      %dma_wait3A_228 = arith.constant 0 : i32
      %dma_wait3A_229 = tpu.memref_slice %arg13[%dma_wait3A_227, %dma_wait3A_228] : memref<4096x64xf32, #tpu.memory_space<vmem_shared>> -> memref<4096x64xf32, #tpu.memory_space<vmem_shared>>
      tpu.wait_indirect_dma semaphore(%run_scoped3A_213 : memref<!tpu.dma_semaphore, #tpu.memory_space<semaphore_mem>>) src(%dma_wait3A_223 : memref<128x64xf32, #tpu.memory_space<vmem>>) dst(%dma_wait3A_229 : memref<4096x64xf32, #tpu.memory_space<vmem_shared>>)
      tpu.yield
    }) : () -> ()
    %run_scoped3A_100 = arith.constant 1 : i32
    "tpu.region"() ({
      %run_scoped3A_213 = tpu.sem_alloc : memref<!tpu.dma_semaphore, #tpu.memory_space<semaphore_mem>>
      %dma_start3A = arith.constant 128 : i32
      %dma_start3A_214 = arith.constant 0 : i32
      %dma_start3A_215 = tpu.memref_slice %arg11[%dma_start3A, %dma_start3A_214] : memref<256x16xf32, #tpu.memory_space<vmem>> -> memref<128x16xf32, #tpu.memory_space<vmem>>
      %dma_start3A_216 = arith.constant 0 : i32
      %dma_start3A_217 = tpu.memref_slice %arg9[%run_scoped3A_100, %dma_start3A_216] : memref<2x128xi32, #tpu.memory_space<vmem>> -> memref<1x128xi32, #tpu.memory_space<vmem>>
      %dma_start3A_218 = tpu.memref_squeeze %dma_start3A_217 : memref<1x128xi32, #tpu.memory_space<vmem>> -> memref<128xi32, #tpu.memory_space<vmem>>
      %dma_start3A_219 = arith.constant 0 : i32
      %dma_start3A_220 = arith.constant 0 : i32
      %dma_start3A_221 = tpu.memref_slice %arg14[%dma_start3A_219, %dma_start3A_220] : memref<4096x16xf32, #tpu.memory_space<vmem_shared>> -> memref<4096x16xf32, #tpu.memory_space<vmem_shared>>
      tpu.enqueue_indirect_dma source(%dma_start3A_215 : memref<128x16xf32, #tpu.memory_space<vmem>>) target(%dma_start3A_221 : memref<4096x16xf32, #tpu.memory_space<vmem_shared>>) offsets(%dma_start3A_218 : memref<128xi32, #tpu.memory_space<vmem>>) semaphore(%run_scoped3A_213 : memref<!tpu.dma_semaphore, #tpu.memory_space<semaphore_mem>>) {add = true}
      %dma_wait3A = arith.constant 128 : i32
      %dma_wait3A_222 = arith.constant 0 : i32
      %dma_wait3A_223 = tpu.memref_slice %arg11[%dma_wait3A, %dma_wait3A_222] : memref<256x16xf32, #tpu.memory_space<vmem>> -> memref<128x16xf32, #tpu.memory_space<vmem>>
      %dma_wait3A_224 = arith.constant 0 : i32
      %dma_wait3A_225 = tpu.memref_slice %arg9[%run_scoped3A_100, %dma_wait3A_224] : memref<2x128xi32, #tpu.memory_space<vmem>> -> memref<1x128xi32, #tpu.memory_space<vmem>>
      %dma_wait3A_226 = tpu.memref_squeeze %dma_wait3A_225 : memref<1x128xi32, #tpu.memory_space<vmem>> -> memref<128xi32, #tpu.memory_space<vmem>>
      %dma_wait3A_227 = arith.constant 0 : i32
      %dma_wait3A_228 = arith.constant 0 : i32
      %dma_wait3A_229 = tpu.memref_slice %arg14[%dma_wait3A_227, %dma_wait3A_228] : memref<4096x16xf32, #tpu.memory_space<vmem_shared>> -> memref<4096x16xf32, #tpu.memory_space<vmem_shared>>
      tpu.wait_indirect_dma semaphore(%run_scoped3A_213 : memref<!tpu.dma_semaphore, #tpu.memory_space<semaphore_mem>>) src(%dma_wait3A_223 : memref<128x16xf32, #tpu.memory_space<vmem>>) dst(%dma_wait3A_229 : memref<4096x16xf32, #tpu.memory_space<vmem_shared>>)
      tpu.yield
    }) : () -> ()
    %barrier3A_101 = arith.constant 0 : index
    tpu.barrier barrier_id(%barrier3A_101)
    "tpu.region"() ({
      %run_scoped3A_213 = tpu.sem_alloc : memref<!tpu.dma_semaphore, #tpu.memory_space<semaphore_mem>>
      %dma_start3A = arith.constant 0 : i32
      %dma_start3A_214 = tpu.memref_slice %arg13[%mul3A_0, %dma_start3A] : memref<4096x64xf32, #tpu.memory_space<vmem_shared>> -> memref<256x64xf32, #tpu.memory_space<vmem_shared>>
      %dma_start3A_215 = arith.constant 0 : i32
      %dma_start3A_216 = tpu.memref_slice %arg13[%mul3A_0, %dma_start3A_215] : memref<4096x64xf32, #tpu.memory_space<vmem_shared>> -> memref<256x64xf32, #tpu.memory_space<vmem_shared>>
      tpu.enqueue_dma source(%dma_start3A_216 : memref<256x64xf32, #tpu.memory_space<vmem_shared>>) target(%arg7 : memref<256x64xf32, #tpu.memory_space<vmem>>) target_semaphore(%run_scoped3A_213 : memref<!tpu.dma_semaphore, #tpu.memory_space<semaphore_mem>>)
      %dma_wait3A = arith.constant 0 : i32
      %dma_wait3A_217 = tpu.memref_slice %arg13[%mul3A_0, %dma_wait3A] : memref<4096x64xf32, #tpu.memory_space<vmem_shared>> -> memref<256x64xf32, #tpu.memory_space<vmem_shared>>
      %dma_wait3A_218 = arith.constant 0 : i32
      %dma_wait3A_219 = tpu.memref_slice %arg13[%mul3A_0, %dma_wait3A_218] : memref<4096x64xf32, #tpu.memory_space<vmem_shared>> -> memref<256x64xf32, #tpu.memory_space<vmem_shared>>
      tpu.wait_dma2 semaphore(%run_scoped3A_213 : memref<!tpu.dma_semaphore, #tpu.memory_space<semaphore_mem>>) src(%dma_wait3A_219 : memref<256x64xf32, #tpu.memory_space<vmem_shared>>) dst(%arg7 : memref<256x64xf32, #tpu.memory_space<vmem>>)
      tpu.yield
    }) : () -> ()
    "tpu.region"() ({
      %run_scoped3A_213 = tpu.sem_alloc : memref<!tpu.dma_semaphore, #tpu.memory_space<semaphore_mem>>
      %dma_start3A = arith.constant 0 : i32
      %dma_start3A_214 = tpu.memref_slice %arg14[%mul3A_0, %dma_start3A] : memref<4096x16xf32, #tpu.memory_space<vmem_shared>> -> memref<256x16xf32, #tpu.memory_space<vmem_shared>>
      %dma_start3A_215 = arith.constant 0 : i32
      %dma_start3A_216 = tpu.memref_slice %arg14[%mul3A_0, %dma_start3A_215] : memref<4096x16xf32, #tpu.memory_space<vmem_shared>> -> memref<256x16xf32, #tpu.memory_space<vmem_shared>>
      tpu.enqueue_dma source(%dma_start3A_216 : memref<256x16xf32, #tpu.memory_space<vmem_shared>>) target(%arg8 : memref<256x16xf32, #tpu.memory_space<vmem>>) target_semaphore(%run_scoped3A_213 : memref<!tpu.dma_semaphore, #tpu.memory_space<semaphore_mem>>)
      %dma_wait3A = arith.constant 0 : i32
      %dma_wait3A_217 = tpu.memref_slice %arg14[%mul3A_0, %dma_wait3A] : memref<4096x16xf32, #tpu.memory_space<vmem_shared>> -> memref<256x16xf32, #tpu.memory_space<vmem_shared>>
      %dma_wait3A_218 = arith.constant 0 : i32
      %dma_wait3A_219 = tpu.memref_slice %arg14[%mul3A_0, %dma_wait3A_218] : memref<4096x16xf32, #tpu.memory_space<vmem_shared>> -> memref<256x16xf32, #tpu.memory_space<vmem_shared>>
      tpu.wait_dma2 semaphore(%run_scoped3A_213 : memref<!tpu.dma_semaphore, #tpu.memory_space<semaphore_mem>>) src(%dma_wait3A_219 : memref<256x16xf32, #tpu.memory_space<vmem_shared>>) dst(%arg8 : memref<256x16xf32, #tpu.memory_space<vmem>>)
      tpu.yield
    }) : () -> ()
    %scan3A_102 = arith.constant 0 : i32
    %scan3A_103 = arith.constant 0 : i32
    %scan3A_104 = arith.constant 256 : i32
    %scan3A_105 = arith.addi %scan3A_103, %scan3A_104 : i32
    %scan3A_106 = arith.constant 1 : i32
    %scan3A_107 = scf.for %scan3A_213 = %scan3A_103 to %scan3A_105 step %scan3A_106 iter_args(%scan3A_214 = %scan3A_102) -> (i32)  : i32 {
      %get3A = arith.index_cast %scan3A_213 : i32 to index
      %get3A_215 = arith.constant 0 : index
      %get3A_216 = tpu.vector_load %arg8[%get3A, %get3A_215] {strides = array<i32>} : memref<256x16xf32, #tpu.memory_space<vmem>>, vector<1x16xf32>,
      %get3A_217 = vector.shape_cast %get3A_216 : vector<1x16xf32> to vector<16xf32>
      %get3A_218 = arith.index_cast %scan3A_213 : i32 to index
      %get3A_219 = arith.constant 0 : index
      %get3A_220 = tpu.vector_load %arg7[%get3A_218, %get3A_219] {strides = array<i32>} : memref<256x64xf32, #tpu.memory_space<vmem>>, vector<1x16xf32>,
      %get3A_221 = vector.shape_cast %get3A_220 : vector<1x16xf32> to vector<16xf32>
      %div3A = arith.divf %get3A_221, %get3A_217 : vector<16xf32>
      %swap3A = arith.index_cast %scan3A_213 : i32 to index
      %swap3A_222 = arith.constant 0 : index
      %swap3A_223 = tpu.vector_load %arg7[%swap3A, %swap3A_222] {strides = array<i32>} : memref<256x64xf32, #tpu.memory_space<vmem>>, vector<1x16xf32>,
      %swap3A_224 = vector.shape_cast %swap3A_223 : vector<1x16xf32> to vector<16xf32>
      %swap3A_225 = vector.shape_cast %div3A : vector<16xf32> to vector<1x16xf32>
      tpu.vector_store %arg7[%swap3A, %swap3A_222], %swap3A_225 {strides = array<i32>} : memref<256x64xf32, #tpu.memory_space<vmem>>, vector<1x16xf32>,
      %get3A_226 = arith.index_cast %scan3A_213 : i32 to index
      %get3A_227 = arith.constant 16 : index
      %get3A_228 = tpu.vector_load %arg7[%get3A_226, %get3A_227] {strides = array<i32>} : memref<256x64xf32, #tpu.memory_space<vmem>>, vector<1x16xf32>,
      %get3A_229 = vector.shape_cast %get3A_228 : vector<1x16xf32> to vector<16xf32>
      %div3A_230 = arith.divf %get3A_229, %get3A_217 : vector<16xf32>
      %swap3A_231 = arith.index_cast %scan3A_213 : i32 to index
      %swap3A_232 = arith.constant 16 : index
      %swap3A_233 = tpu.vector_load %arg7[%swap3A_231, %swap3A_232] {strides = array<i32>} : memref<256x64xf32, #tpu.memory_space<vmem>>, vector<1x16xf32>,
      %swap3A_234 = vector.shape_cast %swap3A_233 : vector<1x16xf32> to vector<16xf32>
      %swap3A_235 = vector.shape_cast %div3A_230 : vector<16xf32> to vector<1x16xf32>
      tpu.vector_store %arg7[%swap3A_231, %swap3A_232], %swap3A_235 {strides = array<i32>} : memref<256x64xf32, #tpu.memory_space<vmem>>, vector<1x16xf32>,
      %get3A_236 = arith.index_cast %scan3A_213 : i32 to index
      %get3A_237 = arith.constant 32 : index
      %get3A_238 = tpu.vector_load %arg7[%get3A_236, %get3A_237] {strides = array<i32>} : memref<256x64xf32, #tpu.memory_space<vmem>>, vector<1x16xf32>,
      %get3A_239 = vector.shape_cast %get3A_238 : vector<1x16xf32> to vector<16xf32>
      %div3A_240 = arith.divf %get3A_239, %get3A_217 : vector<16xf32>
      %swap3A_241 = arith.index_cast %scan3A_213 : i32 to index
      %swap3A_242 = arith.constant 32 : index
      %swap3A_243 = tpu.vector_load %arg7[%swap3A_241, %swap3A_242] {strides = array<i32>} : memref<256x64xf32, #tpu.memory_space<vmem>>, vector<1x16xf32>,
      %swap3A_244 = vector.shape_cast %swap3A_243 : vector<1x16xf32> to vector<16xf32>
      %swap3A_245 = vector.shape_cast %div3A_240 : vector<16xf32> to vector<1x16xf32>
      tpu.vector_store %arg7[%swap3A_241, %swap3A_242], %swap3A_245 {strides = array<i32>} : memref<256x64xf32, #tpu.memory_space<vmem>>, vector<1x16xf32>,
      %get3A_246 = arith.index_cast %scan3A_213 : i32 to index
      %get3A_247 = arith.constant 48 : index
      %get3A_248 = tpu.vector_load %arg7[%get3A_246, %get3A_247] {strides = array<i32>} : memref<256x64xf32, #tpu.memory_space<vmem>>, vector<1x16xf32>,
      %get3A_249 = vector.shape_cast %get3A_248 : vector<1x16xf32> to vector<16xf32>
      %div3A_250 = arith.divf %get3A_249, %get3A_217 : vector<16xf32>
      %swap3A_251 = arith.index_cast %scan3A_213 : i32 to index
      %swap3A_252 = arith.constant 48 : index
      %swap3A_253 = tpu.vector_load %arg7[%swap3A_251, %swap3A_252] {strides = array<i32>} : memref<256x64xf32, #tpu.memory_space<vmem>>, vector<1x16xf32>,
      %swap3A_254 = vector.shape_cast %swap3A_253 : vector<1x16xf32> to vector<16xf32>
      %swap3A_255 = vector.shape_cast %div3A_250 : vector<16xf32> to vector<1x16xf32>
      tpu.vector_store %arg7[%swap3A_251, %swap3A_252], %swap3A_255 {strides = array<i32>} : memref<256x64xf32, #tpu.memory_space<vmem>>, vector<1x16xf32>,
      %scan3A_256 = arith.constant 0 : i32
      scf.yield %scan3A_256 : i32
    }
    %scan3A_108 = arith.constant 256 : i32
    "tpu.region"() ({
      %run_scoped3A_213 = tpu.sem_alloc : memref<!tpu.dma_semaphore, #tpu.memory_space<semaphore_mem>>
      %dma_start3A = arith.constant 0 : i32
      %dma_start3A_214 = tpu.memref_slice %arg13[%mul3A_0, %dma_start3A] : memref<4096x64xf32, #tpu.memory_space<vmem_shared>> -> memref<256x64xf32, #tpu.memory_space<vmem_shared>>
      %dma_start3A_215 = arith.constant 0 : i32
      %dma_start3A_216 = tpu.memref_slice %arg13[%mul3A_0, %dma_start3A_215] : memref<4096x64xf32, #tpu.memory_space<vmem_shared>> -> memref<256x64xf32, #tpu.memory_space<vmem_shared>>
      tpu.enqueue_dma source(%arg7 : memref<256x64xf32, #tpu.memory_space<vmem>>) target(%dma_start3A_216 : memref<256x64xf32, #tpu.memory_space<vmem_shared>>) target_semaphore(%run_scoped3A_213 : memref<!tpu.dma_semaphore, #tpu.memory_space<semaphore_mem>>)
      %dma_wait3A = arith.constant 0 : i32
      %dma_wait3A_217 = tpu.memref_slice %arg13[%mul3A_0, %dma_wait3A] : memref<4096x64xf32, #tpu.memory_space<vmem_shared>> -> memref<256x64xf32, #tpu.memory_space<vmem_shared>>
      %dma_wait3A_218 = arith.constant 0 : i32
      %dma_wait3A_219 = tpu.memref_slice %arg13[%mul3A_0, %dma_wait3A_218] : memref<4096x64xf32, #tpu.memory_space<vmem_shared>> -> memref<256x64xf32, #tpu.memory_space<vmem_shared>>
      tpu.wait_dma2 semaphore(%run_scoped3A_213 : memref<!tpu.dma_semaphore, #tpu.memory_space<semaphore_mem>>) src(%arg7 : memref<256x64xf32, #tpu.memory_space<vmem>>) dst(%dma_wait3A_219 : memref<256x64xf32, #tpu.memory_space<vmem_shared>>)
      tpu.yield
    }) : () -> ()
    "tpu.region"() ({
      %run_scoped3A_213 = tpu.sem_alloc : memref<!tpu.dma_semaphore, #tpu.memory_space<semaphore_mem>>
      %dma_start3A = arith.constant 0 : i32
      %dma_start3A_214 = tpu.memref_slice %arg5[%add3A_93, %mul3A_0, %dma_start3A] : memref<4x4096x64xf32, #tpu.memory_space<hbm>> -> memref<1x256x64xf32, #tpu.memory_space<hbm>>
      %dma_start3A_215 = tpu.memref_squeeze %dma_start3A_214 : memref<1x256x64xf32, #tpu.memory_space<hbm>> -> memref<256x64xf32, #tpu.memory_space<hbm>>
      %dma_start3A_216 = arith.constant 0 : i32
      %dma_start3A_217 = tpu.memref_slice %arg5[%add3A_93, %mul3A_0, %dma_start3A_216] : memref<4x4096x64xf32, #tpu.memory_space<hbm>> -> memref<1x256x64xf32, #tpu.memory_space<hbm>>
      %dma_start3A_218 = tpu.memref_squeeze %dma_start3A_217 : memref<1x256x64xf32, #tpu.memory_space<hbm>> -> memref<256x64xf32, #tpu.memory_space<hbm>>
      tpu.enqueue_dma source(%arg7 : memref<256x64xf32, #tpu.memory_space<vmem>>) target(%dma_start3A_218 : memref<256x64xf32, #tpu.memory_space<hbm>>) target_semaphore(%run_scoped3A_213 : memref<!tpu.dma_semaphore, #tpu.memory_space<semaphore_mem>>)
      %dma_wait3A = arith.constant 0 : i32
      %dma_wait3A_219 = tpu.memref_slice %arg5[%add3A_93, %mul3A_0, %dma_wait3A] : memref<4x4096x64xf32, #tpu.memory_space<hbm>> -> memref<1x256x64xf32, #tpu.memory_space<hbm>>
      %dma_wait3A_220 = tpu.memref_squeeze %dma_wait3A_219 : memref<1x256x64xf32, #tpu.memory_space<hbm>> -> memref<256x64xf32, #tpu.memory_space<hbm>>
      %dma_wait3A_221 = arith.constant 0 : i32
      %dma_wait3A_222 = tpu.memref_slice %arg5[%add3A_93, %mul3A_0, %dma_wait3A_221] : memref<4x4096x64xf32, #tpu.memory_space<hbm>> -> memref<1x256x64xf32, #tpu.memory_space<hbm>>
      %dma_wait3A_223 = tpu.memref_squeeze %dma_wait3A_222 : memref<1x256x64xf32, #tpu.memory_space<hbm>> -> memref<256x64xf32, #tpu.memory_space<hbm>>
      tpu.wait_dma2 semaphore(%run_scoped3A_213 : memref<!tpu.dma_semaphore, #tpu.memory_space<semaphore_mem>>) src(%arg7 : memref<256x64xf32, #tpu.memory_space<vmem>>) dst(%dma_wait3A_223 : memref<256x64xf32, #tpu.memory_space<hbm>>)
      tpu.yield
    }) : () -> ()
    %mul3A_109 = arith.constant 4 : i32
    %mul3A_110 = arith.muli %mul3A_109, %arg1 : i32
    %add3A_111 = arith.constant 0 : i32
    %add3A_112 = arith.addi %mul3A_110, %add3A_111 : i32
    %run_scoped3A_113 = arith.constant 3 : i32
    "tpu.region"() ({
      %run_scoped3A_213 = tpu.sem_alloc : memref<!tpu.dma_semaphore, #tpu.memory_space<semaphore_mem>>
      %dma_start3A = arith.constant 0 : i32
      %dma_start3A_214 = arith.constant 0 : i32
      %dma_start3A_215 = tpu.memref_slice %arg7[%dma_start3A, %dma_start3A_214] : memref<256x64xf32, #tpu.memory_space<vmem>> -> memref<32x64xf32, #tpu.memory_space<vmem>>
      %dma_start3A_216 = arith.constant 0 : i32
      %dma_start3A_217 = arith.constant 0 : i32
      %dma_start3A_218 = tpu.memref_slice %arg6[%arg0, %add3A_112, %dma_start3A_216, %run_scoped3A_113, %dma_start3A_217] : memref<4x64x32x4x64xf32, #tpu.memory_space<hbm>> -> memref<1x1x32x1x64xf32, #tpu.memory_space<hbm>>
      %dma_start3A_219 = tpu.memref_squeeze %dma_start3A_218 : memref<1x1x32x1x64xf32, #tpu.memory_space<hbm>> -> memref<32x64xf32, #tpu.memory_space<hbm>>
      %dma_start3A_220 = arith.constant 0 : i32
      %dma_start3A_221 = arith.constant 0 : i32
      %dma_start3A_222 = tpu.memref_slice %arg6[%arg0, %add3A_112, %dma_start3A_220, %run_scoped3A_113, %dma_start3A_221] : memref<4x64x32x4x64xf32, #tpu.memory_space<hbm>> -> memref<1x1x32x1x64xf32, #tpu.memory_space<hbm>>
      %dma_start3A_223 = tpu.memref_squeeze %dma_start3A_222 : memref<1x1x32x1x64xf32, #tpu.memory_space<hbm>> -> memref<32x64xf32, #tpu.memory_space<hbm>>
      %dma_start3A_224 = arith.constant 0 : i32
      %dma_start3A_225 = arith.constant 0 : i32
      %dma_start3A_226 = tpu.memref_slice %arg7[%dma_start3A_224, %dma_start3A_225] : memref<256x64xf32, #tpu.memory_space<vmem>> -> memref<32x64xf32, #tpu.memory_space<vmem>>
      tpu.enqueue_dma source(%dma_start3A_226 : memref<32x64xf32, #tpu.memory_space<vmem>>) target(%dma_start3A_223 : memref<32x64xf32, #tpu.memory_space<hbm>>) target_semaphore(%run_scoped3A_213 : memref<!tpu.dma_semaphore, #tpu.memory_space<semaphore_mem>>)
      %dma_wait3A = arith.constant 0 : i32
      %dma_wait3A_227 = arith.constant 0 : i32
      %dma_wait3A_228 = tpu.memref_slice %arg7[%dma_wait3A, %dma_wait3A_227] : memref<256x64xf32, #tpu.memory_space<vmem>> -> memref<32x64xf32, #tpu.memory_space<vmem>>
      %dma_wait3A_229 = arith.constant 0 : i32
      %dma_wait3A_230 = arith.constant 0 : i32
      %dma_wait3A_231 = tpu.memref_slice %arg6[%arg0, %add3A_112, %dma_wait3A_229, %run_scoped3A_113, %dma_wait3A_230] : memref<4x64x32x4x64xf32, #tpu.memory_space<hbm>> -> memref<1x1x32x1x64xf32, #tpu.memory_space<hbm>>
      %dma_wait3A_232 = tpu.memref_squeeze %dma_wait3A_231 : memref<1x1x32x1x64xf32, #tpu.memory_space<hbm>> -> memref<32x64xf32, #tpu.memory_space<hbm>>
      %dma_wait3A_233 = arith.constant 0 : i32
      %dma_wait3A_234 = arith.constant 0 : i32
      %dma_wait3A_235 = tpu.memref_slice %arg6[%arg0, %add3A_112, %dma_wait3A_233, %run_scoped3A_113, %dma_wait3A_234] : memref<4x64x32x4x64xf32, #tpu.memory_space<hbm>> -> memref<1x1x32x1x64xf32, #tpu.memory_space<hbm>>
      %dma_wait3A_236 = tpu.memref_squeeze %dma_wait3A_235 : memref<1x1x32x1x64xf32, #tpu.memory_space<hbm>> -> memref<32x64xf32, #tpu.memory_space<hbm>>
      %dma_wait3A_237 = arith.constant 0 : i32
      %dma_wait3A_238 = arith.constant 0 : i32
      %dma_wait3A_239 = tpu.memref_slice %arg7[%dma_wait3A_237, %dma_wait3A_238] : memref<256x64xf32, #tpu.memory_space<vmem>> -> memref<32x64xf32, #tpu.memory_space<vmem>>
      tpu.wait_dma2 semaphore(%run_scoped3A_213 : memref<!tpu.dma_semaphore, #tpu.memory_space<semaphore_mem>>) src(%dma_wait3A_239 : memref<32x64xf32, #tpu.memory_space<vmem>>) dst(%dma_wait3A_236 : memref<32x64xf32, #tpu.memory_space<hbm>>)
      tpu.yield
    }) : () -> ()
    %mul3A_114 = arith.constant 4 : i32
    %mul3A_115 = arith.muli %mul3A_114, %arg1 : i32
    %add3A_116 = arith.constant 1 : i32
    %add3A_117 = arith.addi %mul3A_115, %add3A_116 : i32
    %run_scoped3A_118 = arith.constant 3 : i32
    "tpu.region"() ({
      %run_scoped3A_213 = tpu.sem_alloc : memref<!tpu.dma_semaphore, #tpu.memory_space<semaphore_mem>>
      %dma_start3A = arith.constant 64 : i32
      %dma_start3A_214 = arith.constant 0 : i32
      %dma_start3A_215 = tpu.memref_slice %arg7[%dma_start3A, %dma_start3A_214] : memref<256x64xf32, #tpu.memory_space<vmem>> -> memref<32x64xf32, #tpu.memory_space<vmem>>
      %dma_start3A_216 = arith.constant 0 : i32
      %dma_start3A_217 = arith.constant 0 : i32
      %dma_start3A_218 = tpu.memref_slice %arg6[%arg0, %add3A_117, %dma_start3A_216, %run_scoped3A_118, %dma_start3A_217] : memref<4x64x32x4x64xf32, #tpu.memory_space<hbm>> -> memref<1x1x32x1x64xf32, #tpu.memory_space<hbm>>
      %dma_start3A_219 = tpu.memref_squeeze %dma_start3A_218 : memref<1x1x32x1x64xf32, #tpu.memory_space<hbm>> -> memref<32x64xf32, #tpu.memory_space<hbm>>
      %dma_start3A_220 = arith.constant 0 : i32
      %dma_start3A_221 = arith.constant 0 : i32
      %dma_start3A_222 = tpu.memref_slice %arg6[%arg0, %add3A_117, %dma_start3A_220, %run_scoped3A_118, %dma_start3A_221] : memref<4x64x32x4x64xf32, #tpu.memory_space<hbm>> -> memref<1x1x32x1x64xf32, #tpu.memory_space<hbm>>
      %dma_start3A_223 = tpu.memref_squeeze %dma_start3A_222 : memref<1x1x32x1x64xf32, #tpu.memory_space<hbm>> -> memref<32x64xf32, #tpu.memory_space<hbm>>
      %dma_start3A_224 = arith.constant 64 : i32
      %dma_start3A_225 = arith.constant 0 : i32
      %dma_start3A_226 = tpu.memref_slice %arg7[%dma_start3A_224, %dma_start3A_225] : memref<256x64xf32, #tpu.memory_space<vmem>> -> memref<32x64xf32, #tpu.memory_space<vmem>>
      tpu.enqueue_dma source(%dma_start3A_226 : memref<32x64xf32, #tpu.memory_space<vmem>>) target(%dma_start3A_223 : memref<32x64xf32, #tpu.memory_space<hbm>>) target_semaphore(%run_scoped3A_213 : memref<!tpu.dma_semaphore, #tpu.memory_space<semaphore_mem>>)
      %dma_wait3A = arith.constant 64 : i32
      %dma_wait3A_227 = arith.constant 0 : i32
      %dma_wait3A_228 = tpu.memref_slice %arg7[%dma_wait3A, %dma_wait3A_227] : memref<256x64xf32, #tpu.memory_space<vmem>> -> memref<32x64xf32, #tpu.memory_space<vmem>>
      %dma_wait3A_229 = arith.constant 0 : i32
      %dma_wait3A_230 = arith.constant 0 : i32
      %dma_wait3A_231 = tpu.memref_slice %arg6[%arg0, %add3A_117, %dma_wait3A_229, %run_scoped3A_118, %dma_wait3A_230] : memref<4x64x32x4x64xf32, #tpu.memory_space<hbm>> -> memref<1x1x32x1x64xf32, #tpu.memory_space<hbm>>
      %dma_wait3A_232 = tpu.memref_squeeze %dma_wait3A_231 : memref<1x1x32x1x64xf32, #tpu.memory_space<hbm>> -> memref<32x64xf32, #tpu.memory_space<hbm>>
      %dma_wait3A_233 = arith.constant 0 : i32
      %dma_wait3A_234 = arith.constant 0 : i32
      %dma_wait3A_235 = tpu.memref_slice %arg6[%arg0, %add3A_117, %dma_wait3A_233, %run_scoped3A_118, %dma_wait3A_234] : memref<4x64x32x4x64xf32, #tpu.memory_space<hbm>> -> memref<1x1x32x1x64xf32, #tpu.memory_space<hbm>>
      %dma_wait3A_236 = tpu.memref_squeeze %dma_wait3A_235 : memref<1x1x32x1x64xf32, #tpu.memory_space<hbm>> -> memref<32x64xf32, #tpu.memory_space<hbm>>
      %dma_wait3A_237 = arith.constant 64 : i32
      %dma_wait3A_238 = arith.constant 0 : i32
      %dma_wait3A_239 = tpu.memref_slice %arg7[%dma_wait3A_237, %dma_wait3A_238] : memref<256x64xf32, #tpu.memory_space<vmem>> -> memref<32x64xf32, #tpu.memory_space<vmem>>
      tpu.wait_dma2 semaphore(%run_scoped3A_213 : memref<!tpu.dma_semaphore, #tpu.memory_space<semaphore_mem>>) src(%dma_wait3A_239 : memref<32x64xf32, #tpu.memory_space<vmem>>) dst(%dma_wait3A_236 : memref<32x64xf32, #tpu.memory_space<hbm>>)
      tpu.yield
    }) : () -> ()
    %mul3A_119 = arith.constant 4 : i32
    %mul3A_120 = arith.muli %mul3A_119, %arg1 : i32
    %add3A_121 = arith.constant 2 : i32
    %add3A_122 = arith.addi %mul3A_120, %add3A_121 : i32
    %run_scoped3A_123 = arith.constant 3 : i32
    "tpu.region"() ({
      %run_scoped3A_213 = tpu.sem_alloc : memref<!tpu.dma_semaphore, #tpu.memory_space<semaphore_mem>>
      %dma_start3A = arith.constant 128 : i32
      %dma_start3A_214 = arith.constant 0 : i32
      %dma_start3A_215 = tpu.memref_slice %arg7[%dma_start3A, %dma_start3A_214] : memref<256x64xf32, #tpu.memory_space<vmem>> -> memref<32x64xf32, #tpu.memory_space<vmem>>
      %dma_start3A_216 = arith.constant 0 : i32
      %dma_start3A_217 = arith.constant 0 : i32
      %dma_start3A_218 = tpu.memref_slice %arg6[%arg0, %add3A_122, %dma_start3A_216, %run_scoped3A_123, %dma_start3A_217] : memref<4x64x32x4x64xf32, #tpu.memory_space<hbm>> -> memref<1x1x32x1x64xf32, #tpu.memory_space<hbm>>
      %dma_start3A_219 = tpu.memref_squeeze %dma_start3A_218 : memref<1x1x32x1x64xf32, #tpu.memory_space<hbm>> -> memref<32x64xf32, #tpu.memory_space<hbm>>
      %dma_start3A_220 = arith.constant 0 : i32
      %dma_start3A_221 = arith.constant 0 : i32
      %dma_start3A_222 = tpu.memref_slice %arg6[%arg0, %add3A_122, %dma_start3A_220, %run_scoped3A_123, %dma_start3A_221] : memref<4x64x32x4x64xf32, #tpu.memory_space<hbm>> -> memref<1x1x32x1x64xf32, #tpu.memory_space<hbm>>
      %dma_start3A_223 = tpu.memref_squeeze %dma_start3A_222 : memref<1x1x32x1x64xf32, #tpu.memory_space<hbm>> -> memref<32x64xf32, #tpu.memory_space<hbm>>
      %dma_start3A_224 = arith.constant 128 : i32
      %dma_start3A_225 = arith.constant 0 : i32
      %dma_start3A_226 = tpu.memref_slice %arg7[%dma_start3A_224, %dma_start3A_225] : memref<256x64xf32, #tpu.memory_space<vmem>> -> memref<32x64xf32, #tpu.memory_space<vmem>>
      tpu.enqueue_dma source(%dma_start3A_226 : memref<32x64xf32, #tpu.memory_space<vmem>>) target(%dma_start3A_223 : memref<32x64xf32, #tpu.memory_space<hbm>>) target_semaphore(%run_scoped3A_213 : memref<!tpu.dma_semaphore, #tpu.memory_space<semaphore_mem>>)
      %dma_wait3A = arith.constant 128 : i32
      %dma_wait3A_227 = arith.constant 0 : i32
      %dma_wait3A_228 = tpu.memref_slice %arg7[%dma_wait3A, %dma_wait3A_227] : memref<256x64xf32, #tpu.memory_space<vmem>> -> memref<32x64xf32, #tpu.memory_space<vmem>>
      %dma_wait3A_229 = arith.constant 0 : i32
      %dma_wait3A_230 = arith.constant 0 : i32
      %dma_wait3A_231 = tpu.memref_slice %arg6[%arg0, %add3A_122, %dma_wait3A_229, %run_scoped3A_123, %dma_wait3A_230] : memref<4x64x32x4x64xf32, #tpu.memory_space<hbm>> -> memref<1x1x32x1x64xf32, #tpu.memory_space<hbm>>
      %dma_wait3A_232 = tpu.memref_squeeze %dma_wait3A_231 : memref<1x1x32x1x64xf32, #tpu.memory_space<hbm>> -> memref<32x64xf32, #tpu.memory_space<hbm>>
      %dma_wait3A_233 = arith.constant 0 : i32
      %dma_wait3A_234 = arith.constant 0 : i32
      %dma_wait3A_235 = tpu.memref_slice %arg6[%arg0, %add3A_122, %dma_wait3A_233, %run_scoped3A_123, %dma_wait3A_234] : memref<4x64x32x4x64xf32, #tpu.memory_space<hbm>> -> memref<1x1x32x1x64xf32, #tpu.memory_space<hbm>>
      %dma_wait3A_236 = tpu.memref_squeeze %dma_wait3A_235 : memref<1x1x32x1x64xf32, #tpu.memory_space<hbm>> -> memref<32x64xf32, #tpu.memory_space<hbm>>
      %dma_wait3A_237 = arith.constant 128 : i32
      %dma_wait3A_238 = arith.constant 0 : i32
      %dma_wait3A_239 = tpu.memref_slice %arg7[%dma_wait3A_237, %dma_wait3A_238] : memref<256x64xf32, #tpu.memory_space<vmem>> -> memref<32x64xf32, #tpu.memory_space<vmem>>
      tpu.wait_dma2 semaphore(%run_scoped3A_213 : memref<!tpu.dma_semaphore, #tpu.memory_space<semaphore_mem>>) src(%dma_wait3A_239 : memref<32x64xf32, #tpu.memory_space<vmem>>) dst(%dma_wait3A_236 : memref<32x64xf32, #tpu.memory_space<hbm>>)
      tpu.yield
    }) : () -> ()
    %mul3A_124 = arith.constant 4 : i32
    %mul3A_125 = arith.muli %mul3A_124, %arg1 : i32
    %add3A_126 = arith.constant 3 : i32
    %add3A_127 = arith.addi %mul3A_125, %add3A_126 : i32
    %run_scoped3A_128 = arith.constant 3 : i32
    "tpu.region"() ({
      %run_scoped3A_213 = tpu.sem_alloc : memref<!tpu.dma_semaphore, #tpu.memory_space<semaphore_mem>>
      %dma_start3A = arith.constant 192 : i32
      %dma_start3A_214 = arith.constant 0 : i32
      %dma_start3A_215 = tpu.memref_slice %arg7[%dma_start3A, %dma_start3A_214] : memref<256x64xf32, #tpu.memory_space<vmem>> -> memref<32x64xf32, #tpu.memory_space<vmem>>
      %dma_start3A_216 = arith.constant 0 : i32
      %dma_start3A_217 = arith.constant 0 : i32
      %dma_start3A_218 = tpu.memref_slice %arg6[%arg0, %add3A_127, %dma_start3A_216, %run_scoped3A_128, %dma_start3A_217] : memref<4x64x32x4x64xf32, #tpu.memory_space<hbm>> -> memref<1x1x32x1x64xf32, #tpu.memory_space<hbm>>
      %dma_start3A_219 = tpu.memref_squeeze %dma_start3A_218 : memref<1x1x32x1x64xf32, #tpu.memory_space<hbm>> -> memref<32x64xf32, #tpu.memory_space<hbm>>
      %dma_start3A_220 = arith.constant 0 : i32
      %dma_start3A_221 = arith.constant 0 : i32
      %dma_start3A_222 = tpu.memref_slice %arg6[%arg0, %add3A_127, %dma_start3A_220, %run_scoped3A_128, %dma_start3A_221] : memref<4x64x32x4x64xf32, #tpu.memory_space<hbm>> -> memref<1x1x32x1x64xf32, #tpu.memory_space<hbm>>
      %dma_start3A_223 = tpu.memref_squeeze %dma_start3A_222 : memref<1x1x32x1x64xf32, #tpu.memory_space<hbm>> -> memref<32x64xf32, #tpu.memory_space<hbm>>
      %dma_start3A_224 = arith.constant 192 : i32
      %dma_start3A_225 = arith.constant 0 : i32
      %dma_start3A_226 = tpu.memref_slice %arg7[%dma_start3A_224, %dma_start3A_225] : memref<256x64xf32, #tpu.memory_space<vmem>> -> memref<32x64xf32, #tpu.memory_space<vmem>>
      tpu.enqueue_dma source(%dma_start3A_226 : memref<32x64xf32, #tpu.memory_space<vmem>>) target(%dma_start3A_223 : memref<32x64xf32, #tpu.memory_space<hbm>>) target_semaphore(%run_scoped3A_213 : memref<!tpu.dma_semaphore, #tpu.memory_space<semaphore_mem>>)
      %dma_wait3A = arith.constant 192 : i32
      %dma_wait3A_227 = arith.constant 0 : i32
      %dma_wait3A_228 = tpu.memref_slice %arg7[%dma_wait3A, %dma_wait3A_227] : memref<256x64xf32, #tpu.memory_space<vmem>> -> memref<32x64xf32, #tpu.memory_space<vmem>>
      %dma_wait3A_229 = arith.constant 0 : i32
      %dma_wait3A_230 = arith.constant 0 : i32
      %dma_wait3A_231 = tpu.memref_slice %arg6[%arg0, %add3A_127, %dma_wait3A_229, %run_scoped3A_128, %dma_wait3A_230] : memref<4x64x32x4x64xf32, #tpu.memory_space<hbm>> -> memref<1x1x32x1x64xf32, #tpu.memory_space<hbm>>
      %dma_wait3A_232 = tpu.memref_squeeze %dma_wait3A_231 : memref<1x1x32x1x64xf32, #tpu.memory_space<hbm>> -> memref<32x64xf32, #tpu.memory_space<hbm>>
      %dma_wait3A_233 = arith.constant 0 : i32
      %dma_wait3A_234 = arith.constant 0 : i32
      %dma_wait3A_235 = tpu.memref_slice %arg6[%arg0, %add3A_127, %dma_wait3A_233, %run_scoped3A_128, %dma_wait3A_234] : memref<4x64x32x4x64xf32, #tpu.memory_space<hbm>> -> memref<1x1x32x1x64xf32, #tpu.memory_space<hbm>>
      %dma_wait3A_236 = tpu.memref_squeeze %dma_wait3A_235 : memref<1x1x32x1x64xf32, #tpu.memory_space<hbm>> -> memref<32x64xf32, #tpu.memory_space<hbm>>
      %dma_wait3A_237 = arith.constant 192 : i32
      %dma_wait3A_238 = arith.constant 0 : i32
      %dma_wait3A_239 = tpu.memref_slice %arg7[%dma_wait3A_237, %dma_wait3A_238] : memref<256x64xf32, #tpu.memory_space<vmem>> -> memref<32x64xf32, #tpu.memory_space<vmem>>
      tpu.wait_dma2 semaphore(%run_scoped3A_213 : memref<!tpu.dma_semaphore, #tpu.memory_space<semaphore_mem>>) src(%dma_wait3A_239 : memref<32x64xf32, #tpu.memory_space<vmem>>) dst(%dma_wait3A_236 : memref<32x64xf32, #tpu.memory_space<hbm>>)
      tpu.yield
    }) : () -> ()
    %mul3A_129 = arith.constant 4 : i32
    %mul3A_130 = arith.muli %mul3A_129, %arg1 : i32
    %add3A_131 = arith.constant 0 : i32
    %add3A_132 = arith.addi %mul3A_130, %add3A_131 : i32
    %run_scoped3A_133 = arith.constant 1 : i32
    "tpu.region"() ({
      %run_scoped3A_213 = tpu.sem_alloc : memref<!tpu.dma_semaphore, #tpu.memory_space<semaphore_mem>>
      %dma_start3A = arith.constant 0 : i32
      %dma_start3A_214 = arith.constant 0 : i32
      %dma_start3A_215 = tpu.memref_slice %arg6[%add3A_93, %add3A_132, %dma_start3A, %run_scoped3A_133, %dma_start3A_214] : memref<4x64x32x4x64xf32, #tpu.memory_space<hbm>> -> memref<1x1x32x1x64xf32, #tpu.memory_space<hbm>>
      %dma_start3A_216 = tpu.memref_squeeze %dma_start3A_215 : memref<1x1x32x1x64xf32, #tpu.memory_space<hbm>> -> memref<32x64xf32, #tpu.memory_space<hbm>>
      %dma_start3A_217 = arith.constant 0 : i32
      %dma_start3A_218 = arith.constant 0 : i32
      %dma_start3A_219 = tpu.memref_slice %arg6[%add3A_93, %add3A_132, %dma_start3A_217, %run_scoped3A_133, %dma_start3A_218] : memref<4x64x32x4x64xf32, #tpu.memory_space<hbm>> -> memref<1x1x32x1x64xf32, #tpu.memory_space<hbm>>
      %dma_start3A_220 = tpu.memref_squeeze %dma_start3A_219 : memref<1x1x32x1x64xf32, #tpu.memory_space<hbm>> -> memref<32x64xf32, #tpu.memory_space<hbm>>
      tpu.enqueue_dma source(%arg12 : memref<32x64xf32, #tpu.memory_space<vmem>>) target(%dma_start3A_220 : memref<32x64xf32, #tpu.memory_space<hbm>>) target_semaphore(%run_scoped3A_213 : memref<!tpu.dma_semaphore, #tpu.memory_space<semaphore_mem>>)
      %dma_wait3A = arith.constant 0 : i32
      %dma_wait3A_221 = arith.constant 0 : i32
      %dma_wait3A_222 = tpu.memref_slice %arg6[%add3A_93, %add3A_132, %dma_wait3A, %run_scoped3A_133, %dma_wait3A_221] : memref<4x64x32x4x64xf32, #tpu.memory_space<hbm>> -> memref<1x1x32x1x64xf32, #tpu.memory_space<hbm>>
      %dma_wait3A_223 = tpu.memref_squeeze %dma_wait3A_222 : memref<1x1x32x1x64xf32, #tpu.memory_space<hbm>> -> memref<32x64xf32, #tpu.memory_space<hbm>>
      %dma_wait3A_224 = arith.constant 0 : i32
      %dma_wait3A_225 = arith.constant 0 : i32
      %dma_wait3A_226 = tpu.memref_slice %arg6[%add3A_93, %add3A_132, %dma_wait3A_224, %run_scoped3A_133, %dma_wait3A_225] : memref<4x64x32x4x64xf32, #tpu.memory_space<hbm>> -> memref<1x1x32x1x64xf32, #tpu.memory_space<hbm>>
      %dma_wait3A_227 = tpu.memref_squeeze %dma_wait3A_226 : memref<1x1x32x1x64xf32, #tpu.memory_space<hbm>> -> memref<32x64xf32, #tpu.memory_space<hbm>>
      tpu.wait_dma2 semaphore(%run_scoped3A_213 : memref<!tpu.dma_semaphore, #tpu.memory_space<semaphore_mem>>) src(%arg12 : memref<32x64xf32, #tpu.memory_space<vmem>>) dst(%dma_wait3A_227 : memref<32x64xf32, #tpu.memory_space<hbm>>)
      tpu.yield
    }) : () -> ()
    %mul3A_134 = arith.constant 4 : i32
    %mul3A_135 = arith.muli %mul3A_134, %arg1 : i32
    %add3A_136 = arith.constant 0 : i32
    %add3A_137 = arith.addi %mul3A_135, %add3A_136 : i32
    %run_scoped3A_138 = arith.constant 3 : i32
    "tpu.region"() ({
      %run_scoped3A_213 = tpu.sem_alloc : memref<!tpu.dma_semaphore, #tpu.memory_space<semaphore_mem>>
      %dma_start3A = arith.constant 0 : i32
      %dma_start3A_214 = arith.constant 0 : i32
      %dma_start3A_215 = tpu.memref_slice %arg6[%add3A_93, %add3A_137, %dma_start3A, %run_scoped3A_138, %dma_start3A_214] : memref<4x64x32x4x64xf32, #tpu.memory_space<hbm>> -> memref<1x1x32x1x64xf32, #tpu.memory_space<hbm>>
      %dma_start3A_216 = tpu.memref_squeeze %dma_start3A_215 : memref<1x1x32x1x64xf32, #tpu.memory_space<hbm>> -> memref<32x64xf32, #tpu.memory_space<hbm>>
      %dma_start3A_217 = arith.constant 0 : i32
      %dma_start3A_218 = arith.constant 0 : i32
      %dma_start3A_219 = tpu.memref_slice %arg6[%add3A_93, %add3A_137, %dma_start3A_217, %run_scoped3A_138, %dma_start3A_218] : memref<4x64x32x4x64xf32, #tpu.memory_space<hbm>> -> memref<1x1x32x1x64xf32, #tpu.memory_space<hbm>>
      %dma_start3A_220 = tpu.memref_squeeze %dma_start3A_219 : memref<1x1x32x1x64xf32, #tpu.memory_space<hbm>> -> memref<32x64xf32, #tpu.memory_space<hbm>>
      tpu.enqueue_dma source(%arg12 : memref<32x64xf32, #tpu.memory_space<vmem>>) target(%dma_start3A_220 : memref<32x64xf32, #tpu.memory_space<hbm>>) target_semaphore(%run_scoped3A_213 : memref<!tpu.dma_semaphore, #tpu.memory_space<semaphore_mem>>)
      %dma_wait3A = arith.constant 0 : i32
      %dma_wait3A_221 = arith.constant 0 : i32
      %dma_wait3A_222 = tpu.memref_slice %arg6[%add3A_93, %add3A_137, %dma_wait3A, %run_scoped3A_138, %dma_wait3A_221] : memref<4x64x32x4x64xf32, #tpu.memory_space<hbm>> -> memref<1x1x32x1x64xf32, #tpu.memory_space<hbm>>
      %dma_wait3A_223 = tpu.memref_squeeze %dma_wait3A_222 : memref<1x1x32x1x64xf32, #tpu.memory_space<hbm>> -> memref<32x64xf32, #tpu.memory_space<hbm>>
      %dma_wait3A_224 = arith.constant 0 : i32
      %dma_wait3A_225 = arith.constant 0 : i32
      %dma_wait3A_226 = tpu.memref_slice %arg6[%add3A_93, %add3A_137, %dma_wait3A_224, %run_scoped3A_138, %dma_wait3A_225] : memref<4x64x32x4x64xf32, #tpu.memory_space<hbm>> -> memref<1x1x32x1x64xf32, #tpu.memory_space<hbm>>
      %dma_wait3A_227 = tpu.memref_squeeze %dma_wait3A_226 : memref<1x1x32x1x64xf32, #tpu.memory_space<hbm>> -> memref<32x64xf32, #tpu.memory_space<hbm>>
      tpu.wait_dma2 semaphore(%run_scoped3A_213 : memref<!tpu.dma_semaphore, #tpu.memory_space<semaphore_mem>>) src(%arg12 : memref<32x64xf32, #tpu.memory_space<vmem>>) dst(%dma_wait3A_227 : memref<32x64xf32, #tpu.memory_space<hbm>>)
      tpu.yield
    }) : () -> ()
    %mul3A_139 = arith.constant 4 : i32
    %mul3A_140 = arith.muli %mul3A_139, %arg1 : i32
    %add3A_141 = arith.constant 1 : i32
    %add3A_142 = arith.addi %mul3A_140, %add3A_141 : i32
    %run_scoped3A_143 = arith.constant 1 : i32
    "tpu.region"() ({
      %run_scoped3A_213 = tpu.sem_alloc : memref<!tpu.dma_semaphore, #tpu.memory_space<semaphore_mem>>
      %dma_start3A = arith.constant 0 : i32
      %dma_start3A_214 = arith.constant 0 : i32
      %dma_start3A_215 = tpu.memref_slice %arg6[%add3A_93, %add3A_142, %dma_start3A, %run_scoped3A_143, %dma_start3A_214] : memref<4x64x32x4x64xf32, #tpu.memory_space<hbm>> -> memref<1x1x32x1x64xf32, #tpu.memory_space<hbm>>
      %dma_start3A_216 = tpu.memref_squeeze %dma_start3A_215 : memref<1x1x32x1x64xf32, #tpu.memory_space<hbm>> -> memref<32x64xf32, #tpu.memory_space<hbm>>
      %dma_start3A_217 = arith.constant 0 : i32
      %dma_start3A_218 = arith.constant 0 : i32
      %dma_start3A_219 = tpu.memref_slice %arg6[%add3A_93, %add3A_142, %dma_start3A_217, %run_scoped3A_143, %dma_start3A_218] : memref<4x64x32x4x64xf32, #tpu.memory_space<hbm>> -> memref<1x1x32x1x64xf32, #tpu.memory_space<hbm>>
      %dma_start3A_220 = tpu.memref_squeeze %dma_start3A_219 : memref<1x1x32x1x64xf32, #tpu.memory_space<hbm>> -> memref<32x64xf32, #tpu.memory_space<hbm>>
      tpu.enqueue_dma source(%arg12 : memref<32x64xf32, #tpu.memory_space<vmem>>) target(%dma_start3A_220 : memref<32x64xf32, #tpu.memory_space<hbm>>) target_semaphore(%run_scoped3A_213 : memref<!tpu.dma_semaphore, #tpu.memory_space<semaphore_mem>>)
      %dma_wait3A = arith.constant 0 : i32
      %dma_wait3A_221 = arith.constant 0 : i32
      %dma_wait3A_222 = tpu.memref_slice %arg6[%add3A_93, %add3A_142, %dma_wait3A, %run_scoped3A_143, %dma_wait3A_221] : memref<4x64x32x4x64xf32, #tpu.memory_space<hbm>> -> memref<1x1x32x1x64xf32, #tpu.memory_space<hbm>>
      %dma_wait3A_223 = tpu.memref_squeeze %dma_wait3A_222 : memref<1x1x32x1x64xf32, #tpu.memory_space<hbm>> -> memref<32x64xf32, #tpu.memory_space<hbm>>
      %dma_wait3A_224 = arith.constant 0 : i32
      %dma_wait3A_225 = arith.constant 0 : i32
      %dma_wait3A_226 = tpu.memref_slice %arg6[%add3A_93, %add3A_142, %dma_wait3A_224, %run_scoped3A_143, %dma_wait3A_225] : memref<4x64x32x4x64xf32, #tpu.memory_space<hbm>> -> memref<1x1x32x1x64xf32, #tpu.memory_space<hbm>>
      %dma_wait3A_227 = tpu.memref_squeeze %dma_wait3A_226 : memref<1x1x32x1x64xf32, #tpu.memory_space<hbm>> -> memref<32x64xf32, #tpu.memory_space<hbm>>
      tpu.wait_dma2 semaphore(%run_scoped3A_213 : memref<!tpu.dma_semaphore, #tpu.memory_space<semaphore_mem>>) src(%arg12 : memref<32x64xf32, #tpu.memory_space<vmem>>) dst(%dma_wait3A_227 : memref<32x64xf32, #tpu.memory_space<hbm>>)
      tpu.yield
    }) : () -> ()
    %mul3A_144 = arith.constant 4 : i32
    %mul3A_145 = arith.muli %mul3A_144, %arg1 : i32
    %add3A_146 = arith.constant 1 : i32
    %add3A_147 = arith.addi %mul3A_145, %add3A_146 : i32
    %run_scoped3A_148 = arith.constant 3 : i32
    "tpu.region"() ({
      %run_scoped3A_213 = tpu.sem_alloc : memref<!tpu.dma_semaphore, #tpu.memory_space<semaphore_mem>>
      %dma_start3A = arith.constant 0 : i32
      %dma_start3A_214 = arith.constant 0 : i32
      %dma_start3A_215 = tpu.memref_slice %arg6[%add3A_93, %add3A_147, %dma_start3A, %run_scoped3A_148, %dma_start3A_214] : memref<4x64x32x4x64xf32, #tpu.memory_space<hbm>> -> memref<1x1x32x1x64xf32, #tpu.memory_space<hbm>>
      %dma_start3A_216 = tpu.memref_squeeze %dma_start3A_215 : memref<1x1x32x1x64xf32, #tpu.memory_space<hbm>> -> memref<32x64xf32, #tpu.memory_space<hbm>>
      %dma_start3A_217 = arith.constant 0 : i32
      %dma_start3A_218 = arith.constant 0 : i32
      %dma_start3A_219 = tpu.memref_slice %arg6[%add3A_93, %add3A_147, %dma_start3A_217, %run_scoped3A_148, %dma_start3A_218] : memref<4x64x32x4x64xf32, #tpu.memory_space<hbm>> -> memref<1x1x32x1x64xf32, #tpu.memory_space<hbm>>
      %dma_start3A_220 = tpu.memref_squeeze %dma_start3A_219 : memref<1x1x32x1x64xf32, #tpu.memory_space<hbm>> -> memref<32x64xf32, #tpu.memory_space<hbm>>
      tpu.enqueue_dma source(%arg12 : memref<32x64xf32, #tpu.memory_space<vmem>>) target(%dma_start3A_220 : memref<32x64xf32, #tpu.memory_space<hbm>>) target_semaphore(%run_scoped3A_213 : memref<!tpu.dma_semaphore, #tpu.memory_space<semaphore_mem>>)
      %dma_wait3A = arith.constant 0 : i32
      %dma_wait3A_221 = arith.constant 0 : i32
      %dma_wait3A_222 = tpu.memref_slice %arg6[%add3A_93, %add3A_147, %dma_wait3A, %run_scoped3A_148, %dma_wait3A_221] : memref<4x64x32x4x64xf32, #tpu.memory_space<hbm>> -> memref<1x1x32x1x64xf32, #tpu.memory_space<hbm>>
      %dma_wait3A_223 = tpu.memref_squeeze %dma_wait3A_222 : memref<1x1x32x1x64xf32, #tpu.memory_space<hbm>> -> memref<32x64xf32, #tpu.memory_space<hbm>>
      %dma_wait3A_224 = arith.constant 0 : i32
      %dma_wait3A_225 = arith.constant 0 : i32
      %dma_wait3A_226 = tpu.memref_slice %arg6[%add3A_93, %add3A_147, %dma_wait3A_224, %run_scoped3A_148, %dma_wait3A_225] : memref<4x64x32x4x64xf32, #tpu.memory_space<hbm>> -> memref<1x1x32x1x64xf32, #tpu.memory_space<hbm>>
      %dma_wait3A_227 = tpu.memref_squeeze %dma_wait3A_226 : memref<1x1x32x1x64xf32, #tpu.memory_space<hbm>> -> memref<32x64xf32, #tpu.memory_space<hbm>>
      tpu.wait_dma2 semaphore(%run_scoped3A_213 : memref<!tpu.dma_semaphore, #tpu.memory_space<semaphore_mem>>) src(%arg12 : memref<32x64xf32, #tpu.memory_space<vmem>>) dst(%dma_wait3A_227 : memref<32x64xf32, #tpu.memory_space<hbm>>)
      tpu.yield
    }) : () -> ()
    %mul3A_149 = arith.constant 4 : i32
    %mul3A_150 = arith.muli %mul3A_149, %arg1 : i32
    %add3A_151 = arith.constant 2 : i32
    %add3A_152 = arith.addi %mul3A_150, %add3A_151 : i32
    %run_scoped3A_153 = arith.constant 1 : i32
    "tpu.region"() ({
      %run_scoped3A_213 = tpu.sem_alloc : memref<!tpu.dma_semaphore, #tpu.memory_space<semaphore_mem>>
      %dma_start3A = arith.constant 0 : i32
      %dma_start3A_214 = arith.constant 0 : i32
      %dma_start3A_215 = tpu.memref_slice %arg6[%add3A_93, %add3A_152, %dma_start3A, %run_scoped3A_153, %dma_start3A_214] : memref<4x64x32x4x64xf32, #tpu.memory_space<hbm>> -> memref<1x1x32x1x64xf32, #tpu.memory_space<hbm>>
      %dma_start3A_216 = tpu.memref_squeeze %dma_start3A_215 : memref<1x1x32x1x64xf32, #tpu.memory_space<hbm>> -> memref<32x64xf32, #tpu.memory_space<hbm>>
      %dma_start3A_217 = arith.constant 0 : i32
      %dma_start3A_218 = arith.constant 0 : i32
      %dma_start3A_219 = tpu.memref_slice %arg6[%add3A_93, %add3A_152, %dma_start3A_217, %run_scoped3A_153, %dma_start3A_218] : memref<4x64x32x4x64xf32, #tpu.memory_space<hbm>> -> memref<1x1x32x1x64xf32, #tpu.memory_space<hbm>>
      %dma_start3A_220 = tpu.memref_squeeze %dma_start3A_219 : memref<1x1x32x1x64xf32, #tpu.memory_space<hbm>> -> memref<32x64xf32, #tpu.memory_space<hbm>>
      tpu.enqueue_dma source(%arg12 : memref<32x64xf32, #tpu.memory_space<vmem>>) target(%dma_start3A_220 : memref<32x64xf32, #tpu.memory_space<hbm>>) target_semaphore(%run_scoped3A_213 : memref<!tpu.dma_semaphore, #tpu.memory_space<semaphore_mem>>)
      %dma_wait3A = arith.constant 0 : i32
      %dma_wait3A_221 = arith.constant 0 : i32
      %dma_wait3A_222 = tpu.memref_slice %arg6[%add3A_93, %add3A_152, %dma_wait3A, %run_scoped3A_153, %dma_wait3A_221] : memref<4x64x32x4x64xf32, #tpu.memory_space<hbm>> -> memref<1x1x32x1x64xf32, #tpu.memory_space<hbm>>
      %dma_wait3A_223 = tpu.memref_squeeze %dma_wait3A_222 : memref<1x1x32x1x64xf32, #tpu.memory_space<hbm>> -> memref<32x64xf32, #tpu.memory_space<hbm>>
      %dma_wait3A_224 = arith.constant 0 : i32
      %dma_wait3A_225 = arith.constant 0 : i32
      %dma_wait3A_226 = tpu.memref_slice %arg6[%add3A_93, %add3A_152, %dma_wait3A_224, %run_scoped3A_153, %dma_wait3A_225] : memref<4x64x32x4x64xf32, #tpu.memory_space<hbm>> -> memref<1x1x32x1x64xf32, #tpu.memory_space<hbm>>
      %dma_wait3A_227 = tpu.memref_squeeze %dma_wait3A_226 : memref<1x1x32x1x64xf32, #tpu.memory_space<hbm>> -> memref<32x64xf32, #tpu.memory_space<hbm>>
      tpu.wait_dma2 semaphore(%run_scoped3A_213 : memref<!tpu.dma_semaphore, #tpu.memory_space<semaphore_mem>>) src(%arg12 : memref<32x64xf32, #tpu.memory_space<vmem>>) dst(%dma_wait3A_227 : memref<32x64xf32, #tpu.memory_space<hbm>>)
      tpu.yield
    }) : () -> ()
    %mul3A_154 = arith.constant 4 : i32
    %mul3A_155 = arith.muli %mul3A_154, %arg1 : i32
    %add3A_156 = arith.constant 2 : i32
    %add3A_157 = arith.addi %mul3A_155, %add3A_156 : i32
    %run_scoped3A_158 = arith.constant 3 : i32
    "tpu.region"() ({
      %run_scoped3A_213 = tpu.sem_alloc : memref<!tpu.dma_semaphore, #tpu.memory_space<semaphore_mem>>
      %dma_start3A = arith.constant 0 : i32
      %dma_start3A_214 = arith.constant 0 : i32
      %dma_start3A_215 = tpu.memref_slice %arg6[%add3A_93, %add3A_157, %dma_start3A, %run_scoped3A_158, %dma_start3A_214] : memref<4x64x32x4x64xf32, #tpu.memory_space<hbm>> -> memref<1x1x32x1x64xf32, #tpu.memory_space<hbm>>
      %dma_start3A_216 = tpu.memref_squeeze %dma_start3A_215 : memref<1x1x32x1x64xf32, #tpu.memory_space<hbm>> -> memref<32x64xf32, #tpu.memory_space<hbm>>
      %dma_start3A_217 = arith.constant 0 : i32
      %dma_start3A_218 = arith.constant 0 : i32
      %dma_start3A_219 = tpu.memref_slice %arg6[%add3A_93, %add3A_157, %dma_start3A_217, %run_scoped3A_158, %dma_start3A_218] : memref<4x64x32x4x64xf32, #tpu.memory_space<hbm>> -> memref<1x1x32x1x64xf32, #tpu.memory_space<hbm>>
      %dma_start3A_220 = tpu.memref_squeeze %dma_start3A_219 : memref<1x1x32x1x64xf32, #tpu.memory_space<hbm>> -> memref<32x64xf32, #tpu.memory_space<hbm>>
      tpu.enqueue_dma source(%arg12 : memref<32x64xf32, #tpu.memory_space<vmem>>) target(%dma_start3A_220 : memref<32x64xf32, #tpu.memory_space<hbm>>) target_semaphore(%run_scoped3A_213 : memref<!tpu.dma_semaphore, #tpu.memory_space<semaphore_mem>>)
      %dma_wait3A = arith.constant 0 : i32
      %dma_wait3A_221 = arith.constant 0 : i32
      %dma_wait3A_222 = tpu.memref_slice %arg6[%add3A_93, %add3A_157, %dma_wait3A, %run_scoped3A_158, %dma_wait3A_221] : memref<4x64x32x4x64xf32, #tpu.memory_space<hbm>> -> memref<1x1x32x1x64xf32, #tpu.memory_space<hbm>>
      %dma_wait3A_223 = tpu.memref_squeeze %dma_wait3A_222 : memref<1x1x32x1x64xf32, #tpu.memory_space<hbm>> -> memref<32x64xf32, #tpu.memory_space<hbm>>
      %dma_wait3A_224 = arith.constant 0 : i32
      %dma_wait3A_225 = arith.constant 0 : i32
      %dma_wait3A_226 = tpu.memref_slice %arg6[%add3A_93, %add3A_157, %dma_wait3A_224, %run_scoped3A_158, %dma_wait3A_225] : memref<4x64x32x4x64xf32, #tpu.memory_space<hbm>> -> memref<1x1x32x1x64xf32, #tpu.memory_space<hbm>>
      %dma_wait3A_227 = tpu.memref_squeeze %dma_wait3A_226 : memref<1x1x32x1x64xf32, #tpu.memory_space<hbm>> -> memref<32x64xf32, #tpu.memory_space<hbm>>
      tpu.wait_dma2 semaphore(%run_scoped3A_213 : memref<!tpu.dma_semaphore, #tpu.memory_space<semaphore_mem>>) src(%arg12 : memref<32x64xf32, #tpu.memory_space<vmem>>) dst(%dma_wait3A_227 : memref<32x64xf32, #tpu.memory_space<hbm>>)
      tpu.yield
    }) : () -> ()
    %mul3A_159 = arith.constant 4 : i32
    %mul3A_160 = arith.muli %mul3A_159, %arg1 : i32
    %add3A_161 = arith.constant 3 : i32
    %add3A_162 = arith.addi %mul3A_160, %add3A_161 : i32
    %run_scoped3A_163 = arith.constant 1 : i32
    "tpu.region"() ({
      %run_scoped3A_213 = tpu.sem_alloc : memref<!tpu.dma_semaphore, #tpu.memory_space<semaphore_mem>>
      %dma_start3A = arith.constant 0 : i32
      %dma_start3A_214 = arith.constant 0 : i32
      %dma_start3A_215 = tpu.memref_slice %arg6[%add3A_93, %add3A_162, %dma_start3A, %run_scoped3A_163, %dma_start3A_214] : memref<4x64x32x4x64xf32, #tpu.memory_space<hbm>> -> memref<1x1x32x1x64xf32, #tpu.memory_space<hbm>>
      %dma_start3A_216 = tpu.memref_squeeze %dma_start3A_215 : memref<1x1x32x1x64xf32, #tpu.memory_space<hbm>> -> memref<32x64xf32, #tpu.memory_space<hbm>>
      %dma_start3A_217 = arith.constant 0 : i32
      %dma_start3A_218 = arith.constant 0 : i32
      %dma_start3A_219 = tpu.memref_slice %arg6[%add3A_93, %add3A_162, %dma_start3A_217, %run_scoped3A_163, %dma_start3A_218] : memref<4x64x32x4x64xf32, #tpu.memory_space<hbm>> -> memref<1x1x32x1x64xf32, #tpu.memory_space<hbm>>
      %dma_start3A_220 = tpu.memref_squeeze %dma_start3A_219 : memref<1x1x32x1x64xf32, #tpu.memory_space<hbm>> -> memref<32x64xf32, #tpu.memory_space<hbm>>
      tpu.enqueue_dma source(%arg12 : memref<32x64xf32, #tpu.memory_space<vmem>>) target(%dma_start3A_220 : memref<32x64xf32, #tpu.memory_space<hbm>>) target_semaphore(%run_scoped3A_213 : memref<!tpu.dma_semaphore, #tpu.memory_space<semaphore_mem>>)
      %dma_wait3A = arith.constant 0 : i32
      %dma_wait3A_221 = arith.constant 0 : i32
      %dma_wait3A_222 = tpu.memref_slice %arg6[%add3A_93, %add3A_162, %dma_wait3A, %run_scoped3A_163, %dma_wait3A_221] : memref<4x64x32x4x64xf32, #tpu.memory_space<hbm>> -> memref<1x1x32x1x64xf32, #tpu.memory_space<hbm>>
      %dma_wait3A_223 = tpu.memref_squeeze %dma_wait3A_222 : memref<1x1x32x1x64xf32, #tpu.memory_space<hbm>> -> memref<32x64xf32, #tpu.memory_space<hbm>>
      %dma_wait3A_224 = arith.constant 0 : i32
      %dma_wait3A_225 = arith.constant 0 : i32
      %dma_wait3A_226 = tpu.memref_slice %arg6[%add3A_93, %add3A_162, %dma_wait3A_224, %run_scoped3A_163, %dma_wait3A_225] : memref<4x64x32x4x64xf32, #tpu.memory_space<hbm>> -> memref<1x1x32x1x64xf32, #tpu.memory_space<hbm>>
      %dma_wait3A_227 = tpu.memref_squeeze %dma_wait3A_226 : memref<1x1x32x1x64xf32, #tpu.memory_space<hbm>> -> memref<32x64xf32, #tpu.memory_space<hbm>>
      tpu.wait_dma2 semaphore(%run_scoped3A_213 : memref<!tpu.dma_semaphore, #tpu.memory_space<semaphore_mem>>) src(%arg12 : memref<32x64xf32, #tpu.memory_space<vmem>>) dst(%dma_wait3A_227 : memref<32x64xf32, #tpu.memory_space<hbm>>)
      tpu.yield
    }) : () -> ()
    %mul3A_164 = arith.constant 4 : i32
    %mul3A_165 = arith.muli %mul3A_164, %arg1 : i32
    %add3A_166 = arith.constant 3 : i32
    %add3A_167 = arith.addi %mul3A_165, %add3A_166 : i32
    %run_scoped3A_168 = arith.constant 3 : i32
    "tpu.region"() ({
      %run_scoped3A_213 = tpu.sem_alloc : memref<!tpu.dma_semaphore, #tpu.memory_space<semaphore_mem>>
      %dma_start3A = arith.constant 0 : i32
      %dma_start3A_214 = arith.constant 0 : i32
      %dma_start3A_215 = tpu.memref_slice %arg6[%add3A_93, %add3A_167, %dma_start3A, %run_scoped3A_168, %dma_start3A_214] : memref<4x64x32x4x64xf32, #tpu.memory_space<hbm>> -> memref<1x1x32x1x64xf32, #tpu.memory_space<hbm>>
      %dma_start3A_216 = tpu.memref_squeeze %dma_start3A_215 : memref<1x1x32x1x64xf32, #tpu.memory_space<hbm>> -> memref<32x64xf32, #tpu.memory_space<hbm>>
      %dma_start3A_217 = arith.constant 0 : i32
      %dma_start3A_218 = arith.constant 0 : i32
      %dma_start3A_219 = tpu.memref_slice %arg6[%add3A_93, %add3A_167, %dma_start3A_217, %run_scoped3A_168, %dma_start3A_218] : memref<4x64x32x4x64xf32, #tpu.memory_space<hbm>> -> memref<1x1x32x1x64xf32, #tpu.memory_space<hbm>>
      %dma_start3A_220 = tpu.memref_squeeze %dma_start3A_219 : memref<1x1x32x1x64xf32, #tpu.memory_space<hbm>> -> memref<32x64xf32, #tpu.memory_space<hbm>>
      tpu.enqueue_dma source(%arg12 : memref<32x64xf32, #tpu.memory_space<vmem>>) target(%dma_start3A_220 : memref<32x64xf32, #tpu.memory_space<hbm>>) target_semaphore(%run_scoped3A_213 : memref<!tpu.dma_semaphore, #tpu.memory_space<semaphore_mem>>)
      %dma_wait3A = arith.constant 0 : i32
      %dma_wait3A_221 = arith.constant 0 : i32
      %dma_wait3A_222 = tpu.memref_slice %arg6[%add3A_93, %add3A_167, %dma_wait3A, %run_scoped3A_168, %dma_wait3A_221] : memref<4x64x32x4x64xf32, #tpu.memory_space<hbm>> -> memref<1x1x32x1x64xf32, #tpu.memory_space<hbm>>
      %dma_wait3A_223 = tpu.memref_squeeze %dma_wait3A_222 : memref<1x1x32x1x64xf32, #tpu.memory_space<hbm>> -> memref<32x64xf32, #tpu.memory_space<hbm>>
      %dma_wait3A_224 = arith.constant 0 : i32
      %dma_wait3A_225 = arith.constant 0 : i32
      %dma_wait3A_226 = tpu.memref_slice %arg6[%add3A_93, %add3A_167, %dma_wait3A_224, %run_scoped3A_168, %dma_wait3A_225] : memref<4x64x32x4x64xf32, #tpu.memory_space<hbm>> -> memref<1x1x32x1x64xf32, #tpu.memory_space<hbm>>
      %dma_wait3A_227 = tpu.memref_squeeze %dma_wait3A_226 : memref<1x1x32x1x64xf32, #tpu.memory_space<hbm>> -> memref<32x64xf32, #tpu.memory_space<hbm>>
      tpu.wait_dma2 semaphore(%run_scoped3A_213 : memref<!tpu.dma_semaphore, #tpu.memory_space<semaphore_mem>>) src(%arg12 : memref<32x64xf32, #tpu.memory_space<vmem>>) dst(%dma_wait3A_227 : memref<32x64xf32, #tpu.memory_space<hbm>>)
      tpu.yield
    }) : () -> ()
    %barrier3A_169 = arith.constant 0 : index
    tpu.barrier barrier_id(%barrier3A_169)
    %run_scoped3A_170 = arith.constant 0 : i32
    "tpu.region"() ({
      %run_scoped3A_213 = tpu.sem_alloc : memref<!tpu.dma_semaphore, #tpu.memory_space<semaphore_mem>>
      %dma_start3A = arith.constant 0 : i32
      %dma_start3A_214 = arith.constant 0 : i32
      %dma_start3A_215 = tpu.memref_slice %arg7[%dma_start3A, %dma_start3A_214] : memref<256x64xf32, #tpu.memory_space<vmem>> -> memref<128x64xf32, #tpu.memory_space<vmem>>
      %dma_start3A_216 = arith.constant 0 : i32
      %dma_start3A_217 = tpu.memref_slice %arg10[%run_scoped3A_170, %dma_start3A_216] : memref<2x128xi32, #tpu.memory_space<vmem>> -> memref<1x128xi32, #tpu.memory_space<vmem>>
      %dma_start3A_218 = tpu.memref_squeeze %dma_start3A_217 : memref<1x128xi32, #tpu.memory_space<vmem>> -> memref<128xi32, #tpu.memory_space<vmem>>
      %dma_start3A_219 = arith.constant 0 : i32
      %dma_start3A_220 = arith.constant 0 : i32
      %dma_start3A_221 = tpu.memref_slice %arg13[%dma_start3A_219, %dma_start3A_220] : memref<4096x64xf32, #tpu.memory_space<vmem_shared>> -> memref<4096x64xf32, #tpu.memory_space<vmem_shared>>
      tpu.enqueue_indirect_dma source(%dma_start3A_221 : memref<4096x64xf32, #tpu.memory_space<vmem_shared>>) target(%dma_start3A_215 : memref<128x64xf32, #tpu.memory_space<vmem>>) offsets(%dma_start3A_218 : memref<128xi32, #tpu.memory_space<vmem>>) semaphore(%run_scoped3A_213 : memref<!tpu.dma_semaphore, #tpu.memory_space<semaphore_mem>>)
      %dma_wait3A = arith.constant 0 : i32
      %dma_wait3A_222 = arith.constant 0 : i32
      %dma_wait3A_223 = tpu.memref_slice %arg7[%dma_wait3A, %dma_wait3A_222] : memref<256x64xf32, #tpu.memory_space<vmem>> -> memref<128x64xf32, #tpu.memory_space<vmem>>
      %dma_wait3A_224 = arith.constant 0 : i32
      %dma_wait3A_225 = tpu.memref_slice %arg10[%run_scoped3A_170, %dma_wait3A_224] : memref<2x128xi32, #tpu.memory_space<vmem>> -> memref<1x128xi32, #tpu.memory_space<vmem>>
      %dma_wait3A_226 = tpu.memref_squeeze %dma_wait3A_225 : memref<1x128xi32, #tpu.memory_space<vmem>> -> memref<128xi32, #tpu.memory_space<vmem>>
      %dma_wait3A_227 = arith.constant 0 : i32
      %dma_wait3A_228 = arith.constant 0 : i32
      %dma_wait3A_229 = tpu.memref_slice %arg13[%dma_wait3A_227, %dma_wait3A_228] : memref<4096x64xf32, #tpu.memory_space<vmem_shared>> -> memref<4096x64xf32, #tpu.memory_space<vmem_shared>>
      tpu.wait_indirect_dma semaphore(%run_scoped3A_213 : memref<!tpu.dma_semaphore, #tpu.memory_space<semaphore_mem>>) src(%dma_wait3A_229 : memref<4096x64xf32, #tpu.memory_space<vmem_shared>>) dst(%dma_wait3A_223 : memref<128x64xf32, #tpu.memory_space<vmem>>)
      tpu.yield
    }) : () -> ()
    %run_scoped3A_171 = arith.constant 1 : i32
    "tpu.region"() ({
      %run_scoped3A_213 = tpu.sem_alloc : memref<!tpu.dma_semaphore, #tpu.memory_space<semaphore_mem>>
      %dma_start3A = arith.constant 128 : i32
      %dma_start3A_214 = arith.constant 0 : i32
      %dma_start3A_215 = tpu.memref_slice %arg7[%dma_start3A, %dma_start3A_214] : memref<256x64xf32, #tpu.memory_space<vmem>> -> memref<128x64xf32, #tpu.memory_space<vmem>>
      %dma_start3A_216 = arith.constant 0 : i32
      %dma_start3A_217 = tpu.memref_slice %arg10[%run_scoped3A_171, %dma_start3A_216] : memref<2x128xi32, #tpu.memory_space<vmem>> -> memref<1x128xi32, #tpu.memory_space<vmem>>
      %dma_start3A_218 = tpu.memref_squeeze %dma_start3A_217 : memref<1x128xi32, #tpu.memory_space<vmem>> -> memref<128xi32, #tpu.memory_space<vmem>>
      %dma_start3A_219 = arith.constant 0 : i32
      %dma_start3A_220 = arith.constant 0 : i32
      %dma_start3A_221 = tpu.memref_slice %arg13[%dma_start3A_219, %dma_start3A_220] : memref<4096x64xf32, #tpu.memory_space<vmem_shared>> -> memref<4096x64xf32, #tpu.memory_space<vmem_shared>>
      tpu.enqueue_indirect_dma source(%dma_start3A_221 : memref<4096x64xf32, #tpu.memory_space<vmem_shared>>) target(%dma_start3A_215 : memref<128x64xf32, #tpu.memory_space<vmem>>) offsets(%dma_start3A_218 : memref<128xi32, #tpu.memory_space<vmem>>) semaphore(%run_scoped3A_213 : memref<!tpu.dma_semaphore, #tpu.memory_space<semaphore_mem>>)
      %dma_wait3A = arith.constant 128 : i32
      %dma_wait3A_222 = arith.constant 0 : i32
      %dma_wait3A_223 = tpu.memref_slice %arg7[%dma_wait3A, %dma_wait3A_222] : memref<256x64xf32, #tpu.memory_space<vmem>> -> memref<128x64xf32, #tpu.memory_space<vmem>>
      %dma_wait3A_224 = arith.constant 0 : i32
      %dma_wait3A_225 = tpu.memref_slice %arg10[%run_scoped3A_171, %dma_wait3A_224] : memref<2x128xi32, #tpu.memory_space<vmem>> -> memref<1x128xi32, #tpu.memory_space<vmem>>
      %dma_wait3A_226 = tpu.memref_squeeze %dma_wait3A_225 : memref<1x128xi32, #tpu.memory_space<vmem>> -> memref<128xi32, #tpu.memory_space<vmem>>
      %dma_wait3A_227 = arith.constant 0 : i32
      %dma_wait3A_228 = arith.constant 0 : i32
      %dma_wait3A_229 = tpu.memref_slice %arg13[%dma_wait3A_227, %dma_wait3A_228] : memref<4096x64xf32, #tpu.memory_space<vmem_shared>> -> memref<4096x64xf32, #tpu.memory_space<vmem_shared>>
      tpu.wait_indirect_dma semaphore(%run_scoped3A_213 : memref<!tpu.dma_semaphore, #tpu.memory_space<semaphore_mem>>) src(%dma_wait3A_229 : memref<4096x64xf32, #tpu.memory_space<vmem_shared>>) dst(%dma_wait3A_223 : memref<128x64xf32, #tpu.memory_space<vmem>>)
      tpu.yield
    }) : () -> ()
    %mul3A_172 = arith.constant 4 : i32
    %mul3A_173 = arith.muli %mul3A_172, %arg1 : i32
    %add3A_174 = arith.constant 0 : i32
    %add3A_175 = arith.addi %mul3A_173, %add3A_174 : i32
    %run_scoped3A_176 = arith.constant 0 : i32
    "tpu.region"() ({
      %run_scoped3A_213 = tpu.sem_alloc : memref<!tpu.dma_semaphore, #tpu.memory_space<semaphore_mem>>
      %dma_start3A = arith.constant 0 : i32
      %dma_start3A_214 = arith.constant 0 : i32
      %dma_start3A_215 = tpu.memref_slice %arg7[%dma_start3A, %dma_start3A_214] : memref<256x64xf32, #tpu.memory_space<vmem>> -> memref<32x64xf32, #tpu.memory_space<vmem>>
      %dma_start3A_216 = arith.constant 0 : i32
      %dma_start3A_217 = arith.constant 0 : i32
      %dma_start3A_218 = tpu.memref_slice %arg6[%add3A_93, %add3A_175, %dma_start3A_216, %run_scoped3A_176, %dma_start3A_217] : memref<4x64x32x4x64xf32, #tpu.memory_space<hbm>> -> memref<1x1x32x1x64xf32, #tpu.memory_space<hbm>>
      %dma_start3A_219 = tpu.memref_squeeze %dma_start3A_218 : memref<1x1x32x1x64xf32, #tpu.memory_space<hbm>> -> memref<32x64xf32, #tpu.memory_space<hbm>>
      %dma_start3A_220 = arith.constant 0 : i32
      %dma_start3A_221 = arith.constant 0 : i32
      %dma_start3A_222 = tpu.memref_slice %arg6[%add3A_93, %add3A_175, %dma_start3A_220, %run_scoped3A_176, %dma_start3A_221] : memref<4x64x32x4x64xf32, #tpu.memory_space<hbm>> -> memref<1x1x32x1x64xf32, #tpu.memory_space<hbm>>
      %dma_start3A_223 = tpu.memref_squeeze %dma_start3A_222 : memref<1x1x32x1x64xf32, #tpu.memory_space<hbm>> -> memref<32x64xf32, #tpu.memory_space<hbm>>
      %dma_start3A_224 = arith.constant 0 : i32
      %dma_start3A_225 = arith.constant 0 : i32
      %dma_start3A_226 = tpu.memref_slice %arg7[%dma_start3A_224, %dma_start3A_225] : memref<256x64xf32, #tpu.memory_space<vmem>> -> memref<32x64xf32, #tpu.memory_space<vmem>>
      tpu.enqueue_dma source(%dma_start3A_226 : memref<32x64xf32, #tpu.memory_space<vmem>>) target(%dma_start3A_223 : memref<32x64xf32, #tpu.memory_space<hbm>>) target_semaphore(%run_scoped3A_213 : memref<!tpu.dma_semaphore, #tpu.memory_space<semaphore_mem>>)
      %dma_wait3A = arith.constant 0 : i32
      %dma_wait3A_227 = arith.constant 0 : i32
      %dma_wait3A_228 = tpu.memref_slice %arg7[%dma_wait3A, %dma_wait3A_227] : memref<256x64xf32, #tpu.memory_space<vmem>> -> memref<32x64xf32, #tpu.memory_space<vmem>>
      %dma_wait3A_229 = arith.constant 0 : i32
      %dma_wait3A_230 = arith.constant 0 : i32
      %dma_wait3A_231 = tpu.memref_slice %arg6[%add3A_93, %add3A_175, %dma_wait3A_229, %run_scoped3A_176, %dma_wait3A_230] : memref<4x64x32x4x64xf32, #tpu.memory_space<hbm>> -> memref<1x1x32x1x64xf32, #tpu.memory_space<hbm>>
      %dma_wait3A_232 = tpu.memref_squeeze %dma_wait3A_231 : memref<1x1x32x1x64xf32, #tpu.memory_space<hbm>> -> memref<32x64xf32, #tpu.memory_space<hbm>>
      %dma_wait3A_233 = arith.constant 0 : i32
      %dma_wait3A_234 = arith.constant 0 : i32
      %dma_wait3A_235 = tpu.memref_slice %arg6[%add3A_93, %add3A_175, %dma_wait3A_233, %run_scoped3A_176, %dma_wait3A_234] : memref<4x64x32x4x64xf32, #tpu.memory_space<hbm>> -> memref<1x1x32x1x64xf32, #tpu.memory_space<hbm>>
      %dma_wait3A_236 = tpu.memref_squeeze %dma_wait3A_235 : memref<1x1x32x1x64xf32, #tpu.memory_space<hbm>> -> memref<32x64xf32, #tpu.memory_space<hbm>>
      %dma_wait3A_237 = arith.constant 0 : i32
      %dma_wait3A_238 = arith.constant 0 : i32
      %dma_wait3A_239 = tpu.memref_slice %arg7[%dma_wait3A_237, %dma_wait3A_238] : memref<256x64xf32, #tpu.memory_space<vmem>> -> memref<32x64xf32, #tpu.memory_space<vmem>>
      tpu.wait_dma2 semaphore(%run_scoped3A_213 : memref<!tpu.dma_semaphore, #tpu.memory_space<semaphore_mem>>) src(%dma_wait3A_239 : memref<32x64xf32, #tpu.memory_space<vmem>>) dst(%dma_wait3A_236 : memref<32x64xf32, #tpu.memory_space<hbm>>)
      tpu.yield
    }) : () -> ()
    %mul3A_177 = arith.constant 4 : i32
    %mul3A_178 = arith.muli %mul3A_177, %arg1 : i32
    %add3A_179 = arith.constant 0 : i32
    %add3A_180 = arith.addi %mul3A_178, %add3A_179 : i32
    %run_scoped3A_181 = arith.constant 2 : i32
    "tpu.region"() ({
      %run_scoped3A_213 = tpu.sem_alloc : memref<!tpu.dma_semaphore, #tpu.memory_space<semaphore_mem>>
      %dma_start3A = arith.constant 128 : i32
      %dma_start3A_214 = arith.constant 0 : i32
      %dma_start3A_215 = tpu.memref_slice %arg7[%dma_start3A, %dma_start3A_214] : memref<256x64xf32, #tpu.memory_space<vmem>> -> memref<32x64xf32, #tpu.memory_space<vmem>>
      %dma_start3A_216 = arith.constant 0 : i32
      %dma_start3A_217 = arith.constant 0 : i32
      %dma_start3A_218 = tpu.memref_slice %arg6[%add3A_93, %add3A_180, %dma_start3A_216, %run_scoped3A_181, %dma_start3A_217] : memref<4x64x32x4x64xf32, #tpu.memory_space<hbm>> -> memref<1x1x32x1x64xf32, #tpu.memory_space<hbm>>
      %dma_start3A_219 = tpu.memref_squeeze %dma_start3A_218 : memref<1x1x32x1x64xf32, #tpu.memory_space<hbm>> -> memref<32x64xf32, #tpu.memory_space<hbm>>
      %dma_start3A_220 = arith.constant 0 : i32
      %dma_start3A_221 = arith.constant 0 : i32
      %dma_start3A_222 = tpu.memref_slice %arg6[%add3A_93, %add3A_180, %dma_start3A_220, %run_scoped3A_181, %dma_start3A_221] : memref<4x64x32x4x64xf32, #tpu.memory_space<hbm>> -> memref<1x1x32x1x64xf32, #tpu.memory_space<hbm>>
      %dma_start3A_223 = tpu.memref_squeeze %dma_start3A_222 : memref<1x1x32x1x64xf32, #tpu.memory_space<hbm>> -> memref<32x64xf32, #tpu.memory_space<hbm>>
      %dma_start3A_224 = arith.constant 128 : i32
      %dma_start3A_225 = arith.constant 0 : i32
      %dma_start3A_226 = tpu.memref_slice %arg7[%dma_start3A_224, %dma_start3A_225] : memref<256x64xf32, #tpu.memory_space<vmem>> -> memref<32x64xf32, #tpu.memory_space<vmem>>
      tpu.enqueue_dma source(%dma_start3A_226 : memref<32x64xf32, #tpu.memory_space<vmem>>) target(%dma_start3A_223 : memref<32x64xf32, #tpu.memory_space<hbm>>) target_semaphore(%run_scoped3A_213 : memref<!tpu.dma_semaphore, #tpu.memory_space<semaphore_mem>>)
      %dma_wait3A = arith.constant 128 : i32
      %dma_wait3A_227 = arith.constant 0 : i32
      %dma_wait3A_228 = tpu.memref_slice %arg7[%dma_wait3A, %dma_wait3A_227] : memref<256x64xf32, #tpu.memory_space<vmem>> -> memref<32x64xf32, #tpu.memory_space<vmem>>
      %dma_wait3A_229 = arith.constant 0 : i32
      %dma_wait3A_230 = arith.constant 0 : i32
      %dma_wait3A_231 = tpu.memref_slice %arg6[%add3A_93, %add3A_180, %dma_wait3A_229, %run_scoped3A_181, %dma_wait3A_230] : memref<4x64x32x4x64xf32, #tpu.memory_space<hbm>> -> memref<1x1x32x1x64xf32, #tpu.memory_space<hbm>>
      %dma_wait3A_232 = tpu.memref_squeeze %dma_wait3A_231 : memref<1x1x32x1x64xf32, #tpu.memory_space<hbm>> -> memref<32x64xf32, #tpu.memory_space<hbm>>
      %dma_wait3A_233 = arith.constant 0 : i32
      %dma_wait3A_234 = arith.constant 0 : i32
      %dma_wait3A_235 = tpu.memref_slice %arg6[%add3A_93, %add3A_180, %dma_wait3A_233, %run_scoped3A_181, %dma_wait3A_234] : memref<4x64x32x4x64xf32, #tpu.memory_space<hbm>> -> memref<1x1x32x1x64xf32, #tpu.memory_space<hbm>>
      %dma_wait3A_236 = tpu.memref_squeeze %dma_wait3A_235 : memref<1x1x32x1x64xf32, #tpu.memory_space<hbm>> -> memref<32x64xf32, #tpu.memory_space<hbm>>
      %dma_wait3A_237 = arith.constant 128 : i32
      %dma_wait3A_238 = arith.constant 0 : i32
      %dma_wait3A_239 = tpu.memref_slice %arg7[%dma_wait3A_237, %dma_wait3A_238] : memref<256x64xf32, #tpu.memory_space<vmem>> -> memref<32x64xf32, #tpu.memory_space<vmem>>
      tpu.wait_dma2 semaphore(%run_scoped3A_213 : memref<!tpu.dma_semaphore, #tpu.memory_space<semaphore_mem>>) src(%dma_wait3A_239 : memref<32x64xf32, #tpu.memory_space<vmem>>) dst(%dma_wait3A_236 : memref<32x64xf32, #tpu.memory_space<hbm>>)
      tpu.yield
    }) : () -> ()
    %mul3A_182 = arith.constant 4 : i32
    %mul3A_183 = arith.muli %mul3A_182, %arg1 : i32
    %add3A_184 = arith.constant 1 : i32
    %add3A_185 = arith.addi %mul3A_183, %add3A_184 : i32
    %run_scoped3A_186 = arith.constant 0 : i32
    "tpu.region"() ({
      %run_scoped3A_213 = tpu.sem_alloc : memref<!tpu.dma_semaphore, #tpu.memory_space<semaphore_mem>>
      %dma_start3A = arith.constant 32 : i32
      %dma_start3A_214 = arith.constant 0 : i32
      %dma_start3A_215 = tpu.memref_slice %arg7[%dma_start3A, %dma_start3A_214] : memref<256x64xf32, #tpu.memory_space<vmem>> -> memref<32x64xf32, #tpu.memory_space<vmem>>
      %dma_start3A_216 = arith.constant 0 : i32
      %dma_start3A_217 = arith.constant 0 : i32
      %dma_start3A_218 = tpu.memref_slice %arg6[%add3A_93, %add3A_185, %dma_start3A_216, %run_scoped3A_186, %dma_start3A_217] : memref<4x64x32x4x64xf32, #tpu.memory_space<hbm>> -> memref<1x1x32x1x64xf32, #tpu.memory_space<hbm>>
      %dma_start3A_219 = tpu.memref_squeeze %dma_start3A_218 : memref<1x1x32x1x64xf32, #tpu.memory_space<hbm>> -> memref<32x64xf32, #tpu.memory_space<hbm>>
      %dma_start3A_220 = arith.constant 0 : i32
      %dma_start3A_221 = arith.constant 0 : i32
      %dma_start3A_222 = tpu.memref_slice %arg6[%add3A_93, %add3A_185, %dma_start3A_220, %run_scoped3A_186, %dma_start3A_221] : memref<4x64x32x4x64xf32, #tpu.memory_space<hbm>> -> memref<1x1x32x1x64xf32, #tpu.memory_space<hbm>>
      %dma_start3A_223 = tpu.memref_squeeze %dma_start3A_222 : memref<1x1x32x1x64xf32, #tpu.memory_space<hbm>> -> memref<32x64xf32, #tpu.memory_space<hbm>>
      %dma_start3A_224 = arith.constant 32 : i32
      %dma_start3A_225 = arith.constant 0 : i32
      %dma_start3A_226 = tpu.memref_slice %arg7[%dma_start3A_224, %dma_start3A_225] : memref<256x64xf32, #tpu.memory_space<vmem>> -> memref<32x64xf32, #tpu.memory_space<vmem>>
      tpu.enqueue_dma source(%dma_start3A_226 : memref<32x64xf32, #tpu.memory_space<vmem>>) target(%dma_start3A_223 : memref<32x64xf32, #tpu.memory_space<hbm>>) target_semaphore(%run_scoped3A_213 : memref<!tpu.dma_semaphore, #tpu.memory_space<semaphore_mem>>)
      %dma_wait3A = arith.constant 32 : i32
      %dma_wait3A_227 = arith.constant 0 : i32
      %dma_wait3A_228 = tpu.memref_slice %arg7[%dma_wait3A, %dma_wait3A_227] : memref<256x64xf32, #tpu.memory_space<vmem>> -> memref<32x64xf32, #tpu.memory_space<vmem>>
      %dma_wait3A_229 = arith.constant 0 : i32
      %dma_wait3A_230 = arith.constant 0 : i32
      %dma_wait3A_231 = tpu.memref_slice %arg6[%add3A_93, %add3A_185, %dma_wait3A_229, %run_scoped3A_186, %dma_wait3A_230] : memref<4x64x32x4x64xf32, #tpu.memory_space<hbm>> -> memref<1x1x32x1x64xf32, #tpu.memory_space<hbm>>
      %dma_wait3A_232 = tpu.memref_squeeze %dma_wait3A_231 : memref<1x1x32x1x64xf32, #tpu.memory_space<hbm>> -> memref<32x64xf32, #tpu.memory_space<hbm>>
      %dma_wait3A_233 = arith.constant 0 : i32
      %dma_wait3A_234 = arith.constant 0 : i32
      %dma_wait3A_235 = tpu.memref_slice %arg6[%add3A_93, %add3A_185, %dma_wait3A_233, %run_scoped3A_186, %dma_wait3A_234] : memref<4x64x32x4x64xf32, #tpu.memory_space<hbm>> -> memref<1x1x32x1x64xf32, #tpu.memory_space<hbm>>
      %dma_wait3A_236 = tpu.memref_squeeze %dma_wait3A_235 : memref<1x1x32x1x64xf32, #tpu.memory_space<hbm>> -> memref<32x64xf32, #tpu.memory_space<hbm>>
      %dma_wait3A_237 = arith.constant 32 : i32
      %dma_wait3A_238 = arith.constant 0 : i32
      %dma_wait3A_239 = tpu.memref_slice %arg7[%dma_wait3A_237, %dma_wait3A_238] : memref<256x64xf32, #tpu.memory_space<vmem>> -> memref<32x64xf32, #tpu.memory_space<vmem>>
      tpu.wait_dma2 semaphore(%run_scoped3A_213 : memref<!tpu.dma_semaphore, #tpu.memory_space<semaphore_mem>>) src(%dma_wait3A_239 : memref<32x64xf32, #tpu.memory_space<vmem>>) dst(%dma_wait3A_236 : memref<32x64xf32, #tpu.memory_space<hbm>>)
      tpu.yield
    }) : () -> ()
    %mul3A_187 = arith.constant 4 : i32
    %mul3A_188 = arith.muli %mul3A_187, %arg1 : i32
    %add3A_189 = arith.constant 1 : i32
    %add3A_190 = arith.addi %mul3A_188, %add3A_189 : i32
    %run_scoped3A_191 = arith.constant 2 : i32
    "tpu.region"() ({
      %run_scoped3A_213 = tpu.sem_alloc : memref<!tpu.dma_semaphore, #tpu.memory_space<semaphore_mem>>
      %dma_start3A = arith.constant 160 : i32
      %dma_start3A_214 = arith.constant 0 : i32
      %dma_start3A_215 = tpu.memref_slice %arg7[%dma_start3A, %dma_start3A_214] : memref<256x64xf32, #tpu.memory_space<vmem>> -> memref<32x64xf32, #tpu.memory_space<vmem>>
      %dma_start3A_216 = arith.constant 0 : i32
      %dma_start3A_217 = arith.constant 0 : i32
      %dma_start3A_218 = tpu.memref_slice %arg6[%add3A_93, %add3A_190, %dma_start3A_216, %run_scoped3A_191, %dma_start3A_217] : memref<4x64x32x4x64xf32, #tpu.memory_space<hbm>> -> memref<1x1x32x1x64xf32, #tpu.memory_space<hbm>>
      %dma_start3A_219 = tpu.memref_squeeze %dma_start3A_218 : memref<1x1x32x1x64xf32, #tpu.memory_space<hbm>> -> memref<32x64xf32, #tpu.memory_space<hbm>>
      %dma_start3A_220 = arith.constant 0 : i32
      %dma_start3A_221 = arith.constant 0 : i32
      %dma_start3A_222 = tpu.memref_slice %arg6[%add3A_93, %add3A_190, %dma_start3A_220, %run_scoped3A_191, %dma_start3A_221] : memref<4x64x32x4x64xf32, #tpu.memory_space<hbm>> -> memref<1x1x32x1x64xf32, #tpu.memory_space<hbm>>
      %dma_start3A_223 = tpu.memref_squeeze %dma_start3A_222 : memref<1x1x32x1x64xf32, #tpu.memory_space<hbm>> -> memref<32x64xf32, #tpu.memory_space<hbm>>
      %dma_start3A_224 = arith.constant 160 : i32
      %dma_start3A_225 = arith.constant 0 : i32
      %dma_start3A_226 = tpu.memref_slice %arg7[%dma_start3A_224, %dma_start3A_225] : memref<256x64xf32, #tpu.memory_space<vmem>> -> memref<32x64xf32, #tpu.memory_space<vmem>>
      tpu.enqueue_dma source(%dma_start3A_226 : memref<32x64xf32, #tpu.memory_space<vmem>>) target(%dma_start3A_223 : memref<32x64xf32, #tpu.memory_space<hbm>>) target_semaphore(%run_scoped3A_213 : memref<!tpu.dma_semaphore, #tpu.memory_space<semaphore_mem>>)
      %dma_wait3A = arith.constant 160 : i32
      %dma_wait3A_227 = arith.constant 0 : i32
      %dma_wait3A_228 = tpu.memref_slice %arg7[%dma_wait3A, %dma_wait3A_227] : memref<256x64xf32, #tpu.memory_space<vmem>> -> memref<32x64xf32, #tpu.memory_space<vmem>>
      %dma_wait3A_229 = arith.constant 0 : i32
      %dma_wait3A_230 = arith.constant 0 : i32
      %dma_wait3A_231 = tpu.memref_slice %arg6[%add3A_93, %add3A_190, %dma_wait3A_229, %run_scoped3A_191, %dma_wait3A_230] : memref<4x64x32x4x64xf32, #tpu.memory_space<hbm>> -> memref<1x1x32x1x64xf32, #tpu.memory_space<hbm>>
      %dma_wait3A_232 = tpu.memref_squeeze %dma_wait3A_231 : memref<1x1x32x1x64xf32, #tpu.memory_space<hbm>> -> memref<32x64xf32, #tpu.memory_space<hbm>>
      %dma_wait3A_233 = arith.constant 0 : i32
      %dma_wait3A_234 = arith.constant 0 : i32
      %dma_wait3A_235 = tpu.memref_slice %arg6[%add3A_93, %add3A_190, %dma_wait3A_233, %run_scoped3A_191, %dma_wait3A_234] : memref<4x64x32x4x64xf32, #tpu.memory_space<hbm>> -> memref<1x1x32x1x64xf32, #tpu.memory_space<hbm>>
      %dma_wait3A_236 = tpu.memref_squeeze %dma_wait3A_235 : memref<1x1x32x1x64xf32, #tpu.memory_space<hbm>> -> memref<32x64xf32, #tpu.memory_space<hbm>>
      %dma_wait3A_237 = arith.constant 160 : i32
      %dma_wait3A_238 = arith.constant 0 : i32
      %dma_wait3A_239 = tpu.memref_slice %arg7[%dma_wait3A_237, %dma_wait3A_238] : memref<256x64xf32, #tpu.memory_space<vmem>> -> memref<32x64xf32, #tpu.memory_space<vmem>>
      tpu.wait_dma2 semaphore(%run_scoped3A_213 : memref<!tpu.dma_semaphore, #tpu.memory_space<semaphore_mem>>) src(%dma_wait3A_239 : memref<32x64xf32, #tpu.memory_space<vmem>>) dst(%dma_wait3A_236 : memref<32x64xf32, #tpu.memory_space<hbm>>)
      tpu.yield
    }) : () -> ()
    %mul3A_192 = arith.constant 4 : i32
    %mul3A_193 = arith.muli %mul3A_192, %arg1 : i32
    %add3A_194 = arith.constant 2 : i32
    %add3A_195 = arith.addi %mul3A_193, %add3A_194 : i32
    %run_scoped3A_196 = arith.constant 0 : i32
    "tpu.region"() ({
      %run_scoped3A_213 = tpu.sem_alloc : memref<!tpu.dma_semaphore, #tpu.memory_space<semaphore_mem>>
      %dma_start3A = arith.constant 64 : i32
      %dma_start3A_214 = arith.constant 0 : i32
      %dma_start3A_215 = tpu.memref_slice %arg7[%dma_start3A, %dma_start3A_214] : memref<256x64xf32, #tpu.memory_space<vmem>> -> memref<32x64xf32, #tpu.memory_space<vmem>>
      %dma_start3A_216 = arith.constant 0 : i32
      %dma_start3A_217 = arith.constant 0 : i32
      %dma_start3A_218 = tpu.memref_slice %arg6[%add3A_93, %add3A_195, %dma_start3A_216, %run_scoped3A_196, %dma_start3A_217] : memref<4x64x32x4x64xf32, #tpu.memory_space<hbm>> -> memref<1x1x32x1x64xf32, #tpu.memory_space<hbm>>
      %dma_start3A_219 = tpu.memref_squeeze %dma_start3A_218 : memref<1x1x32x1x64xf32, #tpu.memory_space<hbm>> -> memref<32x64xf32, #tpu.memory_space<hbm>>
      %dma_start3A_220 = arith.constant 0 : i32
      %dma_start3A_221 = arith.constant 0 : i32
      %dma_start3A_222 = tpu.memref_slice %arg6[%add3A_93, %add3A_195, %dma_start3A_220, %run_scoped3A_196, %dma_start3A_221] : memref<4x64x32x4x64xf32, #tpu.memory_space<hbm>> -> memref<1x1x32x1x64xf32, #tpu.memory_space<hbm>>
      %dma_start3A_223 = tpu.memref_squeeze %dma_start3A_222 : memref<1x1x32x1x64xf32, #tpu.memory_space<hbm>> -> memref<32x64xf32, #tpu.memory_space<hbm>>
      %dma_start3A_224 = arith.constant 64 : i32
      %dma_start3A_225 = arith.constant 0 : i32
      %dma_start3A_226 = tpu.memref_slice %arg7[%dma_start3A_224, %dma_start3A_225] : memref<256x64xf32, #tpu.memory_space<vmem>> -> memref<32x64xf32, #tpu.memory_space<vmem>>
      tpu.enqueue_dma source(%dma_start3A_226 : memref<32x64xf32, #tpu.memory_space<vmem>>) target(%dma_start3A_223 : memref<32x64xf32, #tpu.memory_space<hbm>>) target_semaphore(%run_scoped3A_213 : memref<!tpu.dma_semaphore, #tpu.memory_space<semaphore_mem>>)
      %dma_wait3A = arith.constant 64 : i32
      %dma_wait3A_227 = arith.constant 0 : i32
      %dma_wait3A_228 = tpu.memref_slice %arg7[%dma_wait3A, %dma_wait3A_227] : memref<256x64xf32, #tpu.memory_space<vmem>> -> memref<32x64xf32, #tpu.memory_space<vmem>>
      %dma_wait3A_229 = arith.constant 0 : i32
      %dma_wait3A_230 = arith.constant 0 : i32
      %dma_wait3A_231 = tpu.memref_slice %arg6[%add3A_93, %add3A_195, %dma_wait3A_229, %run_scoped3A_196, %dma_wait3A_230] : memref<4x64x32x4x64xf32, #tpu.memory_space<hbm>> -> memref<1x1x32x1x64xf32, #tpu.memory_space<hbm>>
      %dma_wait3A_232 = tpu.memref_squeeze %dma_wait3A_231 : memref<1x1x32x1x64xf32, #tpu.memory_space<hbm>> -> memref<32x64xf32, #tpu.memory_space<hbm>>
      %dma_wait3A_233 = arith.constant 0 : i32
      %dma_wait3A_234 = arith.constant 0 : i32
      %dma_wait3A_235 = tpu.memref_slice %arg6[%add3A_93, %add3A_195, %dma_wait3A_233, %run_scoped3A_196, %dma_wait3A_234] : memref<4x64x32x4x64xf32, #tpu.memory_space<hbm>> -> memref<1x1x32x1x64xf32, #tpu.memory_space<hbm>>
      %dma_wait3A_236 = tpu.memref_squeeze %dma_wait3A_235 : memref<1x1x32x1x64xf32, #tpu.memory_space<hbm>> -> memref<32x64xf32, #tpu.memory_space<hbm>>
      %dma_wait3A_237 = arith.constant 64 : i32
      %dma_wait3A_238 = arith.constant 0 : i32
      %dma_wait3A_239 = tpu.memref_slice %arg7[%dma_wait3A_237, %dma_wait3A_238] : memref<256x64xf32, #tpu.memory_space<vmem>> -> memref<32x64xf32, #tpu.memory_space<vmem>>
      tpu.wait_dma2 semaphore(%run_scoped3A_213 : memref<!tpu.dma_semaphore, #tpu.memory_space<semaphore_mem>>) src(%dma_wait3A_239 : memref<32x64xf32, #tpu.memory_space<vmem>>) dst(%dma_wait3A_236 : memref<32x64xf32, #tpu.memory_space<hbm>>)
      tpu.yield
    }) : () -> ()
    %mul3A_197 = arith.constant 4 : i32
    %mul3A_198 = arith.muli %mul3A_197, %arg1 : i32
    %add3A_199 = arith.constant 2 : i32
    %add3A_200 = arith.addi %mul3A_198, %add3A_199 : i32
    %run_scoped3A_201 = arith.constant 2 : i32
    "tpu.region"() ({
      %run_scoped3A_213 = tpu.sem_alloc : memref<!tpu.dma_semaphore, #tpu.memory_space<semaphore_mem>>
      %dma_start3A = arith.constant 192 : i32
      %dma_start3A_214 = arith.constant 0 : i32
      %dma_start3A_215 = tpu.memref_slice %arg7[%dma_start3A, %dma_start3A_214] : memref<256x64xf32, #tpu.memory_space<vmem>> -> memref<32x64xf32, #tpu.memory_space<vmem>>
      %dma_start3A_216 = arith.constant 0 : i32
      %dma_start3A_217 = arith.constant 0 : i32
      %dma_start3A_218 = tpu.memref_slice %arg6[%add3A_93, %add3A_200, %dma_start3A_216, %run_scoped3A_201, %dma_start3A_217] : memref<4x64x32x4x64xf32, #tpu.memory_space<hbm>> -> memref<1x1x32x1x64xf32, #tpu.memory_space<hbm>>
      %dma_start3A_219 = tpu.memref_squeeze %dma_start3A_218 : memref<1x1x32x1x64xf32, #tpu.memory_space<hbm>> -> memref<32x64xf32, #tpu.memory_space<hbm>>
      %dma_start3A_220 = arith.constant 0 : i32
      %dma_start3A_221 = arith.constant 0 : i32
      %dma_start3A_222 = tpu.memref_slice %arg6[%add3A_93, %add3A_200, %dma_start3A_220, %run_scoped3A_201, %dma_start3A_221] : memref<4x64x32x4x64xf32, #tpu.memory_space<hbm>> -> memref<1x1x32x1x64xf32, #tpu.memory_space<hbm>>
      %dma_start3A_223 = tpu.memref_squeeze %dma_start3A_222 : memref<1x1x32x1x64xf32, #tpu.memory_space<hbm>> -> memref<32x64xf32, #tpu.memory_space<hbm>>
      %dma_start3A_224 = arith.constant 192 : i32
      %dma_start3A_225 = arith.constant 0 : i32
      %dma_start3A_226 = tpu.memref_slice %arg7[%dma_start3A_224, %dma_start3A_225] : memref<256x64xf32, #tpu.memory_space<vmem>> -> memref<32x64xf32, #tpu.memory_space<vmem>>
      tpu.enqueue_dma source(%dma_start3A_226 : memref<32x64xf32, #tpu.memory_space<vmem>>) target(%dma_start3A_223 : memref<32x64xf32, #tpu.memory_space<hbm>>) target_semaphore(%run_scoped3A_213 : memref<!tpu.dma_semaphore, #tpu.memory_space<semaphore_mem>>)
      %dma_wait3A = arith.constant 192 : i32
      %dma_wait3A_227 = arith.constant 0 : i32
      %dma_wait3A_228 = tpu.memref_slice %arg7[%dma_wait3A, %dma_wait3A_227] : memref<256x64xf32, #tpu.memory_space<vmem>> -> memref<32x64xf32, #tpu.memory_space<vmem>>
      %dma_wait3A_229 = arith.constant 0 : i32
      %dma_wait3A_230 = arith.constant 0 : i32
      %dma_wait3A_231 = tpu.memref_slice %arg6[%add3A_93, %add3A_200, %dma_wait3A_229, %run_scoped3A_201, %dma_wait3A_230] : memref<4x64x32x4x64xf32, #tpu.memory_space<hbm>> -> memref<1x1x32x1x64xf32, #tpu.memory_space<hbm>>
      %dma_wait3A_232 = tpu.memref_squeeze %dma_wait3A_231 : memref<1x1x32x1x64xf32, #tpu.memory_space<hbm>> -> memref<32x64xf32, #tpu.memory_space<hbm>>
      %dma_wait3A_233 = arith.constant 0 : i32
      %dma_wait3A_234 = arith.constant 0 : i32
      %dma_wait3A_235 = tpu.memref_slice %arg6[%add3A_93, %add3A_200, %dma_wait3A_233, %run_scoped3A_201, %dma_wait3A_234] : memref<4x64x32x4x64xf32, #tpu.memory_space<hbm>> -> memref<1x1x32x1x64xf32, #tpu.memory_space<hbm>>
      %dma_wait3A_236 = tpu.memref_squeeze %dma_wait3A_235 : memref<1x1x32x1x64xf32, #tpu.memory_space<hbm>> -> memref<32x64xf32, #tpu.memory_space<hbm>>
      %dma_wait3A_237 = arith.constant 192 : i32
      %dma_wait3A_238 = arith.constant 0 : i32
      %dma_wait3A_239 = tpu.memref_slice %arg7[%dma_wait3A_237, %dma_wait3A_238] : memref<256x64xf32, #tpu.memory_space<vmem>> -> memref<32x64xf32, #tpu.memory_space<vmem>>
      tpu.wait_dma2 semaphore(%run_scoped3A_213 : memref<!tpu.dma_semaphore, #tpu.memory_space<semaphore_mem>>) src(%dma_wait3A_239 : memref<32x64xf32, #tpu.memory_space<vmem>>) dst(%dma_wait3A_236 : memref<32x64xf32, #tpu.memory_space<hbm>>)
      tpu.yield
    }) : () -> ()
    %mul3A_202 = arith.constant 4 : i32
    %mul3A_203 = arith.muli %mul3A_202, %arg1 : i32
    %add3A_204 = arith.constant 3 : i32
    %add3A_205 = arith.addi %mul3A_203, %add3A_204 : i32
    %run_scoped3A_206 = arith.constant 0 : i32
    "tpu.region"() ({
      %run_scoped3A_213 = tpu.sem_alloc : memref<!tpu.dma_semaphore, #tpu.memory_space<semaphore_mem>>
      %dma_start3A = arith.constant 96 : i32
      %dma_start3A_214 = arith.constant 0 : i32
      %dma_start3A_215 = tpu.memref_slice %arg7[%dma_start3A, %dma_start3A_214] : memref<256x64xf32, #tpu.memory_space<vmem>> -> memref<32x64xf32, #tpu.memory_space<vmem>>
      %dma_start3A_216 = arith.constant 0 : i32
      %dma_start3A_217 = arith.constant 0 : i32
      %dma_start3A_218 = tpu.memref_slice %arg6[%add3A_93, %add3A_205, %dma_start3A_216, %run_scoped3A_206, %dma_start3A_217] : memref<4x64x32x4x64xf32, #tpu.memory_space<hbm>> -> memref<1x1x32x1x64xf32, #tpu.memory_space<hbm>>
      %dma_start3A_219 = tpu.memref_squeeze %dma_start3A_218 : memref<1x1x32x1x64xf32, #tpu.memory_space<hbm>> -> memref<32x64xf32, #tpu.memory_space<hbm>>
      %dma_start3A_220 = arith.constant 0 : i32
      %dma_start3A_221 = arith.constant 0 : i32
      %dma_start3A_222 = tpu.memref_slice %arg6[%add3A_93, %add3A_205, %dma_start3A_220, %run_scoped3A_206, %dma_start3A_221] : memref<4x64x32x4x64xf32, #tpu.memory_space<hbm>> -> memref<1x1x32x1x64xf32, #tpu.memory_space<hbm>>
      %dma_start3A_223 = tpu.memref_squeeze %dma_start3A_222 : memref<1x1x32x1x64xf32, #tpu.memory_space<hbm>> -> memref<32x64xf32, #tpu.memory_space<hbm>>
      %dma_start3A_224 = arith.constant 96 : i32
      %dma_start3A_225 = arith.constant 0 : i32
      %dma_start3A_226 = tpu.memref_slice %arg7[%dma_start3A_224, %dma_start3A_225] : memref<256x64xf32, #tpu.memory_space<vmem>> -> memref<32x64xf32, #tpu.memory_space<vmem>>
      tpu.enqueue_dma source(%dma_start3A_226 : memref<32x64xf32, #tpu.memory_space<vmem>>) target(%dma_start3A_223 : memref<32x64xf32, #tpu.memory_space<hbm>>) target_semaphore(%run_scoped3A_213 : memref<!tpu.dma_semaphore, #tpu.memory_space<semaphore_mem>>)
      %dma_wait3A = arith.constant 96 : i32
      %dma_wait3A_227 = arith.constant 0 : i32
      %dma_wait3A_228 = tpu.memref_slice %arg7[%dma_wait3A, %dma_wait3A_227] : memref<256x64xf32, #tpu.memory_space<vmem>> -> memref<32x64xf32, #tpu.memory_space<vmem>>
      %dma_wait3A_229 = arith.constant 0 : i32
      %dma_wait3A_230 = arith.constant 0 : i32
      %dma_wait3A_231 = tpu.memref_slice %arg6[%add3A_93, %add3A_205, %dma_wait3A_229, %run_scoped3A_206, %dma_wait3A_230] : memref<4x64x32x4x64xf32, #tpu.memory_space<hbm>> -> memref<1x1x32x1x64xf32, #tpu.memory_space<hbm>>
      %dma_wait3A_232 = tpu.memref_squeeze %dma_wait3A_231 : memref<1x1x32x1x64xf32, #tpu.memory_space<hbm>> -> memref<32x64xf32, #tpu.memory_space<hbm>>
      %dma_wait3A_233 = arith.constant 0 : i32
      %dma_wait3A_234 = arith.constant 0 : i32
      %dma_wait3A_235 = tpu.memref_slice %arg6[%add3A_93, %add3A_205, %dma_wait3A_233, %run_scoped3A_206, %dma_wait3A_234] : memref<4x64x32x4x64xf32, #tpu.memory_space<hbm>> -> memref<1x1x32x1x64xf32, #tpu.memory_space<hbm>>
      %dma_wait3A_236 = tpu.memref_squeeze %dma_wait3A_235 : memref<1x1x32x1x64xf32, #tpu.memory_space<hbm>> -> memref<32x64xf32, #tpu.memory_space<hbm>>
      %dma_wait3A_237 = arith.constant 96 : i32
      %dma_wait3A_238 = arith.constant 0 : i32
      %dma_wait3A_239 = tpu.memref_slice %arg7[%dma_wait3A_237, %dma_wait3A_238] : memref<256x64xf32, #tpu.memory_space<vmem>> -> memref<32x64xf32, #tpu.memory_space<vmem>>
      tpu.wait_dma2 semaphore(%run_scoped3A_213 : memref<!tpu.dma_semaphore, #tpu.memory_space<semaphore_mem>>) src(%dma_wait3A_239 : memref<32x64xf32, #tpu.memory_space<vmem>>) dst(%dma_wait3A_236 : memref<32x64xf32, #tpu.memory_space<hbm>>)
      tpu.yield
    }) : () -> ()
    %mul3A_207 = arith.constant 4 : i32
    %mul3A_208 = arith.muli %mul3A_207, %arg1 : i32
    %add3A_209 = arith.constant 3 : i32
    %add3A_210 = arith.addi %mul3A_208, %add3A_209 : i32
    %run_scoped3A_211 = arith.constant 2 : i32
    "tpu.region"() ({
      %run_scoped3A_213 = tpu.sem_alloc : memref<!tpu.dma_semaphore, #tpu.memory_space<semaphore_mem>>
      %dma_start3A = arith.constant 224 : i32
      %dma_start3A_214 = arith.constant 0 : i32
      %dma_start3A_215 = tpu.memref_slice %arg7[%dma_start3A, %dma_start3A_214] : memref<256x64xf32, #tpu.memory_space<vmem>> -> memref<32x64xf32, #tpu.memory_space<vmem>>
      %dma_start3A_216 = arith.constant 0 : i32
      %dma_start3A_217 = arith.constant 0 : i32
      %dma_start3A_218 = tpu.memref_slice %arg6[%add3A_93, %add3A_210, %dma_start3A_216, %run_scoped3A_211, %dma_start3A_217] : memref<4x64x32x4x64xf32, #tpu.memory_space<hbm>> -> memref<1x1x32x1x64xf32, #tpu.memory_space<hbm>>
      %dma_start3A_219 = tpu.memref_squeeze %dma_start3A_218 : memref<1x1x32x1x64xf32, #tpu.memory_space<hbm>> -> memref<32x64xf32, #tpu.memory_space<hbm>>
      %dma_start3A_220 = arith.constant 0 : i32
      %dma_start3A_221 = arith.constant 0 : i32
      %dma_start3A_222 = tpu.memref_slice %arg6[%add3A_93, %add3A_210, %dma_start3A_220, %run_scoped3A_211, %dma_start3A_221] : memref<4x64x32x4x64xf32, #tpu.memory_space<hbm>> -> memref<1x1x32x1x64xf32, #tpu.memory_space<hbm>>
      %dma_start3A_223 = tpu.memref_squeeze %dma_start3A_222 : memref<1x1x32x1x64xf32, #tpu.memory_space<hbm>> -> memref<32x64xf32, #tpu.memory_space<hbm>>
      %dma_start3A_224 = arith.constant 224 : i32
      %dma_start3A_225 = arith.constant 0 : i32
      %dma_start3A_226 = tpu.memref_slice %arg7[%dma_start3A_224, %dma_start3A_225] : memref<256x64xf32, #tpu.memory_space<vmem>> -> memref<32x64xf32, #tpu.memory_space<vmem>>
      tpu.enqueue_dma source(%dma_start3A_226 : memref<32x64xf32, #tpu.memory_space<vmem>>) target(%dma_start3A_223 : memref<32x64xf32, #tpu.memory_space<hbm>>) target_semaphore(%run_scoped3A_213 : memref<!tpu.dma_semaphore, #tpu.memory_space<semaphore_mem>>)
      %dma_wait3A = arith.constant 224 : i32
      %dma_wait3A_227 = arith.constant 0 : i32
      %dma_wait3A_228 = tpu.memref_slice %arg7[%dma_wait3A, %dma_wait3A_227] : memref<256x64xf32, #tpu.memory_space<vmem>> -> memref<32x64xf32, #tpu.memory_space<vmem>>
      %dma_wait3A_229 = arith.constant 0 : i32
      %dma_wait3A_230 = arith.constant 0 : i32
      %dma_wait3A_231 = tpu.memref_slice %arg6[%add3A_93, %add3A_210, %dma_wait3A_229, %run_scoped3A_211, %dma_wait3A_230] : memref<4x64x32x4x64xf32, #tpu.memory_space<hbm>> -> memref<1x1x32x1x64xf32, #tpu.memory_space<hbm>>
      %dma_wait3A_232 = tpu.memref_squeeze %dma_wait3A_231 : memref<1x1x32x1x64xf32, #tpu.memory_space<hbm>> -> memref<32x64xf32, #tpu.memory_space<hbm>>
      %dma_wait3A_233 = arith.constant 0 : i32
      %dma_wait3A_234 = arith.constant 0 : i32
      %dma_wait3A_235 = tpu.memref_slice %arg6[%add3A_93, %add3A_210, %dma_wait3A_233, %run_scoped3A_211, %dma_wait3A_234] : memref<4x64x32x4x64xf32, #tpu.memory_space<hbm>> -> memref<1x1x32x1x64xf32, #tpu.memory_space<hbm>>
      %dma_wait3A_236 = tpu.memref_squeeze %dma_wait3A_235 : memref<1x1x32x1x64xf32, #tpu.memory_space<hbm>> -> memref<32x64xf32, #tpu.memory_space<hbm>>
      %dma_wait3A_237 = arith.constant 224 : i32
      %dma_wait3A_238 = arith.constant 0 : i32
      %dma_wait3A_239 = tpu.memref_slice %arg7[%dma_wait3A_237, %dma_wait3A_238] : memref<256x64xf32, #tpu.memory_space<vmem>> -> memref<32x64xf32, #tpu.memory_space<vmem>>
      tpu.wait_dma2 semaphore(%run_scoped3A_213 : memref<!tpu.dma_semaphore, #tpu.memory_space<semaphore_mem>>) src(%dma_wait3A_239 : memref<32x64xf32, #tpu.memory_space<vmem>>) dst(%dma_wait3A_236 : memref<32x64xf32, #tpu.memory_space<hbm>>)
      tpu.yield
    }) : () -> ()
    %barrier3A_212 = arith.constant 0 : index
    tpu.barrier barrier_id(%barrier3A_212)
    return
  }
}

module attributes {stable_mosaic.version = 14 : i64} {
  func.func @_argmax_body(%arg0: i32, %arg1: i32, %arg2: memref<1x2048x128xbf16, #tpu.memory_space<vmem>>, %arg3: memref<1x4096x128xbf16, #tpu.memory_space<vmem>>, %arg4: memref<1x2048x1xi32, #tpu.memory_space<vmem>>) attributes {dimension_semantics = [#tpu.dimension_semantics<arbitrary>, #tpu.dimension_semantics<arbitrary>], iteration_bounds = array<i64: 4, 2>, scalar_prefetch = 0 : i64, scratch_operands = 0 : i64, tpu.core_type = #tpu.core_type<tc>, window_params = [{transform_indices = @transform_0, window_bounds = array<i64: 1, 2048, 128>}, {transform_indices = @transform_1, window_bounds = array<i64: 1, 4096, 128>}, {transform_indices = @transform_2, window_bounds = array<i64: 1, 2048, 1>}]} {
    %get3A = arith.constant 0 : index
    %get3A_0 = arith.constant 0 : index
    %get3A_1 = arith.constant 0 : index
    %get3A_2 = vector.load %arg2[%get3A, %get3A_0, %get3A_1] : memref<1x2048x128xbf16, #tpu.memory_space<vmem>>, vector<1x2048x128xbf16>
    %get3A_3 = vector.shape_cast %get3A_2 : vector<1x2048x128xbf16> to vector<2048x128xbf16>
    %slice3A = vector.extract_strided_slice %get3A_3 {offsets = [0, 0], sizes = [2048, 64], strides = [1, 1]} : vector<2048x128xbf16> to vector<2048x64xbf16>
    %get3A_4 = arith.constant 0 : index
    %get3A_5 = arith.constant 0 : index
    %get3A_6 = arith.constant 0 : index
    %get3A_7 = vector.load %arg3[%get3A_4, %get3A_5, %get3A_6] : memref<1x4096x128xbf16, #tpu.memory_space<vmem>>, vector<1x4096x128xbf16>
    %get3A_8 = vector.shape_cast %get3A_7 : vector<1x4096x128xbf16> to vector<4096x128xbf16>
    %slice3A_9 = vector.extract_strided_slice %get3A_8 {offsets = [0, 64], sizes = [4096, 64], strides = [1, 1]} : vector<4096x128xbf16> to vector<4096x64xbf16>
    %dot_general3A = arith.constant dense<0.000000e+00> : vector<2048x4096xf32>
    %dot_general3A_10 = tpu.matmul %slice3A, %slice3A_9, %dot_general3A {dimension_numbers = #tpu.dot_dimension_numbers<[1], [1], [0], [0], [0, 0, 1, 0], [], []>, transpose_lhs_hint = false} : vector<2048x64xbf16>, vector<4096x64xbf16>, vector<2048x4096xf32> -> vector<2048x4096xf32>
    %argmax3A = tpu.reduce_index %dot_general3A_10 {axis = 1 : i32, kind = #tpu.reduction_kind<arg_max>} : vector<2048x4096xf32> -> vector<2048xi32>
    %broadcast_in_dim3A = vector.shape_cast %argmax3A : vector<2048xi32> to vector<2048x1xi32>
    %swap3A = arith.constant 0 : index
    %swap3A_11 = arith.constant 0 : index
    %swap3A_12 = arith.constant 0 : index
    %swap3A_13 = vector.load %arg4[%swap3A, %swap3A_11, %swap3A_12] : memref<1x2048x1xi32, #tpu.memory_space<vmem>>, vector<1x2048x1xi32>
    %swap3A_14 = vector.shape_cast %swap3A_13 : vector<1x2048x1xi32> to vector<2048x1xi32>
    %swap3A_15 = vector.shape_cast %broadcast_in_dim3A : vector<2048x1xi32> to vector<1x2048x1xi32>
    tpu.vector_store %arg4[%swap3A, %swap3A_11, %swap3A_12], %swap3A_15 {strides = array<i32>} : memref<1x2048x1xi32, #tpu.memory_space<vmem>>, vector<1x2048x1xi32>,
    return
  }
  func.func @transform_0(%arg0: i32, %arg1: i32) -> (i32, i32, i32) {
    %c0_i32 = arith.constant 0 : i32
    %c0_i32_0 = arith.constant 0 : i32
    return %arg0, %arg1, %c0_i32 : i32, i32, i32
  }
  func.func @transform_1(%arg0: i32, %arg1: i32) -> (i32, i32, i32) {
    %c0_i32 = arith.constant 0 : i32
    %c0_i32_0 = arith.constant 0 : i32
    %c0_i32_1 = arith.constant 0 : i32
    return %arg0, %c0_i32, %c0_i32_0 : i32, i32, i32
  }
  func.func @transform_2(%arg0: i32, %arg1: i32) -> (i32, i32, i32) {
    %c0_i32 = arith.constant 0 : i32
    %c0_i32_0 = arith.constant 0 : i32
    return %arg0, %arg1, %c0_i32 : i32, i32, i32
  }
}

</mosaic_0001>

<sc_bundles>
// kernel: kernel.4.cloned.1.call-start
scs
__scs_entry_jumppad:
0x0: {  	(pc) =	sbr.rel $0x88, $3  }
0x1: {  	(tag) =	ssettag $0x0;
	lr =	simm.s32 $0x1  }
0x2: {  	[smem:$0x3FA0] =	sst lr;
	_ =	strace $0xD0000000  }
0x3: {  	_ = 	snop  }
0x4: {  	_ = 	snop  }
0x5: {  	_ = 	snop  }
0x6: {  	_ = 	snop  }
0x7: {  	_ = 	snop  }
__scs_overlays_trampoline_lowered:
0x8: {  	[smem:$0x3FAF] =	sst s0  }
0x9: {  	[smem:$0x3FB0] =	sst s1  }
0xa: {  	[smem:$0x3FB1] =	sst s2  }
0xb: {  	[smem:$0x3FB2] =	sst s3  }
0xc: {  	[smem:$0x3FB3] =	sst s4  }
0xd: {  	[smem:$0x3FB4] =	sst s5  }
0xe: {  	[smem:$0x3FB5] =	sst s6  }
0xf: {  	[smem:$0x3FB6] =	sst s7  }
0x10: {  	[smem:$0x3FB7] =	sst s8  }
0x11: {  	[smem:$0x3FB8] =	sst s9;
	s0 =	simm.s32 @!p0 $0x0  }
0x12: {  	s1 =	sld [smem:$0x3F9E];
	s0 =	simm.s32 @p0 $0x1  }
0x13: {  	[smem:$0x3FB9] =	sst s0;
	s0 =	simm.s32 @!p1 $0x0  }
0x14: {  	s2 =	sld [smem:$0x3F9D];
	s0 =	simm.s32 @p1 $0x1  }
0x15: {  	[smem:$0x3FBA] =	sst s0;
	s0 =	simm.s32 @!p2 $0x0  }
0x16: {  	s3 =	sld [smem:$0x3FDB];
	s0 =	simm.s32 @p2 $0x1  }
0x17: {  	s4 =	simm.s32 $0x1BF5;
	[smem:$0x3FBC] =	sst s0  }
0x18: {  	s0 =	sld [smem:$0x3F9F];
	_ =	swait.ge [sflag:s4], $0x0  }
0x19: {  	s7 =	sld [smem:$0x3FA0]  }
0x1a: {  	s8 =	sadd.s32 $0xFFFFE003, lr  }
0x1b: {  	s9 =	sadd.s32 $0xFFFFFEF7, lr;
	s5 =	simm.s32 $0xFFFFFFFF;
	p2 =	slt.u32 s8, $0xFFFFF086  }
0x1c: {  	p1 =	slt.u32 s9, $0xF7A;
	s5 =	simm.s32 @!p2 $0x0  }
0x1d: {  	s5 =	simm.s32 @p1 $0x1;
	p0 =	seq.s32 s7, s2  }
0x1e: {  	s7 =	smul.u32 @!p0 $0xF7A, s2;
	p2 =	seq.s32 @!p0 s5, $0x0  }
0x1f: {  	s9 =	smul.u32 $0xF7A, s1;
	s8 =	simm.s32 @!p0 $0x1BF5;
	p2 =	por !p2, p0  }
0x20: {  	[sflag:s8] =	ssyncset.s32 @!p0 $0xFFFFF086;
	s6 =	sadd.s32 @!p0 s3, s7;
	s7 =	simm.s32 @!p0 $0x108  }
0x21: {  	s3 =	sadd.s32 s3, s9;
	s6 =	sadd.s32 @!p0 $0x88, s6;
	s7 =	simm.s32 @p2 $0x1082  }
0x22: {  	[simem:s7], [sflag:s8] =	dma.local @!p0 [hbm:s6], $0xF7A  }
0x23: {  	s9 =	sor.u32 $0xD0000000, s2;
	s6 =	simm.s32 $0x108;
	_ =	swait.ge @!p0 [sflag:s8], $0x0  }
0x24: {  	s3 =	sadd.s32 $0x88, s3;
	s6 =	simm.s32 @!p1 $0x1082;
	[sflag:s4] =	ssyncset.s32 $0xFFFFF086  }
0x25: {  	[simem:s6], [sflag:s4] =	dma.local [hbm:s3], $0xF7A  }
0x26: {  	[smem:$0x3FA0] =	sst s1;
	(tag) =	ssettag s2;
	_ =	strace s9  }
0x27: {  	s1 =	sld [smem:$0x3FB0]  }
0x28: {  	s2 =	sld [smem:$0x3FB1]  }
0x29: {  	s4 =	sld [smem:$0x3FB3]  }
0x2a: {  	p0 =	seq.s32 s5, $0x0;
	s5 =	sld [smem:$0x3FB4]  }
0x2b: {  	s6 =	sld [smem:$0x3FB5]  }
0x2c: {  	s7 =	sld [smem:$0x3FB6]  }
0x2d: {  	s3 =	simm.s32 $0x108;
	s8 =	sld [smem:$0x3FB7]  }
0x2e: {  	s3 =	simm.s32 @!p0 $0x1082;
	s9 =	sld [smem:$0x3FB8]  }
0x2f: {  	lr =	sadd.s32 s0, s3;
	s0 =	sld [smem:$0x3FAF]  }
0x30: {  	s3 =	sld [smem:$0x3FB2]  }
0x31: {  	[smem:$0x3FBB] =	sst s10  }
0x32: {  	s10 =	sld [smem:$0x3FB9];
	_ =	sdelay $0x3  }
0x33: {  	p0 =	seq.s32 s10, $0x1;
	s10 =	sld [smem:$0x3FBB];
	_ =	sdelay $0x3  }
0x34: {  	[smem:$0x3FBB] =	sst s10  }
0x35: {  	s10 =	sld [smem:$0x3FBA];
	_ =	sdelay $0x3  }
0x36: {  	p1 =	seq.s32 s10, $0x1;
	s10 =	sld [smem:$0x3FBB];
	_ =	sdelay $0x3  }
0x37: {  	[smem:$0x3FBB] =	sst s10  }
0x38: {  	s10 =	sld [smem:$0x3FBC]  }
0x39: {  	_ = 	snop;
	(pc) =	sbr.ind lr, $3  }
0x3a: {  	_ = 	snop  }
0x3b: {  	_ = 	snop  }
0x3c: {  	p2 =	seq.s32 s10, $0x1;
	s10 =	sld [smem:$0x3FBB]  }
0x3d: {  	_ =	shalt  }
0x3e: {  	_ =	shalt  }
0x3f: {  	_ =	shalt  }
0x40: {  	_ =	shalt  }
0x41: {  	_ =	shalt  }
0x42: {  	_ =	shalt  }
0x43: {  	_ =	shalt  }
0x44: {  	_ =	shalt  }
0x45: {  	_ =	shalt  }
0x46: {  	_ =	shalt  }
0x47: {  	_ =	shalt  }
0x48: {  	_ =	shalt  }
0x49: {  	_ =	shalt  }
0x4a: {  	_ =	shalt  }
0x4b: {  	_ =	shalt  }
0x4c: {  	_ =	shalt  }
0x4d: {  	_ =	shalt  }
0x4e: {  	_ =	shalt  }
0x4f: {  	_ =	shalt  }
0x50: {  	_ =	shalt  }
0x51: {  	_ =	shalt  }
0x52: {  	_ =	shalt  }
0x53: {  	_ =	shalt  }
0x54: {  	_ =	shalt  }
0x55: {  	_ =	shalt  }
0x56: {  	_ =	shalt  }
0x57: {  	_ =	shalt  }
0x58: {  	_ =	shalt  }
0x59: {  	_ =	shalt  }
0x5a: {  	_ =	shalt  }
0x5b: {  	_ =	shalt  }
0x5c: {  	_ =	shalt  }
0x5d: {  	_ =	shalt  }
0x5e: {  	_ =	shalt  }
0x5f: {  	_ =	shalt  }
0x60: {  	_ =	shalt  }
0x61: {  	_ =	shalt  }
0x62: {  	_ =	shalt  }
0x63: {  	_ =	shalt  }
0x64: {  	_ =	shalt  }
0x65: {  	_ =	shalt  }
0x66: {  	_ =	shalt  }
0x67: {  	_ =	shalt  }
0x68: {  	_ =	shalt  }
0x69: {  	_ =	shalt  }
0x6a: {  	_ =	shalt  }
0x6b: {  	_ =	shalt  }
0x6c: {  	_ =	shalt  }
0x6d: {  	_ =	shalt  }
0x6e: {  	_ =	shalt  }
0x6f: {  	_ =	shalt  }
0x70: {  	_ =	shalt  }
0x71: {  	_ =	shalt  }
0x72: {  	_ =	shalt  }
0x73: {  	_ =	shalt  }
0x74: {  	_ =	shalt  }
0x75: {  	_ =	shalt  }
0x76: {  	_ =	shalt  }
0x77: {  	_ =	shalt  }
0x78: {  	_ =	shalt  }
0x79: {  	_ =	shalt  }
0x7a: {  	_ =	shalt  }
0x7b: {  	_ =	shalt  }
0x7c: {  	_ =	shalt  }
0x7d: {  	_ =	shalt  }
0x7e: {  	_ =	shalt  }
0x7f: {  	_ =	shalt  }
0x80: {  	_ =	shalt  }
0x81: {  	_ =	shalt  }
0x82: {  	_ =	shalt  }
0x83: {  	_ =	shalt  }
0x84: {  	_ =	shalt  }
0x85: {  	_ =	shalt  }
0x86: {  	_ =	shalt  }
0x87: {  	_ =	shalt  }
.Lfunc_end0:
.L_simem_size_0:
called_computation_lowered:
.L_overlay_start_0:
0x88: {  	s2 =	sld [smem:$0x3FD9]  }
0x89: {  	s3 =	sld [smem:$0x3FFE];
	_ =	sdelay $0x1  }
0x8a: {  	s1 =	srdreg.scid  }
0x8b: {  	s0 =	sand.u32 $0x1, s1  }
0x8c: {  	s14 =	sshll.u32 s0, $0xA;
	s2 =	sadd.s32 s3, s2  }
0x8d: {  	s2 =	sadd.s32 s2, s14  }
0x8e: {  	[smem:$0x3FC7] =	sst s2  }
0x8f: {  	_ = 	snop  }
0x90: {  	s2 =	sld [smem:$0x3FD0];
	_ =	sdelay $0x2  }
0x91: {  	s15 =	simm.s32 $0xA;
	s4 =	simm.s32 $0x10  }
0x92: {  	[smem:s4], [sflag:s15] =	dma.local [hbm:s2], $0x1  }
0x93: {  	_ =	swait.eq [sflag:s15], $0x1  }
0x94: {  	[sflag:s15] =	ssyncset.done $0x0  }
0x95: {  	s16 =	sld [smem:$0x10];
	[sflag:s15] =	ssyncadd.s32 $0xFFFFFFFF  }
0x96: {  	s17 =	sld [smem:$0x11];
	(tm) =	ssettm $0x1  }
0x97: {  	s18 =	sld [smem:$0x3FFB];
	_ =	sdelay $0x3  }
0x98: {  	_ =	strace s18  }
0x99: {  	s4 =	sld [smem:$0x3FFC];
	_ =	sdelay $0x3  }
0x9a: {  	_ =	strace s4  }
0x9b: {  	s4 =	sld [smem:$0x3FFD];
	_ =	sdelay $0x3  }
0x9c: {  	_ =	strace s4  }
0x9d: {  	_ =	strace $0x8FFFFFFF  }
0x9e: {  	s19 =	sld [smem:$0x3FDB];
	_ =	sdelay $0x1  }
0x9f: {  	s5 =	simm.s32 $_scs_section_size  }
0xa0: {  	s6 =	simm.s32 $_size__tile_overlayer_lowered;
	s7 =	simm.s32 $_tile_overlayer_lowered  }
0xa1: {  	s22 =	simm.s32 $0x1BFF;
	s21 =	sshll.u32 s7, $0x1;
	s4 =	sadd.s32 s5, s19  }
0xa2: {  	s8 =	simm.s32 $0x0;
	s20 =	sshll.u32 s6, $0x1;
	s6 =	sadd.s32 s21, s4  }
0xa3: {  	[timem:s8], [sflag:s22] =	dma.local [hbm:s6], s20  }
0xa4: {  	_ =	swait.ge [sflag:s22], s20  }
0xa5: {  	s5 =	ssub.s32 $0x0, s20;
	[sflag:s22] =	ssyncset.done $0x0  }
0xa6: {  	[sflag:s22] =	ssyncadd.s32 s5;
	_ =	sdelay $0x1  }
0xa7: {  	s23 =	simm.s32 $0x1B8B  }
0xa8: {  	_ =	swait.ge [sflag:s23], $0x1  }
0xa9: {  	[sflag:s23] =	ssyncset.done $0x0  }
0xaa: {  	s25 =	simm.s32 $0x1B8E;
	s24 =	sld [smem:$0x3FFE];
	[sflag:s23] =	ssyncadd.s32 $0xFFFFFFFF  }
0xab: {  	s26 =	simm.s32 $execute0_lowered;
	[smem:$0x3FD2] =	sst s25  }
0xac: {  	s6 =	sshll.u32 s26, $0x1;
	_ =	strace $0x80000046;
	[dreg:$0x1] =	wrdreg $0xFFFFFFFF  }
0xad: {  	s28 =	simm.s32 $_size_execute0_lowered;
	s4 =	sadd.s32 s4, s6;
	[dreg:$0x0] =	wrdreg $0x0  }
0xae: {  	s6 =	sshll.u32 s28, $0x1;
	[dreg:$0x2] =	wrdreg s4  }
0xaf: {  	[dreg:$0x3] =	wrdreg s6  }
0xb0: {  	[dreg:$0x4] =	wrdreg $0xC0  }
0xb1: {  	_ =	task [dreg:s8], $0x5FFFF  }
0xb2: {  	[dreg:$0x1] =	wrdreg $0xFFFFFFFF  }
0xb3: {  	[dreg:$0x0] =	wrdreg $0x60  }
0xb4: {  	[dreg:$0x2] =	wrdreg s17  }
0xb5: {  	[dreg:$0x3] =	wrdreg s24  }
0xb6: {  	[dreg:$0x4] =	wrdreg s16  }
0xb7: {  	[dreg:$0x5] =	wrdreg $0x6A000  }
0xb8: {  	[dreg:$0x6] =	wrdreg $0xAA000  }
0xb9: {  	[dreg:$0x7] =	wrdreg $0x9  }
0xba: {  	_ =	task.clear_ibuf [dreg:s8], $0x8FFFF;
	_ =	strace $0x90000046  }
0xbb: {  	s29 =	simm.s32 $0x9;
	_ =	strace $0x80000048  }
0xbc: {  	_ =	swait.ge [sflag:s29], $0x1  }
0xbd: {  	[sflag:s29] =	ssyncadd.s32 $0xFFFFFFFF  }
0xbe: {  	_ =	strace $0x90000048  }
0xbf: {  	_ =	sfence  }
0xc0: {  	s30 =	sld [smem:$0x0];
	_ =	sdelay $0x2  }
0xc1: {  	s31 =	sshll.u32 s1, $0xD;
	s1 =	sshrl.u32 s1, $0x2  }
0xc2: {  	s3 =	sand.u32 $0x4000, s31;
	s1 =	sadd.s32 s1, s30  }
0xc3: {  	s0 =	sor.u32 s3, s0;
	s1 =	sshll.u32 s1, $0x11  }
0xc4: {  	s0 =	sor.u32 s1, s0  }
0xc5: {  	s0 =	sadd.s32 $0x8F2B, s0  }
0xc6: {  	[sflag:s0] =	ssyncadd.remote.s32 $0x1  }
0xc7: {  	_ =	sfence.sel $0xFFFF  }
0xc8: {  	[dreg:$0x0] =	wrdreg $0xFFFFFFFF;
	(pc) =	sbr.abs _section_cstart, $3  }
0xc9: {  	[dreg:$0x1] =	wrdreg $0xFFFFFFFF  }
0xca: {  	_ =	task.clear_ibuf [dreg:s8], $0x2FFFF;
	_ =	strace $0x9FFFFFFF  }
0xcb: {  	(tm) =	ssettm $0x7FFFFFFF  }
tec
execute0_lowered:
.L_overlay_start_1:
0x0: {  	(tag) =	ssettag $0x1  }
0x1: {  	s4 =	rddreg [dreg:$0x0]  }
0x2: {  	s5 =	rddreg [dreg:$0x1]  }
0x3: {  	s6 =	rddreg [dreg:$0x2]  }
0x4: {  	s1 =	simm.s32 $0x0;
	s0 =	srdreg.scid;
	s16 =	stileid.u32  }
0x5: {  	[smem:$0x7FF] =	sst s1;
	s7 =	sadd.s32 $0xA00, s5;
	s8 =	sand.u32 $0x1, s0  }
0x6: {  	s10 =	sshll.u32 s16, $0xF;
	s11 =	sadd.s32 $0x200, s5;
	s2 =	sadd.s32 $0x1200, s5  }
0x7: {  	s13 =	sshll.u32 s16, $0x8;
	s0 =	ssub.s32 $0x2, s8;
	s9 =	sshll.u32 s8, $0x13  }
0x8: {  	s15 =	sshll.u32 s8, $0xC;
	s22 =	sshll.u32 s8, $0x12;
	s8 =	sor.u32 $0x2, s8  }
0x9: {  	s26 =	sor.u32 $0x2000, s10;
	s19 =	sor.u32 $0x4000, s10;
	s3 =	sshrl.u32 s0, $0x1  }
0xa: {  	s12 =	sor.u32 s10, s9;
	s15 =	sor.u32 s13, s15;
	s18 =	sor.u32 s9, s26  }
0xb: {  	s21 =	sor.u32 s9, s19;
	s0 =	ssub.s32 s0, s3;
	s12 =	sshrl.u32 s12, $0x3  }
0xc: {  	s3 =	sshll.u32 s16, $0xE;
	s15 =	sshrl.u32 s15, $0x3;
	s20 =	sshrl.u32 s18, $0x3  }
0xd: {  	s18 =	sor.u32 $0x6000, s10;
	s14 =	sor.u32 $0x8, s12;
	s23 =	sadd.s32 s4, s12  }
0xe: {  	s16 =	sor.u32 s3, s22;
	s24 =	sadd.s32 s7, s15;
	[dreg:$0x7] =	wrdreg s23  }
0xf: {  	s15 =	sadd.s32 s11, s15;
	s9 =	sor.u32 s9, s18;
	[dreg:$0x8] =	wrdreg s24  }
0x10: {  	s17 =	sadd.s32 s4, s14;
	s16 =	sshrl.u32 s16, $0x3;
	[dreg:$0x9] =	wrdreg s15  }
0x11: {  	s14 =	sadd.s32 s2, s14;
	s23 =	sshll.u32 s8, $0x13;
	[dreg:$0x6] =	wrdreg s17  }
0x12: {  	s9 =	sshrl.u32 s9, $0x3;
	s25 =	sadd.s32 s6, s16;
	[dreg:$0xb] =	wrdreg s14  }
0x13: {  	s17 =	sshll.u32 s8, $0xC;
	s16 =	sshrl.u32 s21, $0x3;
	s8 =	sshll.u32 s8, $0x12  }
0x14: {  	s10 =	sor.u32 s10, s23;
	s14 =	sadd.s32 s2, s20;
	[dreg:$0xa] =	wrdreg s25  }
0x15: {  	s13 =	sor.u32 s13, s17;
	s25 =	sadd.s32 s2, s12;
	[dreg:$0x15] =	wrdreg s14  }
0x16: {  	s10 =	sshrl.u32 s10, $0x3;
	s21 =	sadd.s32 s2, s16;
	[dreg:$0x11] =	wrdreg s25  }
0x17: {  	s17 =	sadd.s32 $0x1210, s5;
	[dreg:$0x19] =	wrdreg s21;
	s25 =	sadd.s32 s2, s9  }
0x18: {  	s13 =	sshrl.u32 s13, $0x3;
	s21 =	sadd.s32 s10, s17;
	[dreg:$0x1d] =	wrdreg s25  }
0x19: {  	s8 =	sor.u32 s3, s8;
	s7 =	sadd.s32 s7, s13;
	[smem:$0x7F9] =	sst s21  }
0x1a: {  	s8 =	sshrl.u32 s8, $0x3;
	s22 =	sadd.s32 s11, s13;
	[dreg:$0xc] =	wrdreg s7  }
0x1b: {  	s6 =	sadd.s32 s6, s8;
	[dreg:$0xd] =	wrdreg s22  }
0x1c: {  	s8 =	sor.u32 s26, s23;
	s26 =	sadd.s32 s12, s17;
	[dreg:$0xe] =	wrdreg s6  }
0x1d: {  	s7 =	sor.u32 s18, s23;
	[dreg:$0x12] =	wrdreg s26;
	s18 =	sadd.s32 s20, s17  }
0x1e: {  	s22 =	sadd.s32 s16, s17;
	[dreg:$0x16] =	wrdreg s18  }
0x1f: {  	s6 =	sor.u32 $0x8, s10;
	s26 =	sadd.s32 s9, s17;
	[dreg:$0x1a] =	wrdreg s22  }
0x20: {  	s24 =	sadd.s32 s4, s6;
	[dreg:$0x1e] =	wrdreg s26  }
0x21: {  	s8 =	sshrl.u32 s8, $0x3;
	s4 =	sadd.s32 s4, s10;
	[dreg:$0xf] =	wrdreg s24  }
0x22: {  	s6 =	sadd.s32 s2, s6;
	s22 =	sadd.s32 s2, s8;
	[dreg:$0x10] =	wrdreg s4  }
0x23: {  	s4 =	sadd.s32 $0x1208, s5;
	s5 =	sadd.s32 $0x1218, s5;
	[smem:$0x7F0] =	sst s6  }
0x24: {  	s28 =	simm.s32 $0x5A00;
	[smem:$0x7FA] =	sst s22;
	s12 =	sadd.s32 s12, s5  }
0x25: {  	s29 =	simm.s32 $0x4000;
	s13 =	sadd.s32 s20, s4;
	[dreg:$0x13] =	wrdreg s12  }
0x26: {  	s11 =	sor.u32 s19, s23;
	s19 =	sadd.s32 s20, s5;
	[dreg:$0x14] =	wrdreg s13  }
0x27: {  	s30 =	simm.s32 $0x100;
	s20 =	sadd.s32 s16, s4;
	[dreg:$0x17] =	wrdreg s19  }
0x28: {  	s31 =	simm.s32 $0x1000;
	s23 =	sadd.s32 s16, s5;
	[dreg:$0x18] =	wrdreg s20  }
0x29: {  	s21 =	simm.s32 $0x1;
	s24 =	sadd.s32 s9, s4;
	[dreg:$0x1b] =	wrdreg s23  }
0x2a: {  	s7 =	sshrl.u32 s7, $0x3;
	s9 =	sadd.s32 s9, s5;
	[dreg:$0x1c] =	wrdreg s24  }
0x2b: {  	s26 =	sshrl.u32 s3, $0x2;
	s15 =	sadd.s32 s10, s5;
	[dreg:$0x1f] =	wrdreg s9  }
0x2c: {  	s22 =	simm.s32 $0x5200;
	s16 =	sadd.s32 s8, s5;
	[smem:$0x7F4] =	sst s15  }
0x2d: {  	s6 =	simm.s32 $0x3800;
	s12 =	sshrl.u32 s11, $0x3;
	[smem:$0x7F5] =	sst s16  }
0x2e: {  	s13 =	sadd.s32 s8, s4;
	s20 =	sadd.s32 s2, s10;
	s10 =	rddreg [dreg:$0x3]  }
0x2f: {  	s19 =	sadd.s32 s7, s5;
	s23 =	sadd.s32 s8, s17;
	[smem:$0x7F1] =	sst s13  }
0x30: {  	s15 =	sadd.s32 s7, s17;
	s8 =	simm.s32 $0x0;
	[smem:$0x7F7] =	sst s19  }
0x31: {  	s14 =	sadd.s32 s12, s4;
	s4 =	sadd.s32 s7, s4;
	[smem:$0x7F8] =	sst s20  }
0x32: {  	s18 =	sadd.s32 s12, s5;
	[smem:$0x7FB] =	sst s23;
	s24 =	sadd.s32 s2, s12  }
0x33: {  	s25 =	sadd.s32 s12, s17;
	s13 =	sadd.s32 s2, s7;
	[smem:$0x7F2] =	sst s14  }
0x34: {  	s16 =	sadd.s32 s3, s10;
	s19 =	simm.s32 $0x40;
	[smem:$0x7F3] =	sst s4  }
0x35: {  	s20 =	simm.s32 $0x80;
	s23 =	simm.s32 $0x5000;
	[smem:$0x7F6] =	sst s18  }
0x36: {  	s2 =	simm.s32 $0x5180;
	s3 =	simm.s32 $0x800;
	[smem:$0x7FC] =	sst s24  }
0x37: {  	s5 =	simm.s32 $0x1800;
	s7 =	simm.s32 $0x6200;
	[smem:$0x7FD] =	sst s25  }
0x38: {  	s14 =	rddreg [dreg:$0x4];
	s18 =	smax.u32 s0, $0x1;
	s24 =	simm.s32 $0x5100  }
0x39: {  	s25 =	simm.s32 $0x5080;
	s0 =	simm.s32 $0x3000;
	s4 =	simm.s32 $0x2800  }
0x3a: {  	v0 =	vimm.f32 $1.000000000e+00;
	v1 =	vimm.f32 $0.0e+00;
	_ =	strace $0x80000047;
	s17 =	sadd.s32 s26, s14;
	s26 =	simm.s32 $0x2000  }
.LBB2_1:
0x3b: {  	s9 =	simm.s32 $0x0  }
.LBB2_2:
0x3c: {  	p0 =	sne.s32 s9, $0x3FC0  }
.Ltmp0:
0x3d: {  	_ = 	snop;
	(pc) =	sbr.rel @p0 .LBB2_2-.Ltmp0, $3  }
0x3e: {  	_ =	sdelay $0x1  }
0x3f: {  	s11 =	sshra.s32 s9, $0x2  }
0x40: {  	s9 =	sadd.s32 $0x40, s9;
	[tilespmem:s11+$0x5200] =	vst v0  }
0x41: {  	s11 =	simm.s32 $0x100;
	s9 =	simm.s32 $0x0  }
.LBB2_4:
0x42: {  	p0 =	sne.s32 s11, $0x1F00;
	[tilespmem:s9+$0x6230] =	vst v1;
	s12 =	smov.u32 s11;
	s11 =	sadd.s32 $0x100, s11  }
.Ltmp1:
0x43: {  	[tilespmem:s9+$0x6220] =	vst v1;
	(pc) =	sbr.rel @p0 .LBB2_4-.Ltmp1, $3  }
0x44: {  	[tilespmem:s9+$0x6200] =	vst v1  }
0x45: {  	[tilespmem:s9+$0x6210] =	vst v1;
	_ =	sdelay $0x1  }
0x46: {  	s9 =	sshra.s32 s12, $0x2  }
0x47: {  	[tilespmem:s9+$0x6230] =	vst v1  }
0x48: {  	[tilespmem:s9+$0x6220] =	vst v1  }
0x49: {  	[tilespmem:s9+$0x6200] =	vst v1  }
0x4a: {  	[tilespmem:s9+$0x6210] =	vst v1;
	s9 =	simm.s32 $0x0;
	s11 =	rddreg [dreg:$0x6]  }
0x4b: {  	[tilespmem:s9], [sflag:$0x1] =	stream.strided.gather [hbm4b:s11+s19], $0x4000, s20, s19, $0x38;
	[tilespmem:$0xBA00] =	vst v63  }
0x4c: {  	_ =	swait.ge [sflag:s21], $0x4000  }
0x4d: {  	[sflag:s21] =	ssyncset.done $0x0  }
0x4e: {  	[sflag:s21] =	ssyncadd.s32 $0xFFFFC000  }
0x4f: {  	[spmem:s16] =	stream.linear.scatter [tilespmem:s9], [sflag:$0x1], $0x4000, $0x38;
	[tilespmem:$0xBA00] =	vst v63  }
0x50: {  	_ =	swait.ge [sflag:s21], $0x4000  }
0x51: {  	[sflag:s21] =	ssyncset.done $0x0  }
0x52: {  	[sflag:s21] =	ssyncadd.s32 $0xFFFFC000  }
0x53: {  	[spmem:s17] =	stream.linear.scatter [tilespmem:s22], [sflag:$0x1], $0x1000, $0x38;
	[tilespmem:$0xBA00] =	vst v63  }
0x54: {  	_ =	swait.ge [sflag:s21], $0x1000  }
0x55: {  	[sflag:s21] =	ssyncset.done $0x0  }
0x56: {  	s12 =	rddreg [dreg:$0x7];
	[sflag:s21] =	ssyncadd.s32 $0xFFFFF000  }
0x57: {  	[tilespmem:s9], [sflag:$0x1] =	stream.strided.gather [hbm4b:s12+s19], $0x4000, s20, s19, $0x38;
	[tilespmem:$0xBA00] =	vst v63  }
0x58: {  	_ =	swait.ge [sflag:s21], $0x4000  }
0x59: {  	[sflag:s21] =	ssyncset.done $0x0  }
0x5a: {  	s12 =	rddreg [dreg:$0x8];
	[sflag:s21] =	ssyncadd.s32 $0xFFFFC000  }
0x5b: {  	[tilespmem:s23], [sflag:$0x1] =	stream.linear.gather [hbm4b:s12+s9], $0x100, $0x38;
	[tilespmem:$0xBA00] =	vst v63  }
0x5c: {  	_ =	swait.ge [sflag:s21], $0x100  }
0x5d: {  	[sflag:s21] =	ssyncset.done $0x0  }
0x5e: {  	s12 =	rddreg [dreg:$0x9];
	[sflag:s21] =	ssyncadd.s32 $0xFFFFFF00  }
0x5f: {  	[tilespmem:s24], [sflag:$0x1] =	stream.linear.gather [hbm4b:s12+s9], $0x100, $0x38;
	[tilespmem:$0xBA00] =	vst v63  }
0x60: {  	_ =	swait.ge [sflag:s21], $0x100  }
0x61: {  	[sflag:s21] =	ssyncset.done $0x0  }
0x62: {  	[sflag:s21] =	ssyncadd.s32 $0xFFFFFF00  }
0x63: {  	[bflag:$0x0] =	sbarrier.arrive $0xFFFF  }
0x64: {  	[spmem:s10] =	stream.indirect.scatter.add.f32 [tilespmem:s9], [sflag:$0x1], $0x40, s23, s20, $0xb8;
	[tilespmem:$0xBA00] =	vst v63  }
0x65: {  	_ =	swait.ge [sflag:s21], $0x2000  }
0x66: {  	[sflag:s21] =	ssyncset.done $0x0  }
0x67: {  	[sflag:s21] =	ssyncadd.s32 $0xFFFFE000  }
0x68: {  	[spmem:s14] =	stream.indirect.scatter.add.f32 [tilespmem:s22], [sflag:$0x1], $0x10, s23, s20, $0xb8;
	[tilespmem:$0xBA00] =	vst v63  }
0x69: {  	_ =	swait.ge [sflag:s21], $0x800  }
0x6a: {  	[sflag:s21] =	ssyncset.done $0x0  }
0x6b: {  	[sflag:s21] =	ssyncadd.s32 $0xFFFFF800  }
0x6c: {  	[spmem:s10] =	stream.indirect.scatter.add.f32 [tilespmem:s26], [sflag:$0x1], $0x40, s25, s20, $0xb8;
	[tilespmem:$0xBA00] =	vst v63  }
0x6d: {  	_ =	swait.ge [sflag:s21], $0x2000  }
0x6e: {  	[sflag:s21] =	ssyncset.done $0x0  }
0x6f: {  	[sflag:s21] =	ssyncadd.s32 $0xFFFFE000  }
0x70: {  	[spmem:s14] =	stream.indirect.scatter.add.f32 [tilespmem:s28], [sflag:$0x1], $0x10, s25, s20, $0xb8;
	[tilespmem:$0xBA00] =	vst v63  }
0x71: {  	_ =	swait.ge [sflag:s21], $0x800  }
0x72: {  	[sflag:s21] =	ssyncset.done $0x0  }
0x73: {  	[sflag:s21] =	ssyncadd.s32 $0xFFFFF800  }
0x74: {  	[bflag:$0x0] =	sbarrier.arrive $0xFFFF  }
0x75: {  	[tilespmem:s9], [sflag:$0x1] =	stream.linear.gather [spmem:s16], $0x4000, $0x38;
	[tilespmem:$0xBA00] =	vst v63  }
0x76: {  	_ =	swait.ge [sflag:s21], $0x4000  }
0x77: {  	[sflag:s21] =	ssyncset.done $0x0  }
0x78: {  	[sflag:s21] =	ssyncadd.s32 $0xFFFFC000  }
0x79: {  	[tilespmem:s29], [sflag:$0x1] =	stream.linear.gather [spmem:s17], $0x1000, $0x38;
	[tilespmem:$0xBA00] =	vst v63  }
0x7a: {  	_ =	swait.ge [sflag:s21], $0x1000  }
0x7b: {  	[sflag:s21] =	ssyncset.done $0x0  }
0x7c: {  	s12 =	simm.s32 $0x0;
	[sflag:s21] =	ssyncadd.s32 $0xFFFFF000  }
0x7d: {  	v2 =	vld [tilespmem:s12+$0x4000];
	_ =	sdelay $0x4  }
0x7e: {  	(erf) = vrcp.f32 v2;
	_ =	sdelay $0x3  }
0x7f: {  	s9 =	simm.s32 $0x20  }
0x80: {  	v2 =	vld [tilespmem:s9+$0xFFFFFFE0]  }
0x81: {  	v3 =	vld [tilespmem:s9+$0xFFFFFFF0]  }
0x82: {  	v4 =	vld [tilespmem:s9+$0x0]  }
0x83: {  	v5 =	vld [tilespmem:s9+$0x10]  }
0x84: {  	v6 =	vpop (erf)  }
0x85: {  	v2 =	vmul.f32 v6, v2  }
0x86: {  	v3 =	vmul.f32 v3, v6  }
0x87: {  	v4 =	vmul.f32 v4, v6;
	[tilespmem:s9+$0xFFFFFFE0] =	vst v2  }
0x88: {  	v2 =	vmul.f32 v5, v6;
	[tilespmem:s9+$0xFFFFFFF0] =	vst v3  }
0x89: {  	[tilespmem:s9+$0x0] =	vst v4  }
0x8a: {  	s11 =	simm.s32 $0x80;
	s12 =	simm.s32 $0x10;
	[tilespmem:s9+$0x10] =	vst v2  }
.LBB2_6:
0x8b: {  	p0 =	sne.s32 s11, $0x3FC0;
	v2 =	vld [tilespmem:s12+$0x4000];
	_ =	sdelay $0x4  }
0x8c: {  	(erf) = vrcp.f32 v2;
	_ =	sdelay $0x1  }
0x8d: {  	s9 =	sadd.s32 $0x40, s9  }
0x8e: {  	v2 =	vld [tilespmem:s9+$0xFFFFFFF0]  }
0x8f: {  	v3 =	vld [tilespmem:s9+$0x10]  }
0x90: {  	v4 =	vld [tilespmem:s9+$0xFFFFFFE0]  }
0x91: {  	v5 =	vld [tilespmem:s9+$0x0];
	_ =	sdelay $0x2  }
0x92: {  	v6 =	vpop (erf)  }
0x93: {  	v4 =	vmul.f32 v6, v4;
	v2 =	vmul.f32 v2, v6  }
.Ltmp2:
0x94: {  	v3 =	vmul.f32 v3, v6;
	v5 =	vmul.f32 v5, v6;
	(pc) =	sbr.rel @p0 .LBB2_6-.Ltmp2, $4  }
0x95: {  	[tilespmem:s9+$0xFFFFFFE0] =	vst v4  }
0x96: {  	[tilespmem:s9+$0xFFFFFFF0] =	vst v2  }
0x97: {  	[tilespmem:s9+$0x0] =	vst v5  }
0x98: {  	s12 =	sshra.s32 s11, $0x2;
	s11 =	sadd.s32 $0x40, s11;
	[tilespmem:s9+$0x10] =	vst v3  }
0x99: {  	v2 =	vld [tilespmem:s12+$0x4000];
	_ =	sdelay $0x4  }
0x9a: {  	(erf) = vrcp.f32 v2;
	_ =	sdelay $0x3  }
0x9b: {  	s9 =	sadd.s32 $0x40, s9  }
0x9c: {  	v2 =	vld [tilespmem:s9+$0xFFFFFFE0]  }
0x9d: {  	v3 =	vld [tilespmem:s9+$0xFFFFFFF0]  }
0x9e: {  	v4 =	vld [tilespmem:s9+$0x0]  }
0x9f: {  	v5 =	vld [tilespmem:s9+$0x10]  }
0xa0: {  	v6 =	vpop (erf)  }
0xa1: {  	v2 =	vmul.f32 v6, v2  }
0xa2: {  	v3 =	vmul.f32 v3, v6  }
0xa3: {  	v4 =	vmul.f32 v4, v6;
	[tilespmem:s9+$0xFFFFFFE0] =	vst v2  }
0xa4: {  	v2 =	vmul.f32 v5, v6;
	[tilespmem:s9+$0xFFFFFFF0] =	vst v3  }
0xa5: {  	[tilespmem:s9+$0x0] =	vst v4  }
0xa6: {  	[tilespmem:s9+$0x10] =	vst v2;
	s9 =	simm.s32 $0x0  }
0xa7: {  	[spmem:s16] =	stream.linear.scatter [tilespmem:s9], [sflag:$0x1], $0x4000, $0x38;
	[tilespmem:$0xBA00] =	vst v63  }
0xa8: {  	_ =	swait.ge [sflag:s21], $0x4000  }
0xa9: {  	[sflag:s21] =	ssyncset.done $0x0  }
0xaa: {  	s11 =	rddreg [dreg:$0xa];
	[sflag:s21] =	ssyncadd.s32 $0xFFFFC000  }
0xab: {  	[hbm4b:s11+s9] =	stream.linear.scatter [tilespmem:s9], [sflag:$0x1], $0x4000, $0x38;
	[tilespmem:$0xBA00] =	vst v63  }
0xac: {  	_ =	swait.ge [sflag:s21], $0x4000  }
0xad: {  	[sflag:s21] =	ssyncset.done $0x0  }
0xae: {  	s12 =	rddreg [dreg:$0xb];
	[sflag:s21] =	ssyncadd.s32 $0xFFFFC000  }
0xaf: {  	[hbm4b:s12+s19] =	stream.strided.scatter [tilespmem:s9], [sflag:$0x1], $0x800, s30, s19, $0x38;
	[tilespmem:$0xBA00] =	vst v63  }
0xb0: {  	_ =	swait.ge [sflag:s21], $0x800  }
0xb1: {  	[sflag:s21] =	ssyncset.done $0x0  }
0xb2: {  	s12 =	rddreg [dreg:$0x14];
	[sflag:s21] =	ssyncadd.s32 $0xFFFFF800  }
0xb3: {  	[hbm4b:s12+s19] =	stream.strided.scatter [tilespmem:s31], [sflag:$0x1], $0x800, s30, s19, $0x38;
	[tilespmem:$0xBA00] =	vst v63  }
0xb4: {  	_ =	swait.ge [sflag:s21], $0x800  }
0xb5: {  	[sflag:s21] =	ssyncset.done $0x0  }
0xb6: {  	s12 =	rddreg [dreg:$0x18];
	[sflag:s21] =	ssyncadd.s32 $0xFFFFF800  }
0xb7: {  	[hbm4b:s12+s19] =	stream.strided.scatter [tilespmem:s26], [sflag:$0x1], $0x800, s30, s19, $0x38;
	[tilespmem:$0xBA00] =	vst v63  }
0xb8: {  	_ =	swait.ge [sflag:s21], $0x800  }
0xb9: {  	[sflag:s21] =	ssyncset.done $0x0  }
0xba: {  	s12 =	rddreg [dreg:$0x1c];
	[sflag:s21] =	ssyncadd.s32 $0xFFFFF800  }
0xbb: {  	[hbm4b:s12+s19] =	stream.strided.scatter [tilespmem:s0], [sflag:$0x1], $0x800, s30, s19, $0x38;
	[tilespmem:$0xBA00] =	vst v63  }
0xbc: {  	_ =	swait.ge [sflag:s21], $0x800  }
0xbd: {  	[sflag:s21] =	ssyncset.done $0x0  }
0xbe: {  	[sflag:s21] =	ssyncadd.s32 $0xFFFFF800  }
0xbf: {  	[bflag:$0x0] =	sbarrier.arrive $0xFFFF  }
0xc0: {  	[tilespmem:s9], [sflag:$0x1] =	stream.indirect.gather [spmem:s10], $0x40, s24, s20, $0xb8;
	[tilespmem:$0xBA00] =	vst v63  }
0xc1: {  	_ =	swait.ge [sflag:s21], $0x2000  }
0xc2: {  	[sflag:s21] =	ssyncset.done $0x0  }
0xc3: {  	[sflag:s21] =	ssyncadd.s32 $0xFFFFE000  }
0xc4: {  	[tilespmem:s26], [sflag:$0x1] =	stream.indirect.gather [spmem:s10], $0x40, s2, s20, $0xb8;
	[tilespmem:$0xBA00] =	vst v63  }
0xc5: {  	_ =	swait.ge [sflag:s21], $0x2000  }
0xc6: {  	[sflag:s21] =	ssyncset.done $0x0  }
0xc7: {  	s12 =	rddreg [dreg:$0x11];
	[sflag:s21] =	ssyncadd.s32 $0xFFFFE000  }
0xc8: {  	[hbm4b:s12+s19] =	stream.strided.scatter [tilespmem:s9], [sflag:$0x1], $0x800, s30, s19, $0x38;
	[tilespmem:$0xBA00] =	vst v63  }
0xc9: {  	_ =	swait.ge [sflag:s21], $0x800  }
0xca: {  	[sflag:s21] =	ssyncset.done $0x0  }
0xcb: {  	s12 =	rddreg [dreg:$0x12];
	[sflag:s21] =	ssyncadd.s32 $0xFFFFF800  }
0xcc: {  	[hbm4b:s12+s19] =	stream.strided.scatter [tilespmem:s26], [sflag:$0x1], $0x800, s30, s19, $0x38;
	[tilespmem:$0xBA00] =	vst v63  }
0xcd: {  	_ =	swait.ge [sflag:s21], $0x800  }
0xce: {  	[sflag:s21] =	ssyncset.done $0x0  }
0xcf: {  	s12 =	rddreg [dreg:$0x15];
	[sflag:s21] =	ssyncadd.s32 $0xFFFFF800  }
0xd0: {  	[hbm4b:s12+s19] =	stream.strided.scatter [tilespmem:s3], [sflag:$0x1], $0x800, s30, s19, $0x38;
	[tilespmem:$0xBA00] =	vst v63  }
0xd1: {  	_ =	swait.ge [sflag:s21], $0x800  }
0xd2: {  	[sflag:s21] =	ssyncset.done $0x0  }
0xd3: {  	s12 =	rddreg [dreg:$0x16];
	[sflag:s21] =	ssyncadd.s32 $0xFFFFF800  }
0xd4: {  	[hbm4b:s12+s19] =	stream.strided.scatter [tilespmem:s4], [sflag:$0x1], $0x800, s30, s19, $0x38;
	[tilespmem:$0xBA00] =	vst v63  }
0xd5: {  	_ =	swait.ge [sflag:s21], $0x800  }
0xd6: {  	[sflag:s21] =	ssyncset.done $0x0  }
0xd7: {  	s12 =	rddreg [dreg:$0x19];
	[sflag:s21] =	ssyncadd.s32 $0xFFFFF800  }
0xd8: {  	[hbm4b:s12+s19] =	stream.strided.scatter [tilespmem:s31], [sflag:$0x1], $0x800, s30, s19, $0x38;
	[tilespmem:$0xBA00] =	vst v63  }
0xd9: {  	_ =	swait.ge [sflag:s21], $0x800  }
0xda: {  	[sflag:s21] =	ssyncset.done $0x0  }
0xdb: {  	s12 =	rddreg [dreg:$0x1a];
	[sflag:s21] =	ssyncadd.s32 $0xFFFFF800  }
0xdc: {  	[hbm4b:s12+s19] =	stream.strided.scatter [tilespmem:s0], [sflag:$0x1], $0x800, s30, s19, $0x38;
	[tilespmem:$0xBA00] =	vst v63  }
0xdd: {  	_ =	swait.ge [sflag:s21], $0x800  }
0xde: {  	[sflag:s21] =	ssyncset.done $0x0  }
0xdf: {  	s12 =	rddreg [dreg:$0x1d];
	[sflag:s21] =	ssyncadd.s32 $0xFFFFF800  }
0xe0: {  	[hbm4b:s12+s19] =	stream.strided.scatter [tilespmem:s5], [sflag:$0x1], $0x800, s30, s19, $0x38;
	[tilespmem:$0xBA00] =	vst v63  }
0xe1: {  	_ =	swait.ge [sflag:s21], $0x800  }
0xe2: {  	[sflag:s21] =	ssyncset.done $0x0  }
0xe3: {  	s12 =	rddreg [dreg:$0x1e];
	[sflag:s21] =	ssyncadd.s32 $0xFFFFF800  }
0xe4: {  	[hbm4b:s12+s19] =	stream.strided.scatter [tilespmem:s6], [sflag:$0x1], $0x800, s30, s19, $0x38;
	[tilespmem:$0xBA00] =	vst v63  }
0xe5: {  	_ =	swait.ge [sflag:s21], $0x800  }
0xe6: {  	[sflag:s21] =	ssyncset.done $0x0  }
0xe7: {  	[sflag:s21] =	ssyncadd.s32 $0xFFFFF800  }
0xe8: {  	[bflag:$0x0] =	sbarrier.arrive $0xFFFF  }
0xe9: {  	s12 =	rddreg [dreg:$0xf]  }
0xea: {  	[tilespmem:s9], [sflag:$0x1] =	stream.strided.gather [hbm4b:s12+s19], $0x4000, s20, s19, $0x38;
	[tilespmem:$0xBA00] =	vst v63  }
0xeb: {  	_ =	swait.ge [sflag:s21], $0x4000  }
0xec: {  	[sflag:s21] =	ssyncset.done $0x0  }
0xed: {  	[sflag:s21] =	ssyncadd.s32 $0xFFFFC000  }
0xee: {  	[spmem:s16] =	stream.linear.scatter [tilespmem:s9], [sflag:$0x1], $0x4000, $0x38;
	[tilespmem:$0xBA00] =	vst v63  }
0xef: {  	_ =	swait.ge [sflag:s21], $0x4000  }
0xf0: {  	[sflag:s21] =	ssyncset.done $0x0  }
0xf1: {  	[sflag:s21] =	ssyncadd.s32 $0xFFFFC000  }
0xf2: {  	[spmem:s17] =	stream.linear.scatter [tilespmem:s22], [sflag:$0x1], $0x1000, $0x38;
	[tilespmem:$0xBA00] =	vst v63  }
0xf3: {  	_ =	swait.ge [sflag:s21], $0x1000  }
0xf4: {  	[sflag:s21] =	ssyncset.done $0x0  }
0xf5: {  	s12 =	rddreg [dreg:$0x10];
	[sflag:s21] =	ssyncadd.s32 $0xFFFFF000  }
0xf6: {  	[tilespmem:s9], [sflag:$0x1] =	stream.strided.gather [hbm4b:s12+s19], $0x4000, s20, s19, $0x38;
	[tilespmem:$0xBA00] =	vst v63  }
0xf7: {  	_ =	swait.ge [sflag:s21], $0x4000  }
0xf8: {  	[sflag:s21] =	ssyncset.done $0x0  }
0xf9: {  	s12 =	rddreg [dreg:$0xc];
	[sflag:s21] =	ssyncadd.s32 $0xFFFFC000  }
0xfa: {  	[tilespmem:s23], [sflag:$0x1] =	stream.linear.gather [hbm4b:s12+s9], $0x100, $0x38;
	[tilespmem:$0xBA00] =	vst v63  }
0xfb: {  	_ =	swait.ge [sflag:s21], $0x100  }
0xfc: {  	[sflag:s21] =	ssyncset.done $0x0  }
0xfd: {  	s12 =	rddreg [dreg:$0xd];
	[sflag:s21] =	ssyncadd.s32 $0xFFFFFF00  }
0xfe: {  	[tilespmem:s24], [sflag:$0x1] =	stream.linear.gather [hbm4b:s12+s9], $0x100, $0x38;
	[tilespmem:$0xBA00] =	vst v63  }
0xff: {  	_ =	swait.ge [sflag:s21], $0x100  }
0x100: {  	[sflag:s21] =	ssyncset.done $0x0  }
0x101: {  	[sflag:s21] =	ssyncadd.s32 $0xFFFFFF00  }
0x102: {  	[bflag:$0x0] =	sbarrier.arrive $0xFFFF  }
0x103: {  	[spmem:s10] =	stream.indirect.scatter.add.f32 [tilespmem:s9], [sflag:$0x1], $0x40, s23, s20, $0xb8;
	[tilespmem:$0xBA00] =	vst v63  }
0x104: {  	_ =	swait.ge [sflag:s21], $0x2000  }
0x105: {  	[sflag:s21] =	ssyncset.done $0x0  }
0x106: {  	[sflag:s21] =	ssyncadd.s32 $0xFFFFE000  }
0x107: {  	[spmem:s14] =	stream.indirect.scatter.add.f32 [tilespmem:s22], [sflag:$0x1], $0x10, s23, s20, $0xb8;
	[tilespmem:$0xBA00] =	vst v63  }
0x108: {  	_ =	swait.ge [sflag:s21], $0x800  }
0x109: {  	[sflag:s21] =	ssyncset.done $0x0  }
0x10a: {  	[sflag:s21] =	ssyncadd.s32 $0xFFFFF800  }
0x10b: {  	[spmem:s10] =	stream.indirect.scatter.add.f32 [tilespmem:s26], [sflag:$0x1], $0x40, s25, s20, $0xb8;
	[tilespmem:$0xBA00] =	vst v63  }
0x10c: {  	_ =	swait.ge [sflag:s21], $0x2000  }
0x10d: {  	[sflag:s21] =	ssyncset.done $0x0  }
0x10e: {  	[sflag:s21] =	ssyncadd.s32 $0xFFFFE000  }
0x10f: {  	[spmem:s14] =	stream.indirect.scatter.add.f32 [tilespmem:s28], [sflag:$0x1], $0x10, s25, s20, $0xb8;
	[tilespmem:$0xBA00] =	vst v63  }
0x110: {  	_ =	swait.ge [sflag:s21], $0x800  }
0x111: {  	[sflag:s21] =	ssyncset.done $0x0  }
0x112: {  	[sflag:s21] =	ssyncadd.s32 $0xFFFFF800  }
0x113: {  	[bflag:$0x0] =	sbarrier.arrive $0xFFFF  }
0x114: {  	[tilespmem:s9], [sflag:$0x1] =	stream.linear.gather [spmem:s16], $0x4000, $0x38;
	[tilespmem:$0xBA00] =	vst v63  }
0x115: {  	_ =	swait.ge [sflag:s21], $0x4000  }
0x116: {  	[sflag:s21] =	ssyncset.done $0x0  }
0x117: {  	[sflag:s21] =	ssyncadd.s32 $0xFFFFC000  }
0x118: {  	[tilespmem:s29], [sflag:$0x1] =	stream.linear.gather [spmem:s17], $0x1000, $0x38;
	[tilespmem:$0xBA00] =	vst v63  }
0x119: {  	_ =	swait.ge [sflag:s21], $0x1000  }
0x11a: {  	[sflag:s21] =	ssyncset.done $0x0  }
0x11b: {  	s12 =	simm.s32 $0x0;
	[sflag:s21] =	ssyncadd.s32 $0xFFFFF000  }
0x11c: {  	v2 =	vld [tilespmem:s12+$0x4000];
	_ =	sdelay $0x4  }
0x11d: {  	(erf) = vrcp.f32 v2;
	_ =	sdelay $0x3  }
0x11e: {  	s9 =	simm.s32 $0x20  }
0x11f: {  	v2 =	vld [tilespmem:s9+$0xFFFFFFE0]  }
0x120: {  	v3 =	vld [tilespmem:s9+$0xFFFFFFF0]  }
0x121: {  	v61 =	vld [tilespmem:s9+$0x0]  }
0x122: {  	v62 =	vld [tilespmem:s9+$0x10]  }
0x123: {  	v63 =	vpop (erf)  }
0x124: {  	v2 =	vmul.f32 v63, v2  }
0x125: {  	v3 =	vmul.f32 v3, v63  }
0x126: {  	v4 =	vmul.f32 v61, v63;
	[tilespmem:s9+$0xFFFFFFE0] =	vst v2  }
0x127: {  	v2 =	vmul.f32 v62, v63;
	[tilespmem:s9+$0xFFFFFFF0] =	vst v3  }
0x128: {  	[tilespmem:s9+$0x0] =	vst v4  }
0x129: {  	s11 =	simm.s32 $0x80;
	s12 =	simm.s32 $0x10;
	[tilespmem:s9+$0x10] =	vst v2  }
.LBB2_8:
0x12a: {  	p0 =	sne.s32 s11, $0x3FC0;
	v2 =	vld [tilespmem:s12+$0x4000];
	_ =	sdelay $0x4  }
0x12b: {  	(erf) = vrcp.f32 v2;
	_ =	sdelay $0x1  }
0x12c: {  	s9 =	sadd.s32 $0x40, s9  }
0x12d: {  	v2 =	vld [tilespmem:s9+$0xFFFFFFF0]  }
0x12e: {  	v3 =	vld [tilespmem:s9+$0x10]  }
0x12f: {  	v4 =	vld [tilespmem:s9+$0xFFFFFFE0]  }
0x130: {  	v5 =	vld [tilespmem:s9+$0x0];
	_ =	sdelay $0x2  }
0x131: {  	v6 =	vpop (erf)  }
0x132: {  	v4 =	vmul.f32 v6, v4;
	v2 =	vmul.f32 v2, v6  }
.Ltmp3:
0x133: {  	v3 =	vmul.f32 v3, v6;
	v5 =	vmul.f32 v5, v6;
	(pc) =	sbr.rel @p0 .LBB2_8-.Ltmp3, $4  }
0x134: {  	[tilespmem:s9+$0xFFFFFFE0] =	vst v4  }
0x135: {  	[tilespmem:s9+$0xFFFFFFF0] =	vst v2  }
0x136: {  	[tilespmem:s9+$0x0] =	vst v5  }
0x137: {  	s12 =	sshra.s32 s11, $0x2;
	s11 =	sadd.s32 $0x40, s11;
	[tilespmem:s9+$0x10] =	vst v3  }
0x138: {  	v2 =	vld [tilespmem:s12+$0x4000];
	_ =	sdelay $0x4  }
0x139: {  	(erf) = vrcp.f32 v2;
	_ =	sdelay $0x3  }
0x13a: {  	s9 =	sadd.s32 $0x40, s9  }
0x13b: {  	v2 =	vld [tilespmem:s9+$0xFFFFFFE0]  }
0x13c: {  	v3 =	vld [tilespmem:s9+$0xFFFFFFF0]  }
0x13d: {  	v4 =	vld [tilespmem:s9+$0x0]  }
0x13e: {  	v5 =	vld [tilespmem:s9+$0x10]  }
0x13f: {  	v6 =	vpop (erf)  }
0x140: {  	v2 =	vmul.f32 v6, v2  }
0x141: {  	v3 =	vmul.f32 v3, v6  }
0x142: {  	v4 =	vmul.f32 v4, v6;
	[tilespmem:s9+$0xFFFFFFE0] =	vst v2  }
0x143: {  	v2 =	vmul.f32 v5, v6;
	[tilespmem:s9+$0xFFFFFFF0] =	vst v3  }
0x144: {  	[tilespmem:s9+$0x0] =	vst v4  }
0x145: {  	[tilespmem:s9+$0x10] =	vst v2  }
0x146: {  	[spmem:s16] =	stream.linear.scatter [tilespmem:s1], [sflag:$0x1], $0x4000, $0x38;
	[tilespmem:$0xBA00] =	vst v63  }
0x147: {  	_ =	swait.ge [sflag:s21], $0x4000  }
0x148: {  	[sflag:s21] =	ssyncset.done $0x0  }
0x149: {  	s12 =	rddreg [dreg:$0xe];
	[sflag:s21] =	ssyncadd.s32 $0xFFFFC000  }
0x14a: {  	[hbm4b:s12+s1] =	stream.linear.scatter [tilespmem:s1], [sflag:$0x1], $0x4000, $0x38;
	[tilespmem:$0xBA00] =	vst v63  }
0x14b: {  	_ =	swait.ge [sflag:s21], $0x4000  }
0x14c: {  	[sflag:s21] =	ssyncset.done $0x0  }
0x14d: {  	s11 =	rddreg [dreg:$0x13];
	[sflag:s21] =	ssyncadd.s32 $0xFFFFC000  }
0x14e: {  	[hbm4b:s11+s19] =	stream.strided.scatter [tilespmem:s1], [sflag:$0x1], $0x800, s30, s19, $0x38;
	[tilespmem:$0xBA00] =	vst v63  }
0x14f: {  	_ =	swait.ge [sflag:s21], $0x800  }
0x150: {  	[sflag:s21] =	ssyncset.done $0x0  }
0x151: {  	s12 =	rddreg [dreg:$0x17];
	[sflag:s21] =	ssyncadd.s32 $0xFFFFF800  }
0x152: {  	[hbm4b:s12+s19] =	stream.strided.scatter [tilespmem:s31], [sflag:$0x1], $0x800, s30, s19, $0x38;
	[tilespmem:$0xBA00] =	vst v63  }
0x153: {  	_ =	swait.ge [sflag:s21], $0x800  }
0x154: {  	[sflag:s21] =	ssyncset.done $0x0  }
0x155: {  	s11 =	rddreg [dreg:$0x1b];
	[sflag:s21] =	ssyncadd.s32 $0xFFFFF800  }
0x156: {  	[hbm4b:s11+s19] =	stream.strided.scatter [tilespmem:s26], [sflag:$0x1], $0x800, s30, s19, $0x38;
	[tilespmem:$0xBA00] =	vst v63  }
0x157: {  	_ =	swait.ge [sflag:s21], $0x800  }
0x158: {  	[sflag:s21] =	ssyncset.done $0x0  }
0x159: {  	s12 =	rddreg [dreg:$0x1f];
	[sflag:s21] =	ssyncadd.s32 $0xFFFFF800  }
0x15a: {  	[hbm4b:s12+s19] =	stream.strided.scatter [tilespmem:s0], [sflag:$0x1], $0x800, s30, s19, $0x38;
	[tilespmem:$0xBA00] =	vst v63  }
0x15b: {  	_ =	swait.ge [sflag:s21], $0x800  }
0x15c: {  	s11 =	sld [smem:$0x7F0]  }
0x15d: {  	[sflag:s21] =	ssyncset.done $0x0  }
0x15e: {  	[sflag:s21] =	ssyncadd.s32 $0xFFFFF800  }
0x15f: {  	[hbm4b:s11+s19] =	stream.strided.scatter [tilespmem:s7], [sflag:$0x1], $0x800, s30, s19, $0x38;
	[tilespmem:$0xBA00] =	vst v63  }
0x160: {  	_ =	swait.ge [sflag:s21], $0x800  }
0x161: {  	s12 =	sld [smem:$0x7F4]  }
0x162: {  	[sflag:s21] =	ssyncset.done $0x0  }
0x163: {  	[sflag:s21] =	ssyncadd.s32 $0xFFFFF800  }
0x164: {  	[hbm4b:s12+s19] =	stream.strided.scatter [tilespmem:s7], [sflag:$0x1], $0x800, s30, s19, $0x38;
	[tilespmem:$0xBA00] =	vst v63  }
0x165: {  	_ =	swait.ge [sflag:s21], $0x800  }
0x166: {  	s11 =	sld [smem:$0x7F1]  }
0x167: {  	[sflag:s21] =	ssyncset.done $0x0  }
0x168: {  	[sflag:s21] =	ssyncadd.s32 $0xFFFFF800  }
0x169: {  	[hbm4b:s11+s19] =	stream.strided.scatter [tilespmem:s7], [sflag:$0x1], $0x800, s30, s19, $0x38;
	[tilespmem:$0xBA00] =	vst v63  }
0x16a: {  	_ =	swait.ge [sflag:s21], $0x800  }
0x16b: {  	s12 =	sld [smem:$0x7F5]  }
0x16c: {  	[sflag:s21] =	ssyncset.done $0x0  }
0x16d: {  	[sflag:s21] =	ssyncadd.s32 $0xFFFFF800  }
0x16e: {  	[hbm4b:s12+s19] =	stream.strided.scatter [tilespmem:s7], [sflag:$0x1], $0x800, s30, s19, $0x38;
	[tilespmem:$0xBA00] =	vst v63  }
0x16f: {  	_ =	swait.ge [sflag:s21], $0x800  }
0x170: {  	s11 =	sld [smem:$0x7F2]  }
0x171: {  	[sflag:s21] =	ssyncset.done $0x0  }
0x172: {  	[sflag:s21] =	ssyncadd.s32 $0xFFFFF800  }
0x173: {  	[hbm4b:s11+s19] =	stream.strided.scatter [tilespmem:s7], [sflag:$0x1], $0x800, s30, s19, $0x38;
	[tilespmem:$0xBA00] =	vst v63  }
0x174: {  	_ =	swait.ge [sflag:s21], $0x800  }
0x175: {  	s12 =	sld [smem:$0x7F6]  }
0x176: {  	[sflag:s21] =	ssyncset.done $0x0  }
0x177: {  	[sflag:s21] =	ssyncadd.s32 $0xFFFFF800  }
0x178: {  	[hbm4b:s12+s19] =	stream.strided.scatter [tilespmem:s7], [sflag:$0x1], $0x800, s30, s19, $0x38;
	[tilespmem:$0xBA00] =	vst v63  }
0x179: {  	_ =	swait.ge [sflag:s21], $0x800  }
0x17a: {  	s11 =	sld [smem:$0x7F3]  }
0x17b: {  	[sflag:s21] =	ssyncset.done $0x0  }
0x17c: {  	[sflag:s21] =	ssyncadd.s32 $0xFFFFF800  }
0x17d: {  	[hbm4b:s11+s19] =	stream.strided.scatter [tilespmem:s7], [sflag:$0x1], $0x800, s30, s19, $0x38;
	[tilespmem:$0xBA00] =	vst v63  }
0x17e: {  	_ =	swait.ge [sflag:s21], $0x800  }
0x17f: {  	s12 =	sld [smem:$0x7F7]  }
0x180: {  	[sflag:s21] =	ssyncset.done $0x0  }
0x181: {  	[sflag:s21] =	ssyncadd.s32 $0xFFFFF800  }
0x182: {  	[hbm4b:s12+s19] =	stream.strided.scatter [tilespmem:s7], [sflag:$0x1], $0x800, s30, s19, $0x38;
	[tilespmem:$0xBA00] =	vst v63  }
0x183: {  	_ =	swait.ge [sflag:s21], $0x800  }
0x184: {  	[sflag:s21] =	ssyncset.done $0x0  }
0x185: {  	[sflag:s21] =	ssyncadd.s32 $0xFFFFF800  }
0x186: {  	[bflag:$0x0] =	sbarrier.arrive $0xFFFF  }
0x187: {  	[tilespmem:s1], [sflag:$0x1] =	stream.indirect.gather [spmem:s10], $0x40, s24, s20, $0xb8;
	[tilespmem:$0xBA00] =	vst v63  }
0x188: {  	_ =	swait.ge [sflag:s21], $0x2000  }
0x189: {  	[sflag:s21] =	ssyncset.done $0x0  }
0x18a: {  	[sflag:s21] =	ssyncadd.s32 $0xFFFFE000  }
0x18b: {  	[tilespmem:s26], [sflag:$0x1] =	stream.indirect.gather [spmem:s10], $0x40, s2, s20, $0xb8;
	[tilespmem:$0xBA00] =	vst v63  }
0x18c: {  	_ =	swait.ge [sflag:s21], $0x2000  }
0x18d: {  	s11 =	sld [smem:$0x7F8]  }
0x18e: {  	[sflag:s21] =	ssyncset.done $0x0  }
0x18f: {  	[sflag:s21] =	ssyncadd.s32 $0xFFFFE000  }
0x190: {  	[hbm4b:s11+s19] =	stream.strided.scatter [tilespmem:s1], [sflag:$0x1], $0x800, s30, s19, $0x38;
	[tilespmem:$0xBA00] =	vst v63  }
0x191: {  	_ =	swait.ge [sflag:s21], $0x800  }
0x192: {  	s12 =	sld [smem:$0x7F9]  }
0x193: {  	[sflag:s21] =	ssyncset.done $0x0  }
0x194: {  	[sflag:s21] =	ssyncadd.s32 $0xFFFFF800  }
0x195: {  	[hbm4b:s12+s19] =	stream.strided.scatter [tilespmem:s26], [sflag:$0x1], $0x800, s30, s19, $0x38;
	[tilespmem:$0xBA00] =	vst v63  }
0x196: {  	_ =	swait.ge [sflag:s21], $0x800  }
0x197: {  	s11 =	sld [smem:$0x7FA]  }
0x198: {  	[sflag:s21] =	ssyncset.done $0x0  }
0x199: {  	[sflag:s21] =	ssyncadd.s32 $0xFFFFF800  }
0x19a: {  	[hbm4b:s11+s19] =	stream.strided.scatter [tilespmem:s3], [sflag:$0x1], $0x800, s30, s19, $0x38;
	[tilespmem:$0xBA00] =	vst v63  }
0x19b: {  	_ =	swait.ge [sflag:s21], $0x800  }
0x19c: {  	s12 =	sld [smem:$0x7FB]  }
0x19d: {  	[sflag:s21] =	ssyncset.done $0x0  }
0x19e: {  	[sflag:s21] =	ssyncadd.s32 $0xFFFFF800  }
0x19f: {  	[hbm4b:s12+s19] =	stream.strided.scatter [tilespmem:s4], [sflag:$0x1], $0x800, s30, s19, $0x38;
	[tilespmem:$0xBA00] =	vst v63  }
0x1a0: {  	_ =	swait.ge [sflag:s21], $0x800  }
0x1a1: {  	s11 =	sld [smem:$0x7FC]  }
0x1a2: {  	[sflag:s21] =	ssyncset.done $0x0  }
0x1a3: {  	[sflag:s21] =	ssyncadd.s32 $0xFFFFF800  }
0x1a4: {  	[hbm4b:s11+s19] =	stream.strided.scatter [tilespmem:s31], [sflag:$0x1], $0x800, s30, s19, $0x38;
	[tilespmem:$0xBA00] =	vst v63  }
0x1a5: {  	_ =	swait.ge [sflag:s21], $0x800  }
0x1a6: {  	s12 =	sld [smem:$0x7FD]  }
0x1a7: {  	[sflag:s21] =	ssyncset.done $0x0  }
0x1a8: {  	[sflag:s21] =	ssyncadd.s32 $0xFFFFF800  }
0x1a9: {  	[hbm4b:s12+s19] =	stream.strided.scatter [tilespmem:s0], [sflag:$0x1], $0x800, s30, s19, $0x38;
	[tilespmem:$0xBA00] =	vst v63  }
0x1aa: {  	_ =	swait.ge [sflag:s21], $0x800  }
0x1ab: {  	[sflag:s21] =	ssyncset.done $0x0  }
0x1ac: {  	[sflag:s21] =	ssyncadd.s32 $0xFFFFF800  }
0x1ad: {  	[hbm4b:s13+s19] =	stream.strided.scatter [tilespmem:s5], [sflag:$0x1], $0x800, s30, s19, $0x38;
	[tilespmem:$0xBA00] =	vst v63  }
0x1ae: {  	_ =	swait.ge [sflag:s21], $0x800  }
0x1af: {  	s8 =	sadd.s32 $0x1, s8;
	[sflag:s21] =	ssyncset.done $0x0  }
0x1b0: {  	p0 =	sne.s32 s8, s18;
	[sflag:s21] =	ssyncadd.s32 $0xFFFFF800  }
0x1b1: {  	[hbm4b:s15+s19] =	stream.strided.scatter [tilespmem:s6], [sflag:$0x1], $0x800, s30, s19, $0x38;
	[tilespmem:$0xBA00] =	vst v63  }
.Ltmp4:
0x1b2: {  	_ =	swait.ge [sflag:s21], $0x800;
	(pc) =	sbr.rel @p0 .LBB2_1-.Ltmp4, $3  }
0x1b3: {  	[sflag:s21] =	ssyncset.done $0x0  }
0x1b4: {  	[sflag:s21] =	ssyncadd.s32 $0xFFFFF800  }
0x1b5: {  	[bflag:$0x0] =	sbarrier.arrive $0xFFFF;
	_ =	sdelay $0x1  }
0x1b6: {  	_ =	sfence.sel $0x180000  }
0x1b7: {  	[bflag:$0x0] =	sbarrier.arrive $0xFFFF  }
0x1b8: {  	_ =	strace $0x90000047  }
0x1b9: {  	s0 =	stileid.u32;
	[bflag:$0x2] =	sbarrier.arrive $0xFFFF  }
0x1ba: {  	p0 =	sne.s32 s0, $0x0;
	s0 =	rddreg [dreg:$0x5]  }
0x1bb: {  	s0 =	sadd.s32 @!p0 $0x100000, s0  }
0x1bc: {  	[sflag:s0] =	ssyncadd.tile.s32 @!p0 $0x1;
	_ =	shalt  }
.Lfunc_end2:
_tile_overlayer_lowered:
.L_overlay_start_2:
0x1bd: {  	(tag) =	ssettag $0x2  }
0x1be: {  	s0 =	rddreg [dreg:$0x0];
	s2 =	stileid.u32  }
0x1bf: {  	s1 =	rddreg [dreg:$0x1];
	p0 =	sne.s32 s2, $0x0  }
0x1c0: {  	s3 =	rddreg [dreg:$0x2];
	[bflag:$0x3] =	sbarrier.arrive $0xFFFF;
	s2 =	simm.s32 @!p0 $0x1C01  }
0x1c1: {  	[timem:s3], [sflag:s2] =	dma.local @!p0 [hbm:s0], s1  }
0x1c2: {  	s0 =	simm.s32 @!p0 $0x1  }
0x1c3: {  	_ =	swait.ge @!p0 [sflag:s0], s1  }
0x1c4: {  	s1 =	ssub.s32 @!p0 $0x0, s1;
	[sflag:s0] =	ssyncset.done @!p0 $0x0  }
0x1c5: {  	[sflag:s0] =	ssyncadd.s32 @!p0 s1  }
0x1c6: {  	[bflag:$0x3] =	sbarrier.arrive $0xFFFF  }
0x1c7: {  	_ =	shalt  }

</sc_bundles>
